<compile_context>
chip_gen: v7x
topology: tpu7x:2x2x1
jax: 0.10.2.dev20260603
libtpu: 0.0.44.dev20260713+nightly
codegen_flags: <defaults>
</compile_context>

<pallas_src>
import functools

import jax
import jax.numpy as jnp
from jax import lax
from jax.experimental import pallas as pl
from jax.experimental.pallas import tpu as pltpu, tpu_sc as plsc

N = 10000
E = 320000
D = 128
SLOPE = 0.2

NC = 2
NS = 16
NW = NC * NS
EPT = E // NW
CHUNK = 80
CPB = 25
NBLK = EPT // (CHUNK * CPB)
NP = 10240
RPT = NP // NS
LANE = 16
NQ = D // LANE

_GDN = lax.GatherDimensionNumbers(
    offset_dims=(), collapsed_slice_dims=(0,), start_index_map=(0,))


def _splat(vec, r):
    idx = jnp.full((LANE, 1), r, jnp.int32)
    return lax.gather(vec, idx, _GDN, (1,),
                      mode=lax.GatherScatterMode.PROMISE_IN_BOUNDS)


@functools.partial(
    pl.kernel,
    out_type=jax.ShapeDtypeStruct((NC, NP, D), jnp.float32),
    mesh=plsc.VectorSubcoreMesh(core_axis_name="c", subcore_axis_name="s"),
    scratch_types=[
        pltpu.VMEM((CPB, CHUNK), jnp.int32),
        pltpu.VMEM((CPB, CHUNK), jnp.int32),
        pltpu.VMEM((CPB, CHUNK), jnp.float32),
        pltpu.VMEM((CHUNK, D), jnp.float32),
        pltpu.VMEM_SHARED((NP, D), jnp.float32),
        pltpu.SemaphoreType.DMA,
    ],
)
def _spmm_sc(rows_hbm, cols_hbm, vals_hbm, embeds_hbm, out_hbm,
             rows_v, cols_v, vals_v, gbuf, acc, sem):
    c = lax.axis_index("c")
    s = lax.axis_index("s")
    wid = c * NS + s

    zvec = jnp.zeros((LANE,), jnp.float32)

    def zero_row(r, _):
        for q in range(NQ):
            gbuf[r, pl.ds(q * LANE, LANE)] = zvec
        return 0

    lax.fori_loop(0, CHUNK, zero_row, 0)
    for k in range(RPT // CHUNK):
        pltpu.sync_copy(gbuf, acc.at[pl.ds(s * RPT + k * CHUNK, CHUNK)])
    plsc.subcore_barrier()

    def block_body(b, _):
        pltpu.sync_copy(rows_hbm.at[wid, b], rows_v)
        pltpu.sync_copy(cols_hbm.at[wid, b], cols_v)
        pltpu.sync_copy(vals_hbm.at[wid, b], vals_v)

        def chunk_body(j, _):
            pltpu.async_copy(embeds_hbm.at[cols_v.at[j]], gbuf, sem).wait()

            def grp_body(g, _):
                v16 = vals_v[j, pl.ds(g * LANE, LANE)]
                for r in range(LANE):
                    splat = _splat(v16, r)
                    row = g * LANE + r
                    for q in range(NQ):
                        gbuf[row, pl.ds(q * LANE, LANE)] = (
                            gbuf[row, pl.ds(q * LANE, LANE)] * splat)
                return 0

            lax.fori_loop(0, CHUNK // LANE, grp_body, 0)
            pltpu.sync_copy(gbuf, acc.at[rows_v.at[j]], add=True)
            return 0

        lax.fori_loop(0, CPB, chunk_body, 0)
        return 0

    lax.fori_loop(0, NBLK, block_body, 0)
    plsc.subcore_barrier()

    pltpu.sync_copy(acc.at[pl.ds(s * RPT, RPT)], out_hbm.at[c, pl.ds(s * RPT, RPT)])


_BLK = 640


def _combine_body(p_ref, o_ref):
    x = p_ref[0] + p_ref[1]
    o_ref[...] = jnp.maximum(x, SLOPE * x)


def _combine(partials):
    return pl.pallas_call(
        _combine_body,
        out_shape=jax.ShapeDtypeStruct((NP, D), jnp.float32),
        grid=(NP // _BLK,),
        in_specs=[pl.BlockSpec((NC, _BLK, D), lambda i: (0, i, 0))],
        out_specs=pl.BlockSpec((_BLK, D), lambda i: (i, 0)),
    )(partials)


def kernel(adj_indices, adj_values, embeds):
    rows = adj_indices[0].astype(jnp.int32).reshape(NW, NBLK, CPB, CHUNK)
    cols = adj_indices[1].astype(jnp.int32).reshape(NW, NBLK, CPB, CHUNK)
    vals = adj_values.reshape(NW, NBLK, CPB, CHUNK)
    partials = _spmm_sc(rows, cols, vals, embeds)
    return _combine(partials)[:N]

# --- scband reference (transcript-rebuilt; emitter-appended) ---
"""Pipeline reference for scband-gcnlayer-31628139168304 (READ-ONLY COPY).

The authoritative reference and input builder live on the scoring server;
editing this copy changes nothing except your own understanding.
"""

import jax, jax.numpy as jnp
import numpy as np

N = 10000
E = 320000
D = 128
SLOPE = 0.2

def setup_inputs(seed: int = 0) -> dict:
    key = jax.random.key(seed)
    k1, k2, k3 = jax.random.split(key, 3)
    adj_indices = jax.random.randint(k1, (2, E), 0, N, dtype=jnp.int64 if jax.config.jax_enable_x64 else jnp.int32)
    adj_values = jax.random.uniform(k2, (E,), dtype=jnp.float32)
    embeds = jax.random.normal(k3, (N, D), dtype=jnp.float32)
    return {"adj_indices": adj_indices, "adj_values": adj_values, "embeds": embeds}

def reference(adj_indices, adj_values, embeds):
    # torch.spmm(adj, embeds): adj is sparse COO [N, N] with indices adj_indices (row, col) and values adj_values.
    rows = adj_indices[0]
    cols = adj_indices[1]
    gathered = embeds[cols] * adj_values[:, None]          # gather by source node, scale by edge weight
    out = jnp.zeros((N, embeds.shape[1]), dtype=embeds.dtype).at[rows].add(gathered)  # scatter-add to dst node
    # nn.LeakyReLU(negative_slope=SLOPE)
    return jax.nn.leaky_relu(out, negative_slope=SLOPE)

if __name__ == "__main__":
    import jax
    _d = setup_inputs()
    print(jax.jit(kernel)(*tuple(_d.values())))

</pallas_src>

<mosaic_0001>
#map = affine_map<(d0, d1) -> (0, 0, 0, 0)>
#map1 = affine_map<(d0, d1) -> (0, 0)>
#map2 = affine_map<(d0, d1) -> (0, 0, 0)>
module attributes {stable_mosaic.version = 14 : i64} {
  func.func @_spmm_sc(%arg0: i32, %arg1: i32, %arg2: memref<32x5x25x80xi32, #tpu.memory_space<hbm>>, %arg3: memref<32x5x25x80xi32, #tpu.memory_space<hbm>>, %arg4: memref<32x5x25x80xf32, #tpu.memory_space<hbm>>, %arg5: memref<10000x128xf32, #tpu.memory_space<hbm>>, %arg6: memref<2x10240x128xf32, #tpu.memory_space<hbm>>, %arg7: memref<25x80xi32, #tpu.memory_space<vmem>>, %arg8: memref<25x80xi32, #tpu.memory_space<vmem>>, %arg9: memref<25x80xf32, #tpu.memory_space<vmem>>, %arg10: memref<80x128xf32, #tpu.memory_space<vmem>>, %arg11: memref<10240x128xf32, #tpu.memory_space<vmem_shared>>, %arg12: memref<!tpu.dma_semaphore, #tpu.memory_space<semaphore_mem>>) attributes {dimension_semantics = [#tpu.dimension_semantics<core_parallel>, #tpu.dimension_semantics<subcore_parallel>], iteration_bounds = array<i64: 2, 16>, scalar_prefetch = 0 : i64, scratch_operands = 6 : i64, tpu.core_type = #tpu.core_type<sc_vector_subcore>, window_params = [{transform_indices = #map}, {transform_indices = #map}, {transform_indices = #map}, {transform_indices = #map1}, {transform_indices = #map2}]} {
    %mul3A = arith.constant 16 : i32
    %mul3A_0 = arith.muli %arg0, %mul3A : i32
    %add3A = arith.addi %mul3A_0, %arg1 : i32
    %broadcast_in_dim3A = arith.constant 0.000000e+00 : f32
    %broadcast_in_dim3A_1 = vector.broadcast %broadcast_in_dim3A : f32 to vector<16xf32>
    %scan3A = arith.constant 0 : i32
    %scan3A_2 = arith.constant 0 : i32
    %scan3A_3 = arith.constant 80 : i32
    %scan3A_4 = arith.addi %scan3A_2, %scan3A_3 : i32
    %scan3A_5 = arith.constant 1 : i32
    %scan3A_6 = scf.for %scan3A_52 = %scan3A_2 to %scan3A_4 step %scan3A_5 iter_args(%scan3A_53 = %scan3A) -> (i32)  : i32 {
      %swap3A = arith.index_cast %scan3A_52 : i32 to index
      %swap3A_54 = arith.constant 0 : index
      %swap3A_55 = tpu.vector_load %arg10[%swap3A, %swap3A_54] {strides = array<i32>} : memref<80x128xf32, #tpu.memory_space<vmem>>, vector<1x16xf32>,
      %swap3A_56 = vector.shape_cast %swap3A_55 : vector<1x16xf32> to vector<16xf32>
      %swap3A_57 = vector.shape_cast %broadcast_in_dim3A_1 : vector<16xf32> to vector<1x16xf32>
      tpu.vector_store %arg10[%swap3A, %swap3A_54], %swap3A_57 {strides = array<i32>} : memref<80x128xf32, #tpu.memory_space<vmem>>, vector<1x16xf32>,
      %swap3A_58 = arith.index_cast %scan3A_52 : i32 to index
      %swap3A_59 = arith.constant 16 : index
      %swap3A_60 = tpu.vector_load %arg10[%swap3A_58, %swap3A_59] {strides = array<i32>} : memref<80x128xf32, #tpu.memory_space<vmem>>, vector<1x16xf32>,
      %swap3A_61 = vector.shape_cast %swap3A_60 : vector<1x16xf32> to vector<16xf32>
      %swap3A_62 = vector.shape_cast %broadcast_in_dim3A_1 : vector<16xf32> to vector<1x16xf32>
      tpu.vector_store %arg10[%swap3A_58, %swap3A_59], %swap3A_62 {strides = array<i32>} : memref<80x128xf32, #tpu.memory_space<vmem>>, vector<1x16xf32>,
      %swap3A_63 = arith.index_cast %scan3A_52 : i32 to index
      %swap3A_64 = arith.constant 32 : index
      %swap3A_65 = tpu.vector_load %arg10[%swap3A_63, %swap3A_64] {strides = array<i32>} : memref<80x128xf32, #tpu.memory_space<vmem>>, vector<1x16xf32>,
      %swap3A_66 = vector.shape_cast %swap3A_65 : vector<1x16xf32> to vector<16xf32>
      %swap3A_67 = vector.shape_cast %broadcast_in_dim3A_1 : vector<16xf32> to vector<1x16xf32>
      tpu.vector_store %arg10[%swap3A_63, %swap3A_64], %swap3A_67 {strides = array<i32>} : memref<80x128xf32, #tpu.memory_space<vmem>>, vector<1x16xf32>,
      %swap3A_68 = arith.index_cast %scan3A_52 : i32 to index
      %swap3A_69 = arith.constant 48 : index
      %swap3A_70 = tpu.vector_load %arg10[%swap3A_68, %swap3A_69] {strides = array<i32>} : memref<80x128xf32, #tpu.memory_space<vmem>>, vector<1x16xf32>,
      %swap3A_71 = vector.shape_cast %swap3A_70 : vector<1x16xf32> to vector<16xf32>
      %swap3A_72 = vector.shape_cast %broadcast_in_dim3A_1 : vector<16xf32> to vector<1x16xf32>
      tpu.vector_store %arg10[%swap3A_68, %swap3A_69], %swap3A_72 {strides = array<i32>} : memref<80x128xf32, #tpu.memory_space<vmem>>, vector<1x16xf32>,
      %swap3A_73 = arith.index_cast %scan3A_52 : i32 to index
      %swap3A_74 = arith.constant 64 : index
      %swap3A_75 = tpu.vector_load %arg10[%swap3A_73, %swap3A_74] {strides = array<i32>} : memref<80x128xf32, #tpu.memory_space<vmem>>, vector<1x16xf32>,
      %swap3A_76 = vector.shape_cast %swap3A_75 : vector<1x16xf32> to vector<16xf32>
      %swap3A_77 = vector.shape_cast %broadcast_in_dim3A_1 : vector<16xf32> to vector<1x16xf32>
      tpu.vector_store %arg10[%swap3A_73, %swap3A_74], %swap3A_77 {strides = array<i32>} : memref<80x128xf32, #tpu.memory_space<vmem>>, vector<1x16xf32>,
      %swap3A_78 = arith.index_cast %scan3A_52 : i32 to index
      %swap3A_79 = arith.constant 80 : index
      %swap3A_80 = tpu.vector_load %arg10[%swap3A_78, %swap3A_79] {strides = array<i32>} : memref<80x128xf32, #tpu.memory_space<vmem>>, vector<1x16xf32>,
      %swap3A_81 = vector.shape_cast %swap3A_80 : vector<1x16xf32> to vector<16xf32>
      %swap3A_82 = vector.shape_cast %broadcast_in_dim3A_1 : vector<16xf32> to vector<1x16xf32>
      tpu.vector_store %arg10[%swap3A_78, %swap3A_79], %swap3A_82 {strides = array<i32>} : memref<80x128xf32, #tpu.memory_space<vmem>>, vector<1x16xf32>,
      %swap3A_83 = arith.index_cast %scan3A_52 : i32 to index
      %swap3A_84 = arith.constant 96 : index
      %swap3A_85 = tpu.vector_load %arg10[%swap3A_83, %swap3A_84] {strides = array<i32>} : memref<80x128xf32, #tpu.memory_space<vmem>>, vector<1x16xf32>,
      %swap3A_86 = vector.shape_cast %swap3A_85 : vector<1x16xf32> to vector<16xf32>
      %swap3A_87 = vector.shape_cast %broadcast_in_dim3A_1 : vector<16xf32> to vector<1x16xf32>
      tpu.vector_store %arg10[%swap3A_83, %swap3A_84], %swap3A_87 {strides = array<i32>} : memref<80x128xf32, #tpu.memory_space<vmem>>, vector<1x16xf32>,
      %swap3A_88 = arith.index_cast %scan3A_52 : i32 to index
      %swap3A_89 = arith.constant 112 : index
      %swap3A_90 = tpu.vector_load %arg10[%swap3A_88, %swap3A_89] {strides = array<i32>} : memref<80x128xf32, #tpu.memory_space<vmem>>, vector<1x16xf32>,
      %swap3A_91 = vector.shape_cast %swap3A_90 : vector<1x16xf32> to vector<16xf32>
      %swap3A_92 = vector.shape_cast %broadcast_in_dim3A_1 : vector<16xf32> to vector<1x16xf32>
      tpu.vector_store %arg10[%swap3A_88, %swap3A_89], %swap3A_92 {strides = array<i32>} : memref<80x128xf32, #tpu.memory_space<vmem>>, vector<1x16xf32>,
      %scan3A_93 = arith.constant 0 : i32
      scf.yield %scan3A_93 : i32
    }
    %scan3A_7 = arith.constant 80 : i32
    %mul3A_8 = arith.constant 640 : i32
    %mul3A_9 = arith.muli %arg1, %mul3A_8 : i32
    %add3A_10 = arith.constant 0 : i32
    %add3A_11 = arith.addi %mul3A_9, %add3A_10 : i32
    "tpu.region"() ({
      %run_scoped3A = tpu.sem_alloc : memref<!tpu.dma_semaphore, #tpu.memory_space<semaphore_mem>>
      %dma_start3A = arith.constant 0 : i32
      %dma_start3A_52 = tpu.memref_slice %arg11[%add3A_11, %dma_start3A] : memref<10240x128xf32, #tpu.memory_space<vmem_shared>> -> memref<80x128xf32, #tpu.memory_space<vmem_shared>>
      %dma_start3A_53 = arith.constant 0 : i32
      %dma_start3A_54 = tpu.memref_slice %arg11[%add3A_11, %dma_start3A_53] : memref<10240x128xf32, #tpu.memory_space<vmem_shared>> -> memref<80x128xf32, #tpu.memory_space<vmem_shared>>
      tpu.enqueue_dma source(%arg10 : memref<80x128xf32, #tpu.memory_space<vmem>>) target(%dma_start3A_54 : memref<80x128xf32, #tpu.memory_space<vmem_shared>>) target_semaphore(%run_scoped3A : memref<!tpu.dma_semaphore, #tpu.memory_space<semaphore_mem>>)
      %dma_wait3A = arith.constant 0 : i32
      %dma_wait3A_55 = tpu.memref_slice %arg11[%add3A_11, %dma_wait3A] : memref<10240x128xf32, #tpu.memory_space<vmem_shared>> -> memref<80x128xf32, #tpu.memory_space<vmem_shared>>
      %dma_wait3A_56 = arith.constant 0 : i32
      %dma_wait3A_57 = tpu.memref_slice %arg11[%add3A_11, %dma_wait3A_56] : memref<10240x128xf32, #tpu.memory_space<vmem_shared>> -> memref<80x128xf32, #tpu.memory_space<vmem_shared>>
      tpu.wait_dma2 semaphore(%run_scoped3A : memref<!tpu.dma_semaphore, #tpu.memory_space<semaphore_mem>>) src(%arg10 : memref<80x128xf32, #tpu.memory_space<vmem>>) dst(%dma_wait3A_57 : memref<80x128xf32, #tpu.memory_space<vmem_shared>>)
      tpu.yield
    }) : () -> ()
    %mul3A_12 = arith.constant 640 : i32
    %mul3A_13 = arith.muli %arg1, %mul3A_12 : i32
    %add3A_14 = arith.constant 80 : i32
    %add3A_15 = arith.addi %mul3A_13, %add3A_14 : i32
    "tpu.region"() ({
      %run_scoped3A = tpu.sem_alloc : memref<!tpu.dma_semaphore, #tpu.memory_space<semaphore_mem>>
      %dma_start3A = arith.constant 0 : i32
      %dma_start3A_52 = tpu.memref_slice %arg11[%add3A_15, %dma_start3A] : memref<10240x128xf32, #tpu.memory_space<vmem_shared>> -> memref<80x128xf32, #tpu.memory_space<vmem_shared>>
      %dma_start3A_53 = arith.constant 0 : i32
      %dma_start3A_54 = tpu.memref_slice %arg11[%add3A_15, %dma_start3A_53] : memref<10240x128xf32, #tpu.memory_space<vmem_shared>> -> memref<80x128xf32, #tpu.memory_space<vmem_shared>>
      tpu.enqueue_dma source(%arg10 : memref<80x128xf32, #tpu.memory_space<vmem>>) target(%dma_start3A_54 : memref<80x128xf32, #tpu.memory_space<vmem_shared>>) target_semaphore(%run_scoped3A : memref<!tpu.dma_semaphore, #tpu.memory_space<semaphore_mem>>)
      %dma_wait3A = arith.constant 0 : i32
      %dma_wait3A_55 = tpu.memref_slice %arg11[%add3A_15, %dma_wait3A] : memref<10240x128xf32, #tpu.memory_space<vmem_shared>> -> memref<80x128xf32, #tpu.memory_space<vmem_shared>>
      %dma_wait3A_56 = arith.constant 0 : i32
      %dma_wait3A_57 = tpu.memref_slice %arg11[%add3A_15, %dma_wait3A_56] : memref<10240x128xf32, #tpu.memory_space<vmem_shared>> -> memref<80x128xf32, #tpu.memory_space<vmem_shared>>
      tpu.wait_dma2 semaphore(%run_scoped3A : memref<!tpu.dma_semaphore, #tpu.memory_space<semaphore_mem>>) src(%arg10 : memref<80x128xf32, #tpu.memory_space<vmem>>) dst(%dma_wait3A_57 : memref<80x128xf32, #tpu.memory_space<vmem_shared>>)
      tpu.yield
    }) : () -> ()
    %mul3A_16 = arith.constant 640 : i32
    %mul3A_17 = arith.muli %arg1, %mul3A_16 : i32
    %add3A_18 = arith.constant 160 : i32
    %add3A_19 = arith.addi %mul3A_17, %add3A_18 : i32
    "tpu.region"() ({
      %run_scoped3A = tpu.sem_alloc : memref<!tpu.dma_semaphore, #tpu.memory_space<semaphore_mem>>
      %dma_start3A = arith.constant 0 : i32
      %dma_start3A_52 = tpu.memref_slice %arg11[%add3A_19, %dma_start3A] : memref<10240x128xf32, #tpu.memory_space<vmem_shared>> -> memref<80x128xf32, #tpu.memory_space<vmem_shared>>
      %dma_start3A_53 = arith.constant 0 : i32
      %dma_start3A_54 = tpu.memref_slice %arg11[%add3A_19, %dma_start3A_53] : memref<10240x128xf32, #tpu.memory_space<vmem_shared>> -> memref<80x128xf32, #tpu.memory_space<vmem_shared>>
      tpu.enqueue_dma source(%arg10 : memref<80x128xf32, #tpu.memory_space<vmem>>) target(%dma_start3A_54 : memref<80x128xf32, #tpu.memory_space<vmem_shared>>) target_semaphore(%run_scoped3A : memref<!tpu.dma_semaphore, #tpu.memory_space<semaphore_mem>>)
      %dma_wait3A = arith.constant 0 : i32
      %dma_wait3A_55 = tpu.memref_slice %arg11[%add3A_19, %dma_wait3A] : memref<10240x128xf32, #tpu.memory_space<vmem_shared>> -> memref<80x128xf32, #tpu.memory_space<vmem_shared>>
      %dma_wait3A_56 = arith.constant 0 : i32
      %dma_wait3A_57 = tpu.memref_slice %arg11[%add3A_19, %dma_wait3A_56] : memref<10240x128xf32, #tpu.memory_space<vmem_shared>> -> memref<80x128xf32, #tpu.memory_space<vmem_shared>>
      tpu.wait_dma2 semaphore(%run_scoped3A : memref<!tpu.dma_semaphore, #tpu.memory_space<semaphore_mem>>) src(%arg10 : memref<80x128xf32, #tpu.memory_space<vmem>>) dst(%dma_wait3A_57 : memref<80x128xf32, #tpu.memory_space<vmem_shared>>)
      tpu.yield
    }) : () -> ()
    %mul3A_20 = arith.constant 640 : i32
    %mul3A_21 = arith.muli %arg1, %mul3A_20 : i32
    %add3A_22 = arith.constant 240 : i32
    %add3A_23 = arith.addi %mul3A_21, %add3A_22 : i32
    "tpu.region"() ({
      %run_scoped3A = tpu.sem_alloc : memref<!tpu.dma_semaphore, #tpu.memory_space<semaphore_mem>>
      %dma_start3A = arith.constant 0 : i32
      %dma_start3A_52 = tpu.memref_slice %arg11[%add3A_23, %dma_start3A] : memref<10240x128xf32, #tpu.memory_space<vmem_shared>> -> memref<80x128xf32, #tpu.memory_space<vmem_shared>>
      %dma_start3A_53 = arith.constant 0 : i32
      %dma_start3A_54 = tpu.memref_slice %arg11[%add3A_23, %dma_start3A_53] : memref<10240x128xf32, #tpu.memory_space<vmem_shared>> -> memref<80x128xf32, #tpu.memory_space<vmem_shared>>
      tpu.enqueue_dma source(%arg10 : memref<80x128xf32, #tpu.memory_space<vmem>>) target(%dma_start3A_54 : memref<80x128xf32, #tpu.memory_space<vmem_shared>>) target_semaphore(%run_scoped3A : memref<!tpu.dma_semaphore, #tpu.memory_space<semaphore_mem>>)
      %dma_wait3A = arith.constant 0 : i32
      %dma_wait3A_55 = tpu.memref_slice %arg11[%add3A_23, %dma_wait3A] : memref<10240x128xf32, #tpu.memory_space<vmem_shared>> -> memref<80x128xf32, #tpu.memory_space<vmem_shared>>
      %dma_wait3A_56 = arith.constant 0 : i32
      %dma_wait3A_57 = tpu.memref_slice %arg11[%add3A_23, %dma_wait3A_56] : memref<10240x128xf32, #tpu.memory_space<vmem_shared>> -> memref<80x128xf32, #tpu.memory_space<vmem_shared>>
      tpu.wait_dma2 semaphore(%run_scoped3A : memref<!tpu.dma_semaphore, #tpu.memory_space<semaphore_mem>>) src(%arg10 : memref<80x128xf32, #tpu.memory_space<vmem>>) dst(%dma_wait3A_57 : memref<80x128xf32, #tpu.memory_space<vmem_shared>>)
      tpu.yield
    }) : () -> ()
    %mul3A_24 = arith.constant 640 : i32
    %mul3A_25 = arith.muli %arg1, %mul3A_24 : i32
    %add3A_26 = arith.constant 320 : i32
    %add3A_27 = arith.addi %mul3A_25, %add3A_26 : i32
    "tpu.region"() ({
      %run_scoped3A = tpu.sem_alloc : memref<!tpu.dma_semaphore, #tpu.memory_space<semaphore_mem>>
      %dma_start3A = arith.constant 0 : i32
      %dma_start3A_52 = tpu.memref_slice %arg11[%add3A_27, %dma_start3A] : memref<10240x128xf32, #tpu.memory_space<vmem_shared>> -> memref<80x128xf32, #tpu.memory_space<vmem_shared>>
      %dma_start3A_53 = arith.constant 0 : i32
      %dma_start3A_54 = tpu.memref_slice %arg11[%add3A_27, %dma_start3A_53] : memref<10240x128xf32, #tpu.memory_space<vmem_shared>> -> memref<80x128xf32, #tpu.memory_space<vmem_shared>>
      tpu.enqueue_dma source(%arg10 : memref<80x128xf32, #tpu.memory_space<vmem>>) target(%dma_start3A_54 : memref<80x128xf32, #tpu.memory_space<vmem_shared>>) target_semaphore(%run_scoped3A : memref<!tpu.dma_semaphore, #tpu.memory_space<semaphore_mem>>)
      %dma_wait3A = arith.constant 0 : i32
      %dma_wait3A_55 = tpu.memref_slice %arg11[%add3A_27, %dma_wait3A] : memref<10240x128xf32, #tpu.memory_space<vmem_shared>> -> memref<80x128xf32, #tpu.memory_space<vmem_shared>>
      %dma_wait3A_56 = arith.constant 0 : i32
      %dma_wait3A_57 = tpu.memref_slice %arg11[%add3A_27, %dma_wait3A_56] : memref<10240x128xf32, #tpu.memory_space<vmem_shared>> -> memref<80x128xf32, #tpu.memory_space<vmem_shared>>
      tpu.wait_dma2 semaphore(%run_scoped3A : memref<!tpu.dma_semaphore, #tpu.memory_space<semaphore_mem>>) src(%arg10 : memref<80x128xf32, #tpu.memory_space<vmem>>) dst(%dma_wait3A_57 : memref<80x128xf32, #tpu.memory_space<vmem_shared>>)
      tpu.yield
    }) : () -> ()
    %mul3A_28 = arith.constant 640 : i32
    %mul3A_29 = arith.muli %arg1, %mul3A_28 : i32
    %add3A_30 = arith.constant 400 : i32
    %add3A_31 = arith.addi %mul3A_29, %add3A_30 : i32
    "tpu.region"() ({
      %run_scoped3A = tpu.sem_alloc : memref<!tpu.dma_semaphore, #tpu.memory_space<semaphore_mem>>
      %dma_start3A = arith.constant 0 : i32
      %dma_start3A_52 = tpu.memref_slice %arg11[%add3A_31, %dma_start3A] : memref<10240x128xf32, #tpu.memory_space<vmem_shared>> -> memref<80x128xf32, #tpu.memory_space<vmem_shared>>
      %dma_start3A_53 = arith.constant 0 : i32
      %dma_start3A_54 = tpu.memref_slice %arg11[%add3A_31, %dma_start3A_53] : memref<10240x128xf32, #tpu.memory_space<vmem_shared>> -> memref<80x128xf32, #tpu.memory_space<vmem_shared>>
      tpu.enqueue_dma source(%arg10 : memref<80x128xf32, #tpu.memory_space<vmem>>) target(%dma_start3A_54 : memref<80x128xf32, #tpu.memory_space<vmem_shared>>) target_semaphore(%run_scoped3A : memref<!tpu.dma_semaphore, #tpu.memory_space<semaphore_mem>>)
      %dma_wait3A = arith.constant 0 : i32
      %dma_wait3A_55 = tpu.memref_slice %arg11[%add3A_31, %dma_wait3A] : memref<10240x128xf32, #tpu.memory_space<vmem_shared>> -> memref<80x128xf32, #tpu.memory_space<vmem_shared>>
      %dma_wait3A_56 = arith.constant 0 : i32
      %dma_wait3A_57 = tpu.memref_slice %arg11[%add3A_31, %dma_wait3A_56] : memref<10240x128xf32, #tpu.memory_space<vmem_shared>> -> memref<80x128xf32, #tpu.memory_space<vmem_shared>>
      tpu.wait_dma2 semaphore(%run_scoped3A : memref<!tpu.dma_semaphore, #tpu.memory_space<semaphore_mem>>) src(%arg10 : memref<80x128xf32, #tpu.memory_space<vmem>>) dst(%dma_wait3A_57 : memref<80x128xf32, #tpu.memory_space<vmem_shared>>)
      tpu.yield
    }) : () -> ()
    %mul3A_32 = arith.constant 640 : i32
    %mul3A_33 = arith.muli %arg1, %mul3A_32 : i32
    %add3A_34 = arith.constant 480 : i32
    %add3A_35 = arith.addi %mul3A_33, %add3A_34 : i32
    "tpu.region"() ({
      %run_scoped3A = tpu.sem_alloc : memref<!tpu.dma_semaphore, #tpu.memory_space<semaphore_mem>>
      %dma_start3A = arith.constant 0 : i32
      %dma_start3A_52 = tpu.memref_slice %arg11[%add3A_35, %dma_start3A] : memref<10240x128xf32, #tpu.memory_space<vmem_shared>> -> memref<80x128xf32, #tpu.memory_space<vmem_shared>>
      %dma_start3A_53 = arith.constant 0 : i32
      %dma_start3A_54 = tpu.memref_slice %arg11[%add3A_35, %dma_start3A_53] : memref<10240x128xf32, #tpu.memory_space<vmem_shared>> -> memref<80x128xf32, #tpu.memory_space<vmem_shared>>
      tpu.enqueue_dma source(%arg10 : memref<80x128xf32, #tpu.memory_space<vmem>>) target(%dma_start3A_54 : memref<80x128xf32, #tpu.memory_space<vmem_shared>>) target_semaphore(%run_scoped3A : memref<!tpu.dma_semaphore, #tpu.memory_space<semaphore_mem>>)
      %dma_wait3A = arith.constant 0 : i32
      %dma_wait3A_55 = tpu.memref_slice %arg11[%add3A_35, %dma_wait3A] : memref<10240x128xf32, #tpu.memory_space<vmem_shared>> -> memref<80x128xf32, #tpu.memory_space<vmem_shared>>
      %dma_wait3A_56 = arith.constant 0 : i32
      %dma_wait3A_57 = tpu.memref_slice %arg11[%add3A_35, %dma_wait3A_56] : memref<10240x128xf32, #tpu.memory_space<vmem_shared>> -> memref<80x128xf32, #tpu.memory_space<vmem_shared>>
      tpu.wait_dma2 semaphore(%run_scoped3A : memref<!tpu.dma_semaphore, #tpu.memory_space<semaphore_mem>>) src(%arg10 : memref<80x128xf32, #tpu.memory_space<vmem>>) dst(%dma_wait3A_57 : memref<80x128xf32, #tpu.memory_space<vmem_shared>>)
      tpu.yield
    }) : () -> ()
    %mul3A_36 = arith.constant 640 : i32
    %mul3A_37 = arith.muli %arg1, %mul3A_36 : i32
    %add3A_38 = arith.constant 560 : i32
    %add3A_39 = arith.addi %mul3A_37, %add3A_38 : i32
    "tpu.region"() ({
      %run_scoped3A = tpu.sem_alloc : memref<!tpu.dma_semaphore, #tpu.memory_space<semaphore_mem>>
      %dma_start3A = arith.constant 0 : i32
      %dma_start3A_52 = tpu.memref_slice %arg11[%add3A_39, %dma_start3A] : memref<10240x128xf32, #tpu.memory_space<vmem_shared>> -> memref<80x128xf32, #tpu.memory_space<vmem_shared>>
      %dma_start3A_53 = arith.constant 0 : i32
      %dma_start3A_54 = tpu.memref_slice %arg11[%add3A_39, %dma_start3A_53] : memref<10240x128xf32, #tpu.memory_space<vmem_shared>> -> memref<80x128xf32, #tpu.memory_space<vmem_shared>>
      tpu.enqueue_dma source(%arg10 : memref<80x128xf32, #tpu.memory_space<vmem>>) target(%dma_start3A_54 : memref<80x128xf32, #tpu.memory_space<vmem_shared>>) target_semaphore(%run_scoped3A : memref<!tpu.dma_semaphore, #tpu.memory_space<semaphore_mem>>)
      %dma_wait3A = arith.constant 0 : i32
      %dma_wait3A_55 = tpu.memref_slice %arg11[%add3A_39, %dma_wait3A] : memref<10240x128xf32, #tpu.memory_space<vmem_shared>> -> memref<80x128xf32, #tpu.memory_space<vmem_shared>>
      %dma_wait3A_56 = arith.constant 0 : i32
      %dma_wait3A_57 = tpu.memref_slice %arg11[%add3A_39, %dma_wait3A_56] : memref<10240x128xf32, #tpu.memory_space<vmem_shared>> -> memref<80x128xf32, #tpu.memory_space<vmem_shared>>
      tpu.wait_dma2 semaphore(%run_scoped3A : memref<!tpu.dma_semaphore, #tpu.memory_space<semaphore_mem>>) src(%arg10 : memref<80x128xf32, #tpu.memory_space<vmem>>) dst(%dma_wait3A_57 : memref<80x128xf32, #tpu.memory_space<vmem_shared>>)
      tpu.yield
    }) : () -> ()
    %barrier3A = arith.constant 0 : index
    tpu.barrier barrier_id(%barrier3A)
    %scan3A_40 = arith.constant 0 : i32
    %scan3A_41 = arith.constant 0 : i32
    %scan3A_42 = arith.constant 5 : i32
    %scan3A_43 = arith.addi %scan3A_41, %scan3A_42 : i32
    %scan3A_44 = arith.constant 1 : i32
    %scan3A_45 = scf.for %scan3A_52 = %scan3A_41 to %scan3A_43 step %scan3A_44 iter_args(%scan3A_53 = %scan3A_40) -> (i32)  : i32 {
      "tpu.region"() ({
        %run_scoped3A = tpu.sem_alloc : memref<!tpu.dma_semaphore, #tpu.memory_space<semaphore_mem>>
        %dma_start3A = arith.constant 0 : i32
        %dma_start3A_62 = arith.constant 0 : i32
        %dma_start3A_63 = tpu.memref_slice %arg2[%add3A, %scan3A_52, %dma_start3A, %dma_start3A_62] : memref<32x5x25x80xi32, #tpu.memory_space<hbm>> -> memref<1x1x25x80xi32, #tpu.memory_space<hbm>>
        %dma_start3A_64 = tpu.memref_squeeze %dma_start3A_63 : memref<1x1x25x80xi32, #tpu.memory_space<hbm>> -> memref<25x80xi32, #tpu.memory_space<hbm>>
        %dma_start3A_65 = arith.constant 0 : i32
        %dma_start3A_66 = arith.constant 0 : i32
        %dma_start3A_67 = tpu.memref_slice %arg2[%add3A, %scan3A_52, %dma_start3A_65, %dma_start3A_66] : memref<32x5x25x80xi32, #tpu.memory_space<hbm>> -> memref<1x1x25x80xi32, #tpu.memory_space<hbm>>
        %dma_start3A_68 = tpu.memref_squeeze %dma_start3A_67 : memref<1x1x25x80xi32, #tpu.memory_space<hbm>> -> memref<25x80xi32, #tpu.memory_space<hbm>>
        tpu.enqueue_dma source(%dma_start3A_68 : memref<25x80xi32, #tpu.memory_space<hbm>>) target(%arg7 : memref<25x80xi32, #tpu.memory_space<vmem>>) target_semaphore(%run_scoped3A : memref<!tpu.dma_semaphore, #tpu.memory_space<semaphore_mem>>)
        %dma_wait3A = arith.constant 0 : i32
        %dma_wait3A_69 = arith.constant 0 : i32
        %dma_wait3A_70 = tpu.memref_slice %arg2[%add3A, %scan3A_52, %dma_wait3A, %dma_wait3A_69] : memref<32x5x25x80xi32, #tpu.memory_space<hbm>> -> memref<1x1x25x80xi32, #tpu.memory_space<hbm>>
        %dma_wait3A_71 = tpu.memref_squeeze %dma_wait3A_70 : memref<1x1x25x80xi32, #tpu.memory_space<hbm>> -> memref<25x80xi32, #tpu.memory_space<hbm>>
        %dma_wait3A_72 = arith.constant 0 : i32
        %dma_wait3A_73 = arith.constant 0 : i32
        %dma_wait3A_74 = tpu.memref_slice %arg2[%add3A, %scan3A_52, %dma_wait3A_72, %dma_wait3A_73] : memref<32x5x25x80xi32, #tpu.memory_space<hbm>> -> memref<1x1x25x80xi32, #tpu.memory_space<hbm>>
        %dma_wait3A_75 = tpu.memref_squeeze %dma_wait3A_74 : memref<1x1x25x80xi32, #tpu.memory_space<hbm>> -> memref<25x80xi32, #tpu.memory_space<hbm>>
        tpu.wait_dma2 semaphore(%run_scoped3A : memref<!tpu.dma_semaphore, #tpu.memory_space<semaphore_mem>>) src(%dma_wait3A_75 : memref<25x80xi32, #tpu.memory_space<hbm>>) dst(%arg7 : memref<25x80xi32, #tpu.memory_space<vmem>>)
        tpu.yield
      }) : () -> ()
      "tpu.region"() ({
        %run_scoped3A = tpu.sem_alloc : memref<!tpu.dma_semaphore, #tpu.memory_space<semaphore_mem>>
        %dma_start3A = arith.constant 0 : i32
        %dma_start3A_62 = arith.constant 0 : i32
        %dma_start3A_63 = tpu.memref_slice %arg3[%add3A, %scan3A_52, %dma_start3A, %dma_start3A_62] : memref<32x5x25x80xi32, #tpu.memory_space<hbm>> -> memref<1x1x25x80xi32, #tpu.memory_space<hbm>>
        %dma_start3A_64 = tpu.memref_squeeze %dma_start3A_63 : memref<1x1x25x80xi32, #tpu.memory_space<hbm>> -> memref<25x80xi32, #tpu.memory_space<hbm>>
        %dma_start3A_65 = arith.constant 0 : i32
        %dma_start3A_66 = arith.constant 0 : i32
        %dma_start3A_67 = tpu.memref_slice %arg3[%add3A, %scan3A_52, %dma_start3A_65, %dma_start3A_66] : memref<32x5x25x80xi32, #tpu.memory_space<hbm>> -> memref<1x1x25x80xi32, #tpu.memory_space<hbm>>
        %dma_start3A_68 = tpu.memref_squeeze %dma_start3A_67 : memref<1x1x25x80xi32, #tpu.memory_space<hbm>> -> memref<25x80xi32, #tpu.memory_space<hbm>>
        tpu.enqueue_dma source(%dma_start3A_68 : memref<25x80xi32, #tpu.memory_space<hbm>>) target(%arg8 : memref<25x80xi32, #tpu.memory_space<vmem>>) target_semaphore(%run_scoped3A : memref<!tpu.dma_semaphore, #tpu.memory_space<semaphore_mem>>)
        %dma_wait3A = arith.constant 0 : i32
        %dma_wait3A_69 = arith.constant 0 : i32
        %dma_wait3A_70 = tpu.memref_slice %arg3[%add3A, %scan3A_52, %dma_wait3A, %dma_wait3A_69] : memref<32x5x25x80xi32, #tpu.memory_space<hbm>> -> memref<1x1x25x80xi32, #tpu.memory_space<hbm>>
        %dma_wait3A_71 = tpu.memref_squeeze %dma_wait3A_70 : memref<1x1x25x80xi32, #tpu.memory_space<hbm>> -> memref<25x80xi32, #tpu.memory_space<hbm>>
        %dma_wait3A_72 = arith.constant 0 : i32
        %dma_wait3A_73 = arith.constant 0 : i32
        %dma_wait3A_74 = tpu.memref_slice %arg3[%add3A, %scan3A_52, %dma_wait3A_72, %dma_wait3A_73] : memref<32x5x25x80xi32, #tpu.memory_space<hbm>> -> memref<1x1x25x80xi32, #tpu.memory_space<hbm>>
        %dma_wait3A_75 = tpu.memref_squeeze %dma_wait3A_74 : memref<1x1x25x80xi32, #tpu.memory_space<hbm>> -> memref<25x80xi32, #tpu.memory_space<hbm>>
        tpu.wait_dma2 semaphore(%run_scoped3A : memref<!tpu.dma_semaphore, #tpu.memory_space<semaphore_mem>>) src(%dma_wait3A_75 : memref<25x80xi32, #tpu.memory_space<hbm>>) dst(%arg8 : memref<25x80xi32, #tpu.memory_space<vmem>>)
        tpu.yield
      }) : () -> ()
      "tpu.region"() ({
        %run_scoped3A = tpu.sem_alloc : memref<!tpu.dma_semaphore, #tpu.memory_space<semaphore_mem>>
        %dma_start3A = arith.constant 0 : i32
        %dma_start3A_62 = arith.constant 0 : i32
        %dma_start3A_63 = tpu.memref_slice %arg4[%add3A, %scan3A_52, %dma_start3A, %dma_start3A_62] : memref<32x5x25x80xf32, #tpu.memory_space<hbm>> -> memref<1x1x25x80xf32, #tpu.memory_space<hbm>>
        %dma_start3A_64 = tpu.memref_squeeze %dma_start3A_63 : memref<1x1x25x80xf32, #tpu.memory_space<hbm>> -> memref<25x80xf32, #tpu.memory_space<hbm>>
        %dma_start3A_65 = arith.constant 0 : i32
        %dma_start3A_66 = arith.constant 0 : i32
        %dma_start3A_67 = tpu.memref_slice %arg4[%add3A, %scan3A_52, %dma_start3A_65, %dma_start3A_66] : memref<32x5x25x80xf32, #tpu.memory_space<hbm>> -> memref<1x1x25x80xf32, #tpu.memory_space<hbm>>
        %dma_start3A_68 = tpu.memref_squeeze %dma_start3A_67 : memref<1x1x25x80xf32, #tpu.memory_space<hbm>> -> memref<25x80xf32, #tpu.memory_space<hbm>>
        tpu.enqueue_dma source(%dma_start3A_68 : memref<25x80xf32, #tpu.memory_space<hbm>>) target(%arg9 : memref<25x80xf32, #tpu.memory_space<vmem>>) target_semaphore(%run_scoped3A : memref<!tpu.dma_semaphore, #tpu.memory_space<semaphore_mem>>)
        %dma_wait3A = arith.constant 0 : i32
        %dma_wait3A_69 = arith.constant 0 : i32
        %dma_wait3A_70 = tpu.memref_slice %arg4[%add3A, %scan3A_52, %dma_wait3A, %dma_wait3A_69] : memref<32x5x25x80xf32, #tpu.memory_space<hbm>> -> memref<1x1x25x80xf32, #tpu.memory_space<hbm>>
        %dma_wait3A_71 = tpu.memref_squeeze %dma_wait3A_70 : memref<1x1x25x80xf32, #tpu.memory_space<hbm>> -> memref<25x80xf32, #tpu.memory_space<hbm>>
        %dma_wait3A_72 = arith.constant 0 : i32
        %dma_wait3A_73 = arith.constant 0 : i32
        %dma_wait3A_74 = tpu.memref_slice %arg4[%add3A, %scan3A_52, %dma_wait3A_72, %dma_wait3A_73] : memref<32x5x25x80xf32, #tpu.memory_space<hbm>> -> memref<1x1x25x80xf32, #tpu.memory_space<hbm>>
        %dma_wait3A_75 = tpu.memref_squeeze %dma_wait3A_74 : memref<1x1x25x80xf32, #tpu.memory_space<hbm>> -> memref<25x80xf32, #tpu.memory_space<hbm>>
        tpu.wait_dma2 semaphore(%run_scoped3A : memref<!tpu.dma_semaphore, #tpu.memory_space<semaphore_mem>>) src(%dma_wait3A_75 : memref<25x80xf32, #tpu.memory_space<hbm>>) dst(%arg9 : memref<25x80xf32, #tpu.memory_space<vmem>>)
        tpu.yield
      }) : () -> ()
      %scan3A_54 = arith.constant 0 : i32
      %scan3A_55 = arith.constant 0 : i32
      %scan3A_56 = arith.constant 25 : i32
      %scan3A_57 = arith.addi %scan3A_55, %scan3A_56 : i32
      %scan3A_58 = arith.constant 1 : i32
      %scan3A_59 = scf.for %scan3A_62 = %scan3A_55 to %scan3A_57 step %scan3A_58 iter_args(%scan3A_63 = %scan3A_54) -> (i32)  : i32 {
        %dma_start3A = arith.constant 0 : i32
        %dma_start3A_64 = tpu.memref_slice %arg8[%scan3A_62, %dma_start3A] : memref<25x80xi32, #tpu.memory_space<vmem>> -> memref<1x80xi32, #tpu.memory_space<vmem>>
        %dma_start3A_65 = tpu.memref_squeeze %dma_start3A_64 : memref<1x80xi32, #tpu.memory_space<vmem>> -> memref<80xi32, #tpu.memory_space<vmem>>
        %dma_start3A_66 = arith.constant 0 : i32
        %dma_start3A_67 = arith.constant 0 : i32
        %dma_start3A_68 = tpu.memref_slice %arg5[%dma_start3A_66, %dma_start3A_67] : memref<10000x128xf32, #tpu.memory_space<hbm>> -> memref<10000x128xf32, #tpu.memory_space<hbm>>
        tpu.enqueue_indirect_dma source(%dma_start3A_68 : memref<10000x128xf32, #tpu.memory_space<hbm>>) target(%arg10 : memref<80x128xf32, #tpu.memory_space<vmem>>) offsets(%dma_start3A_65 : memref<80xi32, #tpu.memory_space<vmem>>) semaphore(%arg12 : memref<!tpu.dma_semaphore, #tpu.memory_space<semaphore_mem>>)
        %dma_wait3A = arith.constant 0 : i32
        %dma_wait3A_69 = tpu.memref_slice %arg8[%scan3A_62, %dma_wait3A] : memref<25x80xi32, #tpu.memory_space<vmem>> -> memref<1x80xi32, #tpu.memory_space<vmem>>
        %dma_wait3A_70 = tpu.memref_squeeze %dma_wait3A_69 : memref<1x80xi32, #tpu.memory_space<vmem>> -> memref<80xi32, #tpu.memory_space<vmem>>
        %dma_wait3A_71 = arith.constant 0 : i32
        %dma_wait3A_72 = arith.constant 0 : i32
        %dma_wait3A_73 = tpu.memref_slice %arg5[%dma_wait3A_71, %dma_wait3A_72] : memref<10000x128xf32, #tpu.memory_space<hbm>> -> memref<10000x128xf32, #tpu.memory_space<hbm>>
        tpu.wait_indirect_dma semaphore(%arg12 : memref<!tpu.dma_semaphore, #tpu.memory_space<semaphore_mem>>) src(%dma_wait3A_73 : memref<10000x128xf32, #tpu.memory_space<hbm>>) dst(%arg10 : memref<80x128xf32, #tpu.memory_space<vmem>>)
        %scan3A_74 = arith.constant 0 : i32
        %scan3A_75 = arith.constant 0 : i32
        %scan3A_76 = arith.constant 5 : i32
        %scan3A_77 = arith.addi %scan3A_75, %scan3A_76 : i32
        %scan3A_78 = arith.constant 1 : i32
        %scan3A_79 = scf.for %scan3A_82 = %scan3A_75 to %scan3A_77 step %scan3A_78 iter_args(%scan3A_83 = %scan3A_74) -> (i32)  : i32 {
          %mul3A_84 = arith.constant 16 : i32
          %mul3A_85 = arith.muli %scan3A_82, %mul3A_84 : i32
          %get3A = arith.index_cast %scan3A_62 : i32 to index
          %get3A_86 = arith.index_cast %mul3A_85 : i32 to index
          %get3A_87 = tpu.vector_load %arg9[%get3A, %get3A_86] {strides = array<i32>} : memref<25x80xf32, #tpu.memory_space<vmem>>, vector<1x16xf32>,
          %get3A_88 = vector.shape_cast %get3A_87 : vector<1x16xf32> to vector<16xf32>
          %broadcast_in_dim3A_89 = arith.constant 0 : i32
          %broadcast_in_dim3A_90 = vector.broadcast %broadcast_in_dim3A_89 : i32 to vector<16x1xi32>
          %gather3A = vector.shape_cast %broadcast_in_dim3A_90 : vector<16x1xi32> to vector<16xi32>
          %gather3A_91 = tpu.dynamic_gather %get3A_88[%gather3A] in [0] : vector<16xf32>, vector<16xi32> -> vector<16xf32>
          %mul3A_92 = arith.constant 16 : i32
          %mul3A_93 = arith.muli %scan3A_82, %mul3A_92 : i32
          %add3A_94 = arith.constant 0 : i32
          %add3A_95 = arith.addi %mul3A_93, %add3A_94 : i32
          %get3A_96 = arith.index_cast %add3A_95 : i32 to index
          %get3A_97 = arith.constant 0 : index
          %get3A_98 = tpu.vector_load %arg10[%get3A_96, %get3A_97] {strides = array<i32>} : memref<80x128xf32, #tpu.memory_space<vmem>>, vector<1x16xf32>,
          %get3A_99 = vector.shape_cast %get3A_98 : vector<1x16xf32> to vector<16xf32>
          %mul3A_100 = arith.mulf %get3A_99, %gather3A_91 : vector<16xf32>
          %swap3A = arith.index_cast %add3A_95 : i32 to index
          %swap3A_101 = arith.constant 0 : index
          %swap3A_102 = tpu.vector_load %arg10[%swap3A, %swap3A_101] {strides = array<i32>} : memref<80x128xf32, #tpu.memory_space<vmem>>, vector<1x16xf32>,
          %swap3A_103 = vector.shape_cast %swap3A_102 : vector<1x16xf32> to vector<16xf32>
          %swap3A_104 = vector.shape_cast %mul3A_100 : vector<16xf32> to vector<1x16xf32>
          tpu.vector_store %arg10[%swap3A, %swap3A_101], %swap3A_104 {strides = array<i32>} : memref<80x128xf32, #tpu.memory_space<vmem>>, vector<1x16xf32>,
          %get3A_105 = arith.index_cast %add3A_95 : i32 to index
          %get3A_106 = arith.constant 16 : index
          %get3A_107 = tpu.vector_load %arg10[%get3A_105, %get3A_106] {strides = array<i32>} : memref<80x128xf32, #tpu.memory_space<vmem>>, vector<1x16xf32>,
          %get3A_108 = vector.shape_cast %get3A_107 : vector<1x16xf32> to vector<16xf32>
          %mul3A_109 = arith.mulf %get3A_108, %gather3A_91 : vector<16xf32>
          %swap3A_110 = arith.index_cast %add3A_95 : i32 to index
          %swap3A_111 = arith.constant 16 : index
          %swap3A_112 = tpu.vector_load %arg10[%swap3A_110, %swap3A_111] {strides = array<i32>} : memref<80x128xf32, #tpu.memory_space<vmem>>, vector<1x16xf32>,
          %swap3A_113 = vector.shape_cast %swap3A_112 : vector<1x16xf32> to vector<16xf32>
          %swap3A_114 = vector.shape_cast %mul3A_109 : vector<16xf32> to vector<1x16xf32>
          tpu.vector_store %arg10[%swap3A_110, %swap3A_111], %swap3A_114 {strides = array<i32>} : memref<80x128xf32, #tpu.memory_space<vmem>>, vector<1x16xf32>,
          %get3A_115 = arith.index_cast %add3A_95 : i32 to index
          %get3A_116 = arith.constant 32 : index
          %get3A_117 = tpu.vector_load %arg10[%get3A_115, %get3A_116] {strides = array<i32>} : memref<80x128xf32, #tpu.memory_space<vmem>>, vector<1x16xf32>,
          %get3A_118 = vector.shape_cast %get3A_117 : vector<1x16xf32> to vector<16xf32>
          %mul3A_119 = arith.mulf %get3A_118, %gather3A_91 : vector<16xf32>
          %swap3A_120 = arith.index_cast %add3A_95 : i32 to index
          %swap3A_121 = arith.constant 32 : index
          %swap3A_122 = tpu.vector_load %arg10[%swap3A_120, %swap3A_121] {strides = array<i32>} : memref<80x128xf32, #tpu.memory_space<vmem>>, vector<1x16xf32>,
          %swap3A_123 = vector.shape_cast %swap3A_122 : vector<1x16xf32> to vector<16xf32>
          %swap3A_124 = vector.shape_cast %mul3A_119 : vector<16xf32> to vector<1x16xf32>
          tpu.vector_store %arg10[%swap3A_120, %swap3A_121], %swap3A_124 {strides = array<i32>} : memref<80x128xf32, #tpu.memory_space<vmem>>, vector<1x16xf32>,
          %get3A_125 = arith.index_cast %add3A_95 : i32 to index
          %get3A_126 = arith.constant 48 : index
          %get3A_127 = tpu.vector_load %arg10[%get3A_125, %get3A_126] {strides = array<i32>} : memref<80x128xf32, #tpu.memory_space<vmem>>, vector<1x16xf32>,
          %get3A_128 = vector.shape_cast %get3A_127 : vector<1x16xf32> to vector<16xf32>
          %mul3A_129 = arith.mulf %get3A_128, %gather3A_91 : vector<16xf32>
          %swap3A_130 = arith.index_cast %add3A_95 : i32 to index
          %swap3A_131 = arith.constant 48 : index
          %swap3A_132 = tpu.vector_load %arg10[%swap3A_130, %swap3A_131] {strides = array<i32>} : memref<80x128xf32, #tpu.memory_space<vmem>>, vector<1x16xf32>,
          %swap3A_133 = vector.shape_cast %swap3A_132 : vector<1x16xf32> to vector<16xf32>
          %swap3A_134 = vector.shape_cast %mul3A_129 : vector<16xf32> to vector<1x16xf32>
          tpu.vector_store %arg10[%swap3A_130, %swap3A_131], %swap3A_134 {strides = array<i32>} : memref<80x128xf32, #tpu.memory_space<vmem>>, vector<1x16xf32>,
          %get3A_135 = arith.index_cast %add3A_95 : i32 to index
          %get3A_136 = arith.constant 64 : index
          %get3A_137 = tpu.vector_load %arg10[%get3A_135, %get3A_136] {strides = array<i32>} : memref<80x128xf32, #tpu.memory_space<vmem>>, vector<1x16xf32>,
          %get3A_138 = vector.shape_cast %get3A_137 : vector<1x16xf32> to vector<16xf32>
          %mul3A_139 = arith.mulf %get3A_138, %gather3A_91 : vector<16xf32>
          %swap3A_140 = arith.index_cast %add3A_95 : i32 to index
          %swap3A_141 = arith.constant 64 : index
          %swap3A_142 = tpu.vector_load %arg10[%swap3A_140, %swap3A_141] {strides = array<i32>} : memref<80x128xf32, #tpu.memory_space<vmem>>, vector<1x16xf32>,
          %swap3A_143 = vector.shape_cast %swap3A_142 : vector<1x16xf32> to vector<16xf32>
          %swap3A_144 = vector.shape_cast %mul3A_139 : vector<16xf32> to vector<1x16xf32>
          tpu.vector_store %arg10[%swap3A_140, %swap3A_141], %swap3A_144 {strides = array<i32>} : memref<80x128xf32, #tpu.memory_space<vmem>>, vector<1x16xf32>,
          %get3A_145 = arith.index_cast %add3A_95 : i32 to index
          %get3A_146 = arith.constant 80 : index
          %get3A_147 = tpu.vector_load %arg10[%get3A_145, %get3A_146] {strides = array<i32>} : memref<80x128xf32, #tpu.memory_space<vmem>>, vector<1x16xf32>,
          %get3A_148 = vector.shape_cast %get3A_147 : vector<1x16xf32> to vector<16xf32>
          %mul3A_149 = arith.mulf %get3A_148, %gather3A_91 : vector<16xf32>
          %swap3A_150 = arith.index_cast %add3A_95 : i32 to index
          %swap3A_151 = arith.constant 80 : index
          %swap3A_152 = tpu.vector_load %arg10[%swap3A_150, %swap3A_151] {strides = array<i32>} : memref<80x128xf32, #tpu.memory_space<vmem>>, vector<1x16xf32>,
          %swap3A_153 = vector.shape_cast %swap3A_152 : vector<1x16xf32> to vector<16xf32>
          %swap3A_154 = vector.shape_cast %mul3A_149 : vector<16xf32> to vector<1x16xf32>
          tpu.vector_store %arg10[%swap3A_150, %swap3A_151], %swap3A_154 {strides = array<i32>} : memref<80x128xf32, #tpu.memory_space<vmem>>, vector<1x16xf32>,
          %get3A_155 = arith.index_cast %add3A_95 : i32 to index
          %get3A_156 = arith.constant 96 : index
          %get3A_157 = tpu.vector_load %arg10[%get3A_155, %get3A_156] {strides = array<i32>} : memref<80x128xf32, #tpu.memory_space<vmem>>, vector<1x16xf32>,
          %get3A_158 = vector.shape_cast %get3A_157 : vector<1x16xf32> to vector<16xf32>
          %mul3A_159 = arith.mulf %get3A_158, %gather3A_91 : vector<16xf32>
          %swap3A_160 = arith.index_cast %add3A_95 : i32 to index
          %swap3A_161 = arith.constant 96 : index
          %swap3A_162 = tpu.vector_load %arg10[%swap3A_160, %swap3A_161] {strides = array<i32>} : memref<80x128xf32, #tpu.memory_space<vmem>>, vector<1x16xf32>,
          %swap3A_163 = vector.shape_cast %swap3A_162 : vector<1x16xf32> to vector<16xf32>
          %swap3A_164 = vector.shape_cast %mul3A_159 : vector<16xf32> to vector<1x16xf32>
          tpu.vector_store %arg10[%swap3A_160, %swap3A_161], %swap3A_164 {strides = array<i32>} : memref<80x128xf32, #tpu.memory_space<vmem>>, vector<1x16xf32>,
          %get3A_165 = arith.index_cast %add3A_95 : i32 to index
          %get3A_166 = arith.constant 112 : index
          %get3A_167 = tpu.vector_load %arg10[%get3A_165, %get3A_166] {strides = array<i32>} : memref<80x128xf32, #tpu.memory_space<vmem>>, vector<1x16xf32>,
          %get3A_168 = vector.shape_cast %get3A_167 : vector<1x16xf32> to vector<16xf32>
          %mul3A_169 = arith.mulf %get3A_168, %gather3A_91 : vector<16xf32>
          %swap3A_170 = arith.index_cast %add3A_95 : i32 to index
          %swap3A_171 = arith.constant 112 : index
          %swap3A_172 = tpu.vector_load %arg10[%swap3A_170, %swap3A_171] {strides = array<i32>} : memref<80x128xf32, #tpu.memory_space<vmem>>, vector<1x16xf32>,
          %swap3A_173 = vector.shape_cast %swap3A_172 : vector<1x16xf32> to vector<16xf32>
          %swap3A_174 = vector.shape_cast %mul3A_169 : vector<16xf32> to vector<1x16xf32>
          tpu.vector_store %arg10[%swap3A_170, %swap3A_171], %swap3A_174 {strides = array<i32>} : memref<80x128xf32, #tpu.memory_space<vmem>>, vector<1x16xf32>,
          %broadcast_in_dim3A_175 = arith.constant 1 : i32
          %broadcast_in_dim3A_176 = vector.broadcast %broadcast_in_dim3A_175 : i32 to vector<16x1xi32>
          %gather3A_177 = vector.shape_cast %broadcast_in_dim3A_176 : vector<16x1xi32> to vector<16xi32>
          %gather3A_178 = tpu.dynamic_gather %get3A_88[%gather3A_177] in [0] : vector<16xf32>, vector<16xi32> -> vector<16xf32>
          %mul3A_179 = arith.constant 16 : i32
          %mul3A_180 = arith.muli %scan3A_82, %mul3A_179 : i32
          %add3A_181 = arith.constant 1 : i32
          %add3A_182 = arith.addi %mul3A_180, %add3A_181 : i32
          %get3A_183 = arith.index_cast %add3A_182 : i32 to index
          %get3A_184 = arith.constant 0 : index
          %get3A_185 = tpu.vector_load %arg10[%get3A_183, %get3A_184] {strides = array<i32>} : memref<80x128xf32, #tpu.memory_space<vmem>>, vector<1x16xf32>,
          %get3A_186 = vector.shape_cast %get3A_185 : vector<1x16xf32> to vector<16xf32>
          %mul3A_187 = arith.mulf %get3A_186, %gather3A_178 : vector<16xf32>
          %swap3A_188 = arith.index_cast %add3A_182 : i32 to index
          %swap3A_189 = arith.constant 0 : index
          %swap3A_190 = tpu.vector_load %arg10[%swap3A_188, %swap3A_189] {strides = array<i32>} : memref<80x128xf32, #tpu.memory_space<vmem>>, vector<1x16xf32>,
          %swap3A_191 = vector.shape_cast %swap3A_190 : vector<1x16xf32> to vector<16xf32>
          %swap3A_192 = vector.shape_cast %mul3A_187 : vector<16xf32> to vector<1x16xf32>
          tpu.vector_store %arg10[%swap3A_188, %swap3A_189], %swap3A_192 {strides = array<i32>} : memref<80x128xf32, #tpu.memory_space<vmem>>, vector<1x16xf32>,
          %get3A_193 = arith.index_cast %add3A_182 : i32 to index
          %get3A_194 = arith.constant 16 : index
          %get3A_195 = tpu.vector_load %arg10[%get3A_193, %get3A_194] {strides = array<i32>} : memref<80x128xf32, #tpu.memory_space<vmem>>, vector<1x16xf32>,
          %get3A_196 = vector.shape_cast %get3A_195 : vector<1x16xf32> to vector<16xf32>
          %mul3A_197 = arith.mulf %get3A_196, %gather3A_178 : vector<16xf32>
          %swap3A_198 = arith.index_cast %add3A_182 : i32 to index
          %swap3A_199 = arith.constant 16 : index
          %swap3A_200 = tpu.vector_load %arg10[%swap3A_198, %swap3A_199] {strides = array<i32>} : memref<80x128xf32, #tpu.memory_space<vmem>>, vector<1x16xf32>,
          %swap3A_201 = vector.shape_cast %swap3A_200 : vector<1x16xf32> to vector<16xf32>
          %swap3A_202 = vector.shape_cast %mul3A_197 : vector<16xf32> to vector<1x16xf32>
          tpu.vector_store %arg10[%swap3A_198, %swap3A_199], %swap3A_202 {strides = array<i32>} : memref<80x128xf32, #tpu.memory_space<vmem>>, vector<1x16xf32>,
          %get3A_203 = arith.index_cast %add3A_182 : i32 to index
          %get3A_204 = arith.constant 32 : index
          %get3A_205 = tpu.vector_load %arg10[%get3A_203, %get3A_204] {strides = array<i32>} : memref<80x128xf32, #tpu.memory_space<vmem>>, vector<1x16xf32>,
          %get3A_206 = vector.shape_cast %get3A_205 : vector<1x16xf32> to vector<16xf32>
          %mul3A_207 = arith.mulf %get3A_206, %gather3A_178 : vector<16xf32>
          %swap3A_208 = arith.index_cast %add3A_182 : i32 to index
          %swap3A_209 = arith.constant 32 : index
          %swap3A_210 = tpu.vector_load %arg10[%swap3A_208, %swap3A_209] {strides = array<i32>} : memref<80x128xf32, #tpu.memory_space<vmem>>, vector<1x16xf32>,
          %swap3A_211 = vector.shape_cast %swap3A_210 : vector<1x16xf32> to vector<16xf32>
          %swap3A_212 = vector.shape_cast %mul3A_207 : vector<16xf32> to vector<1x16xf32>
          tpu.vector_store %arg10[%swap3A_208, %swap3A_209], %swap3A_212 {strides = array<i32>} : memref<80x128xf32, #tpu.memory_space<vmem>>, vector<1x16xf32>,
          %get3A_213 = arith.index_cast %add3A_182 : i32 to index
          %get3A_214 = arith.constant 48 : index
          %get3A_215 = tpu.vector_load %arg10[%get3A_213, %get3A_214] {strides = array<i32>} : memref<80x128xf32, #tpu.memory_space<vmem>>, vector<1x16xf32>,
          %get3A_216 = vector.shape_cast %get3A_215 : vector<1x16xf32> to vector<16xf32>
          %mul3A_217 = arith.mulf %get3A_216, %gather3A_178 : vector<16xf32>
          %swap3A_218 = arith.index_cast %add3A_182 : i32 to index
          %swap3A_219 = arith.constant 48 : index
          %swap3A_220 = tpu.vector_load %arg10[%swap3A_218, %swap3A_219] {strides = array<i32>} : memref<80x128xf32, #tpu.memory_space<vmem>>, vector<1x16xf32>,
          %swap3A_221 = vector.shape_cast %swap3A_220 : vector<1x16xf32> to vector<16xf32>
          %swap3A_222 = vector.shape_cast %mul3A_217 : vector<16xf32> to vector<1x16xf32>
          tpu.vector_store %arg10[%swap3A_218, %swap3A_219], %swap3A_222 {strides = array<i32>} : memref<80x128xf32, #tpu.memory_space<vmem>>, vector<1x16xf32>,
          %get3A_223 = arith.index_cast %add3A_182 : i32 to index
          %get3A_224 = arith.constant 64 : index
          %get3A_225 = tpu.vector_load %arg10[%get3A_223, %get3A_224] {strides = array<i32>} : memref<80x128xf32, #tpu.memory_space<vmem>>, vector<1x16xf32>,
          %get3A_226 = vector.shape_cast %get3A_225 : vector<1x16xf32> to vector<16xf32>
          %mul3A_227 = arith.mulf %get3A_226, %gather3A_178 : vector<16xf32>
          %swap3A_228 = arith.index_cast %add3A_182 : i32 to index
          %swap3A_229 = arith.constant 64 : index
          %swap3A_230 = tpu.vector_load %arg10[%swap3A_228, %swap3A_229] {strides = array<i32>} : memref<80x128xf32, #tpu.memory_space<vmem>>, vector<1x16xf32>,
          %swap3A_231 = vector.shape_cast %swap3A_230 : vector<1x16xf32> to vector<16xf32>
          %swap3A_232 = vector.shape_cast %mul3A_227 : vector<16xf32> to vector<1x16xf32>
          tpu.vector_store %arg10[%swap3A_228, %swap3A_229], %swap3A_232 {strides = array<i32>} : memref<80x128xf32, #tpu.memory_space<vmem>>, vector<1x16xf32>,
          %get3A_233 = arith.index_cast %add3A_182 : i32 to index
          %get3A_234 = arith.constant 80 : index
          %get3A_235 = tpu.vector_load %arg10[%get3A_233, %get3A_234] {strides = array<i32>} : memref<80x128xf32, #tpu.memory_space<vmem>>, vector<1x16xf32>,
          %get3A_236 = vector.shape_cast %get3A_235 : vector<1x16xf32> to vector<16xf32>
          %mul3A_237 = arith.mulf %get3A_236, %gather3A_178 : vector<16xf32>
          %swap3A_238 = arith.index_cast %add3A_182 : i32 to index
          %swap3A_239 = arith.constant 80 : index
          %swap3A_240 = tpu.vector_load %arg10[%swap3A_238, %swap3A_239] {strides = array<i32>} : memref<80x128xf32, #tpu.memory_space<vmem>>, vector<1x16xf32>,
          %swap3A_241 = vector.shape_cast %swap3A_240 : vector<1x16xf32> to vector<16xf32>
          %swap3A_242 = vector.shape_cast %mul3A_237 : vector<16xf32> to vector<1x16xf32>
          tpu.vector_store %arg10[%swap3A_238, %swap3A_239], %swap3A_242 {strides = array<i32>} : memref<80x128xf32, #tpu.memory_space<vmem>>, vector<1x16xf32>,
          %get3A_243 = arith.index_cast %add3A_182 : i32 to index
          %get3A_244 = arith.constant 96 : index
          %get3A_245 = tpu.vector_load %arg10[%get3A_243, %get3A_244] {strides = array<i32>} : memref<80x128xf32, #tpu.memory_space<vmem>>, vector<1x16xf32>,
          %get3A_246 = vector.shape_cast %get3A_245 : vector<1x16xf32> to vector<16xf32>
          %mul3A_247 = arith.mulf %get3A_246, %gather3A_178 : vector<16xf32>
          %swap3A_248 = arith.index_cast %add3A_182 : i32 to index
          %swap3A_249 = arith.constant 96 : index
          %swap3A_250 = tpu.vector_load %arg10[%swap3A_248, %swap3A_249] {strides = array<i32>} : memref<80x128xf32, #tpu.memory_space<vmem>>, vector<1x16xf32>,
          %swap3A_251 = vector.shape_cast %swap3A_250 : vector<1x16xf32> to vector<16xf32>
          %swap3A_252 = vector.shape_cast %mul3A_247 : vector<16xf32> to vector<1x16xf32>
          tpu.vector_store %arg10[%swap3A_248, %swap3A_249], %swap3A_252 {strides = array<i32>} : memref<80x128xf32, #tpu.memory_space<vmem>>, vector<1x16xf32>,
          %get3A_253 = arith.index_cast %add3A_182 : i32 to index
          %get3A_254 = arith.constant 112 : index
          %get3A_255 = tpu.vector_load %arg10[%get3A_253, %get3A_254] {strides = array<i32>} : memref<80x128xf32, #tpu.memory_space<vmem>>, vector<1x16xf32>,
          %get3A_256 = vector.shape_cast %get3A_255 : vector<1x16xf32> to vector<16xf32>
          %mul3A_257 = arith.mulf %get3A_256, %gather3A_178 : vector<16xf32>
          %swap3A_258 = arith.index_cast %add3A_182 : i32 to index
          %swap3A_259 = arith.constant 112 : index
          %swap3A_260 = tpu.vector_load %arg10[%swap3A_258, %swap3A_259] {strides = array<i32>} : memref<80x128xf32, #tpu.memory_space<vmem>>, vector<1x16xf32>,
          %swap3A_261 = vector.shape_cast %swap3A_260 : vector<1x16xf32> to vector<16xf32>
          %swap3A_262 = vector.shape_cast %mul3A_257 : vector<16xf32> to vector<1x16xf32>
          tpu.vector_store %arg10[%swap3A_258, %swap3A_259], %swap3A_262 {strides = array<i32>} : memref<80x128xf32, #tpu.memory_space<vmem>>, vector<1x16xf32>,
          %broadcast_in_dim3A_263 = arith.constant 2 : i32
          %broadcast_in_dim3A_264 = vector.broadcast %broadcast_in_dim3A_263 : i32 to vector<16x1xi32>
          %gather3A_265 = vector.shape_cast %broadcast_in_dim3A_264 : vector<16x1xi32> to vector<16xi32>
          %gather3A_266 = tpu.dynamic_gather %get3A_88[%gather3A_265] in [0] : vector<16xf32>, vector<16xi32> -> vector<16xf32>
          %mul3A_267 = arith.constant 16 : i32
          %mul3A_268 = arith.muli %scan3A_82, %mul3A_267 : i32
          %add3A_269 = arith.constant 2 : i32
          %add3A_270 = arith.addi %mul3A_268, %add3A_269 : i32
          %get3A_271 = arith.index_cast %add3A_270 : i32 to index
          %get3A_272 = arith.constant 0 : index
          %get3A_273 = tpu.vector_load %arg10[%get3A_271, %get3A_272] {strides = array<i32>} : memref<80x128xf32, #tpu.memory_space<vmem>>, vector<1x16xf32>,
          %get3A_274 = vector.shape_cast %get3A_273 : vector<1x16xf32> to vector<16xf32>
          %mul3A_275 = arith.mulf %get3A_274, %gather3A_266 : vector<16xf32>
          %swap3A_276 = arith.index_cast %add3A_270 : i32 to index
          %swap3A_277 = arith.constant 0 : index
          %swap3A_278 = tpu.vector_load %arg10[%swap3A_276, %swap3A_277] {strides = array<i32>} : memref<80x128xf32, #tpu.memory_space<vmem>>, vector<1x16xf32>,
          %swap3A_279 = vector.shape_cast %swap3A_278 : vector<1x16xf32> to vector<16xf32>
          %swap3A_280 = vector.shape_cast %mul3A_275 : vector<16xf32> to vector<1x16xf32>
          tpu.vector_store %arg10[%swap3A_276, %swap3A_277], %swap3A_280 {strides = array<i32>} : memref<80x128xf32, #tpu.memory_space<vmem>>, vector<1x16xf32>,
          %get3A_281 = arith.index_cast %add3A_270 : i32 to index
          %get3A_282 = arith.constant 16 : index
          %get3A_283 = tpu.vector_load %arg10[%get3A_281, %get3A_282] {strides = array<i32>} : memref<80x128xf32, #tpu.memory_space<vmem>>, vector<1x16xf32>,
          %get3A_284 = vector.shape_cast %get3A_283 : vector<1x16xf32> to vector<16xf32>
          %mul3A_285 = arith.mulf %get3A_284, %gather3A_266 : vector<16xf32>
          %swap3A_286 = arith.index_cast %add3A_270 : i32 to index
          %swap3A_287 = arith.constant 16 : index
          %swap3A_288 = tpu.vector_load %arg10[%swap3A_286, %swap3A_287] {strides = array<i32>} : memref<80x128xf32, #tpu.memory_space<vmem>>, vector<1x16xf32>,
          %swap3A_289 = vector.shape_cast %swap3A_288 : vector<1x16xf32> to vector<16xf32>
          %swap3A_290 = vector.shape_cast %mul3A_285 : vector<16xf32> to vector<1x16xf32>
          tpu.vector_store %arg10[%swap3A_286, %swap3A_287], %swap3A_290 {strides = array<i32>} : memref<80x128xf32, #tpu.memory_space<vmem>>, vector<1x16xf32>,
          %get3A_291 = arith.index_cast %add3A_270 : i32 to index
          %get3A_292 = arith.constant 32 : index
          %get3A_293 = tpu.vector_load %arg10[%get3A_291, %get3A_292] {strides = array<i32>} : memref<80x128xf32, #tpu.memory_space<vmem>>, vector<1x16xf32>,
          %get3A_294 = vector.shape_cast %get3A_293 : vector<1x16xf32> to vector<16xf32>
          %mul3A_295 = arith.mulf %get3A_294, %gather3A_266 : vector<16xf32>
          %swap3A_296 = arith.index_cast %add3A_270 : i32 to index
          %swap3A_297 = arith.constant 32 : index
          %swap3A_298 = tpu.vector_load %arg10[%swap3A_296, %swap3A_297] {strides = array<i32>} : memref<80x128xf32, #tpu.memory_space<vmem>>, vector<1x16xf32>,
          %swap3A_299 = vector.shape_cast %swap3A_298 : vector<1x16xf32> to vector<16xf32>
          %swap3A_300 = vector.shape_cast %mul3A_295 : vector<16xf32> to vector<1x16xf32>
          tpu.vector_store %arg10[%swap3A_296, %swap3A_297], %swap3A_300 {strides = array<i32>} : memref<80x128xf32, #tpu.memory_space<vmem>>, vector<1x16xf32>,
          %get3A_301 = arith.index_cast %add3A_270 : i32 to index
          %get3A_302 = arith.constant 48 : index
          %get3A_303 = tpu.vector_load %arg10[%get3A_301, %get3A_302] {strides = array<i32>} : memref<80x128xf32, #tpu.memory_space<vmem>>, vector<1x16xf32>,
          %get3A_304 = vector.shape_cast %get3A_303 : vector<1x16xf32> to vector<16xf32>
          %mul3A_305 = arith.mulf %get3A_304, %gather3A_266 : vector<16xf32>
          %swap3A_306 = arith.index_cast %add3A_270 : i32 to index
          %swap3A_307 = arith.constant 48 : index
          %swap3A_308 = tpu.vector_load %arg10[%swap3A_306, %swap3A_307] {strides = array<i32>} : memref<80x128xf32, #tpu.memory_space<vmem>>, vector<1x16xf32>,
          %swap3A_309 = vector.shape_cast %swap3A_308 : vector<1x16xf32> to vector<16xf32>
          %swap3A_310 = vector.shape_cast %mul3A_305 : vector<16xf32> to vector<1x16xf32>
          tpu.vector_store %arg10[%swap3A_306, %swap3A_307], %swap3A_310 {strides = array<i32>} : memref<80x128xf32, #tpu.memory_space<vmem>>, vector<1x16xf32>,
          %get3A_311 = arith.index_cast %add3A_270 : i32 to index
          %get3A_312 = arith.constant 64 : index
          %get3A_313 = tpu.vector_load %arg10[%get3A_311, %get3A_312] {strides = array<i32>} : memref<80x128xf32, #tpu.memory_space<vmem>>, vector<1x16xf32>,
          %get3A_314 = vector.shape_cast %get3A_313 : vector<1x16xf32> to vector<16xf32>
          %mul3A_315 = arith.mulf %get3A_314, %gather3A_266 : vector<16xf32>
          %swap3A_316 = arith.index_cast %add3A_270 : i32 to index
          %swap3A_317 = arith.constant 64 : index
          %swap3A_318 = tpu.vector_load %arg10[%swap3A_316, %swap3A_317] {strides = array<i32>} : memref<80x128xf32, #tpu.memory_space<vmem>>, vector<1x16xf32>,
          %swap3A_319 = vector.shape_cast %swap3A_318 : vector<1x16xf32> to vector<16xf32>
          %swap3A_320 = vector.shape_cast %mul3A_315 : vector<16xf32> to vector<1x16xf32>
          tpu.vector_store %arg10[%swap3A_316, %swap3A_317], %swap3A_320 {strides = array<i32>} : memref<80x128xf32, #tpu.memory_space<vmem>>, vector<1x16xf32>,
          %get3A_321 = arith.index_cast %add3A_270 : i32 to index
          %get3A_322 = arith.constant 80 : index
          %get3A_323 = tpu.vector_load %arg10[%get3A_321, %get3A_322] {strides = array<i32>} : memref<80x128xf32, #tpu.memory_space<vmem>>, vector<1x16xf32>,
          %get3A_324 = vector.shape_cast %get3A_323 : vector<1x16xf32> to vector<16xf32>
          %mul3A_325 = arith.mulf %get3A_324, %gather3A_266 : vector<16xf32>
          %swap3A_326 = arith.index_cast %add3A_270 : i32 to index
          %swap3A_327 = arith.constant 80 : index
          %swap3A_328 = tpu.vector_load %arg10[%swap3A_326, %swap3A_327] {strides = array<i32>} : memref<80x128xf32, #tpu.memory_space<vmem>>, vector<1x16xf32>,
          %swap3A_329 = vector.shape_cast %swap3A_328 : vector<1x16xf32> to vector<16xf32>
          %swap3A_330 = vector.shape_cast %mul3A_325 : vector<16xf32> to vector<1x16xf32>
          tpu.vector_store %arg10[%swap3A_326, %swap3A_327], %swap3A_330 {strides = array<i32>} : memref<80x128xf32, #tpu.memory_space<vmem>>, vector<1x16xf32>,
          %get3A_331 = arith.index_cast %add3A_270 : i32 to index
          %get3A_332 = arith.constant 96 : index
          %get3A_333 = tpu.vector_load %arg10[%get3A_331, %get3A_332] {strides = array<i32>} : memref<80x128xf32, #tpu.memory_space<vmem>>, vector<1x16xf32>,
          %get3A_334 = vector.shape_cast %get3A_333 : vector<1x16xf32> to vector<16xf32>
          %mul3A_335 = arith.mulf %get3A_334, %gather3A_266 : vector<16xf32>
          %swap3A_336 = arith.index_cast %add3A_270 : i32 to index
          %swap3A_337 = arith.constant 96 : index
          %swap3A_338 = tpu.vector_load %arg10[%swap3A_336, %swap3A_337] {strides = array<i32>} : memref<80x128xf32, #tpu.memory_space<vmem>>, vector<1x16xf32>,
          %swap3A_339 = vector.shape_cast %swap3A_338 : vector<1x16xf32> to vector<16xf32>
          %swap3A_340 = vector.shape_cast %mul3A_335 : vector<16xf32> to vector<1x16xf32>
          tpu.vector_store %arg10[%swap3A_336, %swap3A_337], %swap3A_340 {strides = array<i32>} : memref<80x128xf32, #tpu.memory_space<vmem>>, vector<1x16xf32>,
          %get3A_341 = arith.index_cast %add3A_270 : i32 to index
          %get3A_342 = arith.constant 112 : index
          %get3A_343 = tpu.vector_load %arg10[%get3A_341, %get3A_342] {strides = array<i32>} : memref<80x128xf32, #tpu.memory_space<vmem>>, vector<1x16xf32>,
          %get3A_344 = vector.shape_cast %get3A_343 : vector<1x16xf32> to vector<16xf32>
          %mul3A_345 = arith.mulf %get3A_344, %gather3A_266 : vector<16xf32>
          %swap3A_346 = arith.index_cast %add3A_270 : i32 to index
          %swap3A_347 = arith.constant 112 : index
          %swap3A_348 = tpu.vector_load %arg10[%swap3A_346, %swap3A_347] {strides = array<i32>} : memref<80x128xf32, #tpu.memory_space<vmem>>, vector<1x16xf32>,
          %swap3A_349 = vector.shape_cast %swap3A_348 : vector<1x16xf32> to vector<16xf32>
          %swap3A_350 = vector.shape_cast %mul3A_345 : vector<16xf32> to vector<1x16xf32>
          tpu.vector_store %arg10[%swap3A_346, %swap3A_347], %swap3A_350 {strides = array<i32>} : memref<80x128xf32, #tpu.memory_space<vmem>>, vector<1x16xf32>,
          %broadcast_in_dim3A_351 = arith.constant 3 : i32
          %broadcast_in_dim3A_352 = vector.broadcast %broadcast_in_dim3A_351 : i32 to vector<16x1xi32>
          %gather3A_353 = vector.shape_cast %broadcast_in_dim3A_352 : vector<16x1xi32> to vector<16xi32>
          %gather3A_354 = tpu.dynamic_gather %get3A_88[%gather3A_353] in [0] : vector<16xf32>, vector<16xi32> -> vector<16xf32>
          %mul3A_355 = arith.constant 16 : i32
          %mul3A_356 = arith.muli %scan3A_82, %mul3A_355 : i32
          %add3A_357 = arith.constant 3 : i32
          %add3A_358 = arith.addi %mul3A_356, %add3A_357 : i32
          %get3A_359 = arith.index_cast %add3A_358 : i32 to index
          %get3A_360 = arith.constant 0 : index
          %get3A_361 = tpu.vector_load %arg10[%get3A_359, %get3A_360] {strides = array<i32>} : memref<80x128xf32, #tpu.memory_space<vmem>>, vector<1x16xf32>,
          %get3A_362 = vector.shape_cast %get3A_361 : vector<1x16xf32> to vector<16xf32>
          %mul3A_363 = arith.mulf %get3A_362, %gather3A_354 : vector<16xf32>
          %swap3A_364 = arith.index_cast %add3A_358 : i32 to index
          %swap3A_365 = arith.constant 0 : index
          %swap3A_366 = tpu.vector_load %arg10[%swap3A_364, %swap3A_365] {strides = array<i32>} : memref<80x128xf32, #tpu.memory_space<vmem>>, vector<1x16xf32>,
          %swap3A_367 = vector.shape_cast %swap3A_366 : vector<1x16xf32> to vector<16xf32>
          %swap3A_368 = vector.shape_cast %mul3A_363 : vector<16xf32> to vector<1x16xf32>
          tpu.vector_store %arg10[%swap3A_364, %swap3A_365], %swap3A_368 {strides = array<i32>} : memref<80x128xf32, #tpu.memory_space<vmem>>, vector<1x16xf32>,
          %get3A_369 = arith.index_cast %add3A_358 : i32 to index
          %get3A_370 = arith.constant 16 : index
          %get3A_371 = tpu.vector_load %arg10[%get3A_369, %get3A_370] {strides = array<i32>} : memref<80x128xf32, #tpu.memory_space<vmem>>, vector<1x16xf32>,
          %get3A_372 = vector.shape_cast %get3A_371 : vector<1x16xf32> to vector<16xf32>
          %mul3A_373 = arith.mulf %get3A_372, %gather3A_354 : vector<16xf32>
          %swap3A_374 = arith.index_cast %add3A_358 : i32 to index
          %swap3A_375 = arith.constant 16 : index
          %swap3A_376 = tpu.vector_load %arg10[%swap3A_374, %swap3A_375] {strides = array<i32>} : memref<80x128xf32, #tpu.memory_space<vmem>>, vector<1x16xf32>,
          %swap3A_377 = vector.shape_cast %swap3A_376 : vector<1x16xf32> to vector<16xf32>
          %swap3A_378 = vector.shape_cast %mul3A_373 : vector<16xf32> to vector<1x16xf32>
          tpu.vector_store %arg10[%swap3A_374, %swap3A_375], %swap3A_378 {strides = array<i32>} : memref<80x128xf32, #tpu.memory_space<vmem>>, vector<1x16xf32>,
          %get3A_379 = arith.index_cast %add3A_358 : i32 to index
          %get3A_380 = arith.constant 32 : index
          %get3A_381 = tpu.vector_load %arg10[%get3A_379, %get3A_380] {strides = array<i32>} : memref<80x128xf32, #tpu.memory_space<vmem>>, vector<1x16xf32>,
          %get3A_382 = vector.shape_cast %get3A_381 : vector<1x16xf32> to vector<16xf32>
          %mul3A_383 = arith.mulf %get3A_382, %gather3A_354 : vector<16xf32>
          %swap3A_384 = arith.index_cast %add3A_358 : i32 to index
          %swap3A_385 = arith.constant 32 : index
          %swap3A_386 = tpu.vector_load %arg10[%swap3A_384, %swap3A_385] {strides = array<i32>} : memref<80x128xf32, #tpu.memory_space<vmem>>, vector<1x16xf32>,
          %swap3A_387 = vector.shape_cast %swap3A_386 : vector<1x16xf32> to vector<16xf32>
          %swap3A_388 = vector.shape_cast %mul3A_383 : vector<16xf32> to vector<1x16xf32>
          tpu.vector_store %arg10[%swap3A_384, %swap3A_385], %swap3A_388 {strides = array<i32>} : memref<80x128xf32, #tpu.memory_space<vmem>>, vector<1x16xf32>,
          %get3A_389 = arith.index_cast %add3A_358 : i32 to index
          %get3A_390 = arith.constant 48 : index
          %get3A_391 = tpu.vector_load %arg10[%get3A_389, %get3A_390] {strides = array<i32>} : memref<80x128xf32, #tpu.memory_space<vmem>>, vector<1x16xf32>,
          %get3A_392 = vector.shape_cast %get3A_391 : vector<1x16xf32> to vector<16xf32>
          %mul3A_393 = arith.mulf %get3A_392, %gather3A_354 : vector<16xf32>
          %swap3A_394 = arith.index_cast %add3A_358 : i32 to index
          %swap3A_395 = arith.constant 48 : index
          %swap3A_396 = tpu.vector_load %arg10[%swap3A_394, %swap3A_395] {strides = array<i32>} : memref<80x128xf32, #tpu.memory_space<vmem>>, vector<1x16xf32>,
          %swap3A_397 = vector.shape_cast %swap3A_396 : vector<1x16xf32> to vector<16xf32>
          %swap3A_398 = vector.shape_cast %mul3A_393 : vector<16xf32> to vector<1x16xf32>
          tpu.vector_store %arg10[%swap3A_394, %swap3A_395], %swap3A_398 {strides = array<i32>} : memref<80x128xf32, #tpu.memory_space<vmem>>, vector<1x16xf32>,
          %get3A_399 = arith.index_cast %add3A_358 : i32 to index
          %get3A_400 = arith.constant 64 : index
          %get3A_401 = tpu.vector_load %arg10[%get3A_399, %get3A_400] {strides = array<i32>} : memref<80x128xf32, #tpu.memory_space<vmem>>, vector<1x16xf32>,
          %get3A_402 = vector.shape_cast %get3A_401 : vector<1x16xf32> to vector<16xf32>
          %mul3A_403 = arith.mulf %get3A_402, %gather3A_354 : vector<16xf32>
          %swap3A_404 = arith.index_cast %add3A_358 : i32 to index
          %swap3A_405 = arith.constant 64 : index
          %swap3A_406 = tpu.vector_load %arg10[%swap3A_404, %swap3A_405] {strides = array<i32>} : memref<80x128xf32, #tpu.memory_space<vmem>>, vector<1x16xf32>,
          %swap3A_407 = vector.shape_cast %swap3A_406 : vector<1x16xf32> to vector<16xf32>
          %swap3A_408 = vector.shape_cast %mul3A_403 : vector<16xf32> to vector<1x16xf32>
          tpu.vector_store %arg10[%swap3A_404, %swap3A_405], %swap3A_408 {strides = array<i32>} : memref<80x128xf32, #tpu.memory_space<vmem>>, vector<1x16xf32>,
          %get3A_409 = arith.index_cast %add3A_358 : i32 to index
          %get3A_410 = arith.constant 80 : index
          %get3A_411 = tpu.vector_load %arg10[%get3A_409, %get3A_410] {strides = array<i32>} : memref<80x128xf32, #tpu.memory_space<vmem>>, vector<1x16xf32>,
          %get3A_412 = vector.shape_cast %get3A_411 : vector<1x16xf32> to vector<16xf32>
          %mul3A_413 = arith.mulf %get3A_412, %gather3A_354 : vector<16xf32>
          %swap3A_414 = arith.index_cast %add3A_358 : i32 to index
          %swap3A_415 = arith.constant 80 : index
          %swap3A_416 = tpu.vector_load %arg10[%swap3A_414, %swap3A_415] {strides = array<i32>} : memref<80x128xf32, #tpu.memory_space<vmem>>, vector<1x16xf32>,
          %swap3A_417 = vector.shape_cast %swap3A_416 : vector<1x16xf32> to vector<16xf32>
          %swap3A_418 = vector.shape_cast %mul3A_413 : vector<16xf32> to vector<1x16xf32>
          tpu.vector_store %arg10[%swap3A_414, %swap3A_415], %swap3A_418 {strides = array<i32>} : memref<80x128xf32, #tpu.memory_space<vmem>>, vector<1x16xf32>,
          %get3A_419 = arith.index_cast %add3A_358 : i32 to index
          %get3A_420 = arith.constant 96 : index
          %get3A_421 = tpu.vector_load %arg10[%get3A_419, %get3A_420] {strides = array<i32>} : memref<80x128xf32, #tpu.memory_space<vmem>>, vector<1x16xf32>,
          %get3A_422 = vector.shape_cast %get3A_421 : vector<1x16xf32> to vector<16xf32>
          %mul3A_423 = arith.mulf %get3A_422, %gather3A_354 : vector<16xf32>
          %swap3A_424 = arith.index_cast %add3A_358 : i32 to index
          %swap3A_425 = arith.constant 96 : index
          %swap3A_426 = tpu.vector_load %arg10[%swap3A_424, %swap3A_425] {strides = array<i32>} : memref<80x128xf32, #tpu.memory_space<vmem>>, vector<1x16xf32>,
          %swap3A_427 = vector.shape_cast %swap3A_426 : vector<1x16xf32> to vector<16xf32>
          %swap3A_428 = vector.shape_cast %mul3A_423 : vector<16xf32> to vector<1x16xf32>
          tpu.vector_store %arg10[%swap3A_424, %swap3A_425], %swap3A_428 {strides = array<i32>} : memref<80x128xf32, #tpu.memory_space<vmem>>, vector<1x16xf32>,
          %get3A_429 = arith.index_cast %add3A_358 : i32 to index
          %get3A_430 = arith.constant 112 : index
          %get3A_431 = tpu.vector_load %arg10[%get3A_429, %get3A_430] {strides = array<i32>} : memref<80x128xf32, #tpu.memory_space<vmem>>, vector<1x16xf32>,
          %get3A_432 = vector.shape_cast %get3A_431 : vector<1x16xf32> to vector<16xf32>
          %mul3A_433 = arith.mulf %get3A_432, %gather3A_354 : vector<16xf32>
          %swap3A_434 = arith.index_cast %add3A_358 : i32 to index
          %swap3A_435 = arith.constant 112 : index
          %swap3A_436 = tpu.vector_load %arg10[%swap3A_434, %swap3A_435] {strides = array<i32>} : memref<80x128xf32, #tpu.memory_space<vmem>>, vector<1x16xf32>,
          %swap3A_437 = vector.shape_cast %swap3A_436 : vector<1x16xf32> to vector<16xf32>
          %swap3A_438 = vector.shape_cast %mul3A_433 : vector<16xf32> to vector<1x16xf32>
          tpu.vector_store %arg10[%swap3A_434, %swap3A_435], %swap3A_438 {strides = array<i32>} : memref<80x128xf32, #tpu.memory_space<vmem>>, vector<1x16xf32>,
          %broadcast_in_dim3A_439 = arith.constant 4 : i32
          %broadcast_in_dim3A_440 = vector.broadcast %broadcast_in_dim3A_439 : i32 to vector<16x1xi32>
          %gather3A_441 = vector.shape_cast %broadcast_in_dim3A_440 : vector<16x1xi32> to vector<16xi32>
          %gather3A_442 = tpu.dynamic_gather %get3A_88[%gather3A_441] in [0] : vector<16xf32>, vector<16xi32> -> vector<16xf32>
          %mul3A_443 = arith.constant 16 : i32
          %mul3A_444 = arith.muli %scan3A_82, %mul3A_443 : i32
          %add3A_445 = arith.constant 4 : i32
          %add3A_446 = arith.addi %mul3A_444, %add3A_445 : i32
          %get3A_447 = arith.index_cast %add3A_446 : i32 to index
          %get3A_448 = arith.constant 0 : index
          %get3A_449 = tpu.vector_load %arg10[%get3A_447, %get3A_448] {strides = array<i32>} : memref<80x128xf32, #tpu.memory_space<vmem>>, vector<1x16xf32>,
          %get3A_450 = vector.shape_cast %get3A_449 : vector<1x16xf32> to vector<16xf32>
          %mul3A_451 = arith.mulf %get3A_450, %gather3A_442 : vector<16xf32>
          %swap3A_452 = arith.index_cast %add3A_446 : i32 to index
          %swap3A_453 = arith.constant 0 : index
          %swap3A_454 = tpu.vector_load %arg10[%swap3A_452, %swap3A_453] {strides = array<i32>} : memref<80x128xf32, #tpu.memory_space<vmem>>, vector<1x16xf32>,
          %swap3A_455 = vector.shape_cast %swap3A_454 : vector<1x16xf32> to vector<16xf32>
          %swap3A_456 = vector.shape_cast %mul3A_451 : vector<16xf32> to vector<1x16xf32>
          tpu.vector_store %arg10[%swap3A_452, %swap3A_453], %swap3A_456 {strides = array<i32>} : memref<80x128xf32, #tpu.memory_space<vmem>>, vector<1x16xf32>,
          %get3A_457 = arith.index_cast %add3A_446 : i32 to index
          %get3A_458 = arith.constant 16 : index
          %get3A_459 = tpu.vector_load %arg10[%get3A_457, %get3A_458] {strides = array<i32>} : memref<80x128xf32, #tpu.memory_space<vmem>>, vector<1x16xf32>,
          %get3A_460 = vector.shape_cast %get3A_459 : vector<1x16xf32> to vector<16xf32>
          %mul3A_461 = arith.mulf %get3A_460, %gather3A_442 : vector<16xf32>
          %swap3A_462 = arith.index_cast %add3A_446 : i32 to index
          %swap3A_463 = arith.constant 16 : index
          %swap3A_464 = tpu.vector_load %arg10[%swap3A_462, %swap3A_463] {strides = array<i32>} : memref<80x128xf32, #tpu.memory_space<vmem>>, vector<1x16xf32>,
          %swap3A_465 = vector.shape_cast %swap3A_464 : vector<1x16xf32> to vector<16xf32>
          %swap3A_466 = vector.shape_cast %mul3A_461 : vector<16xf32> to vector<1x16xf32>
          tpu.vector_store %arg10[%swap3A_462, %swap3A_463], %swap3A_466 {strides = array<i32>} : memref<80x128xf32, #tpu.memory_space<vmem>>, vector<1x16xf32>,
          %get3A_467 = arith.index_cast %add3A_446 : i32 to index
          %get3A_468 = arith.constant 32 : index
          %get3A_469 = tpu.vector_load %arg10[%get3A_467, %get3A_468] {strides = array<i32>} : memref<80x128xf32, #tpu.memory_space<vmem>>, vector<1x16xf32>,
          %get3A_470 = vector.shape_cast %get3A_469 : vector<1x16xf32> to vector<16xf32>
          %mul3A_471 = arith.mulf %get3A_470, %gather3A_442 : vector<16xf32>
          %swap3A_472 = arith.index_cast %add3A_446 : i32 to index
          %swap3A_473 = arith.constant 32 : index
          %swap3A_474 = tpu.vector_load %arg10[%swap3A_472, %swap3A_473] {strides = array<i32>} : memref<80x128xf32, #tpu.memory_space<vmem>>, vector<1x16xf32>,
          %swap3A_475 = vector.shape_cast %swap3A_474 : vector<1x16xf32> to vector<16xf32>
          %swap3A_476 = vector.shape_cast %mul3A_471 : vector<16xf32> to vector<1x16xf32>
          tpu.vector_store %arg10[%swap3A_472, %swap3A_473], %swap3A_476 {strides = array<i32>} : memref<80x128xf32, #tpu.memory_space<vmem>>, vector<1x16xf32>,
          %get3A_477 = arith.index_cast %add3A_446 : i32 to index
          %get3A_478 = arith.constant 48 : index
          %get3A_479 = tpu.vector_load %arg10[%get3A_477, %get3A_478] {strides = array<i32>} : memref<80x128xf32, #tpu.memory_space<vmem>>, vector<1x16xf32>,
          %get3A_480 = vector.shape_cast %get3A_479 : vector<1x16xf32> to vector<16xf32>
          %mul3A_481 = arith.mulf %get3A_480, %gather3A_442 : vector<16xf32>
          %swap3A_482 = arith.index_cast %add3A_446 : i32 to index
          %swap3A_483 = arith.constant 48 : index
          %swap3A_484 = tpu.vector_load %arg10[%swap3A_482, %swap3A_483] {strides = array<i32>} : memref<80x128xf32, #tpu.memory_space<vmem>>, vector<1x16xf32>,
          %swap3A_485 = vector.shape_cast %swap3A_484 : vector<1x16xf32> to vector<16xf32>
          %swap3A_486 = vector.shape_cast %mul3A_481 : vector<16xf32> to vector<1x16xf32>
          tpu.vector_store %arg10[%swap3A_482, %swap3A_483], %swap3A_486 {strides = array<i32>} : memref<80x128xf32, #tpu.memory_space<vmem>>, vector<1x16xf32>,
          %get3A_487 = arith.index_cast %add3A_446 : i32 to index
          %get3A_488 = arith.constant 64 : index
          %get3A_489 = tpu.vector_load %arg10[%get3A_487, %get3A_488] {strides = array<i32>} : memref<80x128xf32, #tpu.memory_space<vmem>>, vector<1x16xf32>,
          %get3A_490 = vector.shape_cast %get3A_489 : vector<1x16xf32> to vector<16xf32>
          %mul3A_491 = arith.mulf %get3A_490, %gather3A_442 : vector<16xf32>
          %swap3A_492 = arith.index_cast %add3A_446 : i32 to index
          %swap3A_493 = arith.constant 64 : index
          %swap3A_494 = tpu.vector_load %arg10[%swap3A_492, %swap3A_493] {strides = array<i32>} : memref<80x128xf32, #tpu.memory_space<vmem>>, vector<1x16xf32>,
          %swap3A_495 = vector.shape_cast %swap3A_494 : vector<1x16xf32> to vector<16xf32>
          %swap3A_496 = vector.shape_cast %mul3A_491 : vector<16xf32> to vector<1x16xf32>
          tpu.vector_store %arg10[%swap3A_492, %swap3A_493], %swap3A_496 {strides = array<i32>} : memref<80x128xf32, #tpu.memory_space<vmem>>, vector<1x16xf32>,
          %get3A_497 = arith.index_cast %add3A_446 : i32 to index
          %get3A_498 = arith.constant 80 : index
          %get3A_499 = tpu.vector_load %arg10[%get3A_497, %get3A_498] {strides = array<i32>} : memref<80x128xf32, #tpu.memory_space<vmem>>, vector<1x16xf32>,
          %get3A_500 = vector.shape_cast %get3A_499 : vector<1x16xf32> to vector<16xf32>
          %mul3A_501 = arith.mulf %get3A_500, %gather3A_442 : vector<16xf32>
          %swap3A_502 = arith.index_cast %add3A_446 : i32 to index
          %swap3A_503 = arith.constant 80 : index
          %swap3A_504 = tpu.vector_load %arg10[%swap3A_502, %swap3A_503] {strides = array<i32>} : memref<80x128xf32, #tpu.memory_space<vmem>>, vector<1x16xf32>,
          %swap3A_505 = vector.shape_cast %swap3A_504 : vector<1x16xf32> to vector<16xf32>
          %swap3A_506 = vector.shape_cast %mul3A_501 : vector<16xf32> to vector<1x16xf32>
          tpu.vector_store %arg10[%swap3A_502, %swap3A_503], %swap3A_506 {strides = array<i32>} : memref<80x128xf32, #tpu.memory_space<vmem>>, vector<1x16xf32>,
          %get3A_507 = arith.index_cast %add3A_446 : i32 to index
          %get3A_508 = arith.constant 96 : index
          %get3A_509 = tpu.vector_load %arg10[%get3A_507, %get3A_508] {strides = array<i32>} : memref<80x128xf32, #tpu.memory_space<vmem>>, vector<1x16xf32>,
          %get3A_510 = vector.shape_cast %get3A_509 : vector<1x16xf32> to vector<16xf32>
          %mul3A_511 = arith.mulf %get3A_510, %gather3A_442 : vector<16xf32>
          %swap3A_512 = arith.index_cast %add3A_446 : i32 to index
          %swap3A_513 = arith.constant 96 : index
          %swap3A_514 = tpu.vector_load %arg10[%swap3A_512, %swap3A_513] {strides = array<i32>} : memref<80x128xf32, #tpu.memory_space<vmem>>, vector<1x16xf32>,
          %swap3A_515 = vector.shape_cast %swap3A_514 : vector<1x16xf32> to vector<16xf32>
          %swap3A_516 = vector.shape_cast %mul3A_511 : vector<16xf32> to vector<1x16xf32>
          tpu.vector_store %arg10[%swap3A_512, %swap3A_513], %swap3A_516 {strides = array<i32>} : memref<80x128xf32, #tpu.memory_space<vmem>>, vector<1x16xf32>,
          %get3A_517 = arith.index_cast %add3A_446 : i32 to index
          %get3A_518 = arith.constant 112 : index
          %get3A_519 = tpu.vector_load %arg10[%get3A_517, %get3A_518] {strides = array<i32>} : memref<80x128xf32, #tpu.memory_space<vmem>>, vector<1x16xf32>,
          %get3A_520 = vector.shape_cast %get3A_519 : vector<1x16xf32> to vector<16xf32>
          %mul3A_521 = arith.mulf %get3A_520, %gather3A_442 : vector<16xf32>
          %swap3A_522 = arith.index_cast %add3A_446 : i32 to index
          %swap3A_523 = arith.constant 112 : index
          %swap3A_524 = tpu.vector_load %arg10[%swap3A_522, %swap3A_523] {strides = array<i32>} : memref<80x128xf32, #tpu.memory_space<vmem>>, vector<1x16xf32>,
          %swap3A_525 = vector.shape_cast %swap3A_524 : vector<1x16xf32> to vector<16xf32>
          %swap3A_526 = vector.shape_cast %mul3A_521 : vector<16xf32> to vector<1x16xf32>
          tpu.vector_store %arg10[%swap3A_522, %swap3A_523], %swap3A_526 {strides = array<i32>} : memref<80x128xf32, #tpu.memory_space<vmem>>, vector<1x16xf32>,
          %broadcast_in_dim3A_527 = arith.constant 5 : i32
          %broadcast_in_dim3A_528 = vector.broadcast %broadcast_in_dim3A_527 : i32 to vector<16x1xi32>
          %gather3A_529 = vector.shape_cast %broadcast_in_dim3A_528 : vector<16x1xi32> to vector<16xi32>
          %gather3A_530 = tpu.dynamic_gather %get3A_88[%gather3A_529] in [0] : vector<16xf32>, vector<16xi32> -> vector<16xf32>
          %mul3A_531 = arith.constant 16 : i32
          %mul3A_532 = arith.muli %scan3A_82, %mul3A_531 : i32
          %add3A_533 = arith.constant 5 : i32
          %add3A_534 = arith.addi %mul3A_532, %add3A_533 : i32
          %get3A_535 = arith.index_cast %add3A_534 : i32 to index
          %get3A_536 = arith.constant 0 : index
          %get3A_537 = tpu.vector_load %arg10[%get3A_535, %get3A_536] {strides = array<i32>} : memref<80x128xf32, #tpu.memory_space<vmem>>, vector<1x16xf32>,
          %get3A_538 = vector.shape_cast %get3A_537 : vector<1x16xf32> to vector<16xf32>
          %mul3A_539 = arith.mulf %get3A_538, %gather3A_530 : vector<16xf32>
          %swap3A_540 = arith.index_cast %add3A_534 : i32 to index
          %swap3A_541 = arith.constant 0 : index
          %swap3A_542 = tpu.vector_load %arg10[%swap3A_540, %swap3A_541] {strides = array<i32>} : memref<80x128xf32, #tpu.memory_space<vmem>>, vector<1x16xf32>,
          %swap3A_543 = vector.shape_cast %swap3A_542 : vector<1x16xf32> to vector<16xf32>
          %swap3A_544 = vector.shape_cast %mul3A_539 : vector<16xf32> to vector<1x16xf32>
          tpu.vector_store %arg10[%swap3A_540, %swap3A_541], %swap3A_544 {strides = array<i32>} : memref<80x128xf32, #tpu.memory_space<vmem>>, vector<1x16xf32>,
          %get3A_545 = arith.index_cast %add3A_534 : i32 to index
          %get3A_546 = arith.constant 16 : index
          %get3A_547 = tpu.vector_load %arg10[%get3A_545, %get3A_546] {strides = array<i32>} : memref<80x128xf32, #tpu.memory_space<vmem>>, vector<1x16xf32>,
          %get3A_548 = vector.shape_cast %get3A_547 : vector<1x16xf32> to vector<16xf32>
          %mul3A_549 = arith.mulf %get3A_548, %gather3A_530 : vector<16xf32>
          %swap3A_550 = arith.index_cast %add3A_534 : i32 to index
          %swap3A_551 = arith.constant 16 : index
          %swap3A_552 = tpu.vector_load %arg10[%swap3A_550, %swap3A_551] {strides = array<i32>} : memref<80x128xf32, #tpu.memory_space<vmem>>, vector<1x16xf32>,
          %swap3A_553 = vector.shape_cast %swap3A_552 : vector<1x16xf32> to vector<16xf32>
          %swap3A_554 = vector.shape_cast %mul3A_549 : vector<16xf32> to vector<1x16xf32>
          tpu.vector_store %arg10[%swap3A_550, %swap3A_551], %swap3A_554 {strides = array<i32>} : memref<80x128xf32, #tpu.memory_space<vmem>>, vector<1x16xf32>,
          %get3A_555 = arith.index_cast %add3A_534 : i32 to index
          %get3A_556 = arith.constant 32 : index
          %get3A_557 = tpu.vector_load %arg10[%get3A_555, %get3A_556] {strides = array<i32>} : memref<80x128xf32, #tpu.memory_space<vmem>>, vector<1x16xf32>,
          %get3A_558 = vector.shape_cast %get3A_557 : vector<1x16xf32> to vector<16xf32>
          %mul3A_559 = arith.mulf %get3A_558, %gather3A_530 : vector<16xf32>
          %swap3A_560 = arith.index_cast %add3A_534 : i32 to index
          %swap3A_561 = arith.constant 32 : index
          %swap3A_562 = tpu.vector_load %arg10[%swap3A_560, %swap3A_561] {strides = array<i32>} : memref<80x128xf32, #tpu.memory_space<vmem>>, vector<1x16xf32>,
          %swap3A_563 = vector.shape_cast %swap3A_562 : vector<1x16xf32> to vector<16xf32>
          %swap3A_564 = vector.shape_cast %mul3A_559 : vector<16xf32> to vector<1x16xf32>
          tpu.vector_store %arg10[%swap3A_560, %swap3A_561], %swap3A_564 {strides = array<i32>} : memref<80x128xf32, #tpu.memory_space<vmem>>, vector<1x16xf32>,
          %get3A_565 = arith.index_cast %add3A_534 : i32 to index
          %get3A_566 = arith.constant 48 : index
          %get3A_567 = tpu.vector_load %arg10[%get3A_565, %get3A_566] {strides = array<i32>} : memref<80x128xf32, #tpu.memory_space<vmem>>, vector<1x16xf32>,
          %get3A_568 = vector.shape_cast %get3A_567 : vector<1x16xf32> to vector<16xf32>
          %mul3A_569 = arith.mulf %get3A_568, %gather3A_530 : vector<16xf32>
          %swap3A_570 = arith.index_cast %add3A_534 : i32 to index
          %swap3A_571 = arith.constant 48 : index
          %swap3A_572 = tpu.vector_load %arg10[%swap3A_570, %swap3A_571] {strides = array<i32>} : memref<80x128xf32, #tpu.memory_space<vmem>>, vector<1x16xf32>,
          %swap3A_573 = vector.shape_cast %swap3A_572 : vector<1x16xf32> to vector<16xf32>
          %swap3A_574 = vector.shape_cast %mul3A_569 : vector<16xf32> to vector<1x16xf32>
          tpu.vector_store %arg10[%swap3A_570, %swap3A_571], %swap3A_574 {strides = array<i32>} : memref<80x128xf32, #tpu.memory_space<vmem>>, vector<1x16xf32>,
          %get3A_575 = arith.index_cast %add3A_534 : i32 to index
          %get3A_576 = arith.constant 64 : index
          %get3A_577 = tpu.vector_load %arg10[%get3A_575, %get3A_576] {strides = array<i32>} : memref<80x128xf32, #tpu.memory_space<vmem>>, vector<1x16xf32>,
          %get3A_578 = vector.shape_cast %get3A_577 : vector<1x16xf32> to vector<16xf32>
          %mul3A_579 = arith.mulf %get3A_578, %gather3A_530 : vector<16xf32>
          %swap3A_580 = arith.index_cast %add3A_534 : i32 to index
          %swap3A_581 = arith.constant 64 : index
          %swap3A_582 = tpu.vector_load %arg10[%swap3A_580, %swap3A_581] {strides = array<i32>} : memref<80x128xf32, #tpu.memory_space<vmem>>, vector<1x16xf32>,
          %swap3A_583 = vector.shape_cast %swap3A_582 : vector<1x16xf32> to vector<16xf32>
          %swap3A_584 = vector.shape_cast %mul3A_579 : vector<16xf32> to vector<1x16xf32>
          tpu.vector_store %arg10[%swap3A_580, %swap3A_581], %swap3A_584 {strides = array<i32>} : memref<80x128xf32, #tpu.memory_space<vmem>>, vector<1x16xf32>,
          %get3A_585 = arith.index_cast %add3A_534 : i32 to index
          %get3A_586 = arith.constant 80 : index
          %get3A_587 = tpu.vector_load %arg10[%get3A_585, %get3A_586] {strides = array<i32>} : memref<80x128xf32, #tpu.memory_space<vmem>>, vector<1x16xf32>,
          %get3A_588 = vector.shape_cast %get3A_587 : vector<1x16xf32> to vector<16xf32>
          %mul3A_589 = arith.mulf %get3A_588, %gather3A_530 : vector<16xf32>
          %swap3A_590 = arith.index_cast %add3A_534 : i32 to index
          %swap3A_591 = arith.constant 80 : index
          %swap3A_592 = tpu.vector_load %arg10[%swap3A_590, %swap3A_591] {strides = array<i32>} : memref<80x128xf32, #tpu.memory_space<vmem>>, vector<1x16xf32>,
          %swap3A_593 = vector.shape_cast %swap3A_592 : vector<1x16xf32> to vector<16xf32>
          %swap3A_594 = vector.shape_cast %mul3A_589 : vector<16xf32> to vector<1x16xf32>
          tpu.vector_store %arg10[%swap3A_590, %swap3A_591], %swap3A_594 {strides = array<i32>} : memref<80x128xf32, #tpu.memory_space<vmem>>, vector<1x16xf32>,
          %get3A_595 = arith.index_cast %add3A_534 : i32 to index
          %get3A_596 = arith.constant 96 : index
          %get3A_597 = tpu.vector_load %arg10[%get3A_595, %get3A_596] {strides = array<i32>} : memref<80x128xf32, #tpu.memory_space<vmem>>, vector<1x16xf32>,
          %get3A_598 = vector.shape_cast %get3A_597 : vector<1x16xf32> to vector<16xf32>
          %mul3A_599 = arith.mulf %get3A_598, %gather3A_530 : vector<16xf32>
          %swap3A_600 = arith.index_cast %add3A_534 : i32 to index
          %swap3A_601 = arith.constant 96 : index
          %swap3A_602 = tpu.vector_load %arg10[%swap3A_600, %swap3A_601] {strides = array<i32>} : memref<80x128xf32, #tpu.memory_space<vmem>>, vector<1x16xf32>,
          %swap3A_603 = vector.shape_cast %swap3A_602 : vector<1x16xf32> to vector<16xf32>
          %swap3A_604 = vector.shape_cast %mul3A_599 : vector<16xf32> to vector<1x16xf32>
          tpu.vector_store %arg10[%swap3A_600, %swap3A_601], %swap3A_604 {strides = array<i32>} : memref<80x128xf32, #tpu.memory_space<vmem>>, vector<1x16xf32>,
          %get3A_605 = arith.index_cast %add3A_534 : i32 to index
          %get3A_606 = arith.constant 112 : index
          %get3A_607 = tpu.vector_load %arg10[%get3A_605, %get3A_606] {strides = array<i32>} : memref<80x128xf32, #tpu.memory_space<vmem>>, vector<1x16xf32>,
          %get3A_608 = vector.shape_cast %get3A_607 : vector<1x16xf32> to vector<16xf32>
          %mul3A_609 = arith.mulf %get3A_608, %gather3A_530 : vector<16xf32>
          %swap3A_610 = arith.index_cast %add3A_534 : i32 to index
          %swap3A_611 = arith.constant 112 : index
          %swap3A_612 = tpu.vector_load %arg10[%swap3A_610, %swap3A_611] {strides = array<i32>} : memref<80x128xf32, #tpu.memory_space<vmem>>, vector<1x16xf32>,
          %swap3A_613 = vector.shape_cast %swap3A_612 : vector<1x16xf32> to vector<16xf32>
          %swap3A_614 = vector.shape_cast %mul3A_609 : vector<16xf32> to vector<1x16xf32>
          tpu.vector_store %arg10[%swap3A_610, %swap3A_611], %swap3A_614 {strides = array<i32>} : memref<80x128xf32, #tpu.memory_space<vmem>>, vector<1x16xf32>,
          %broadcast_in_dim3A_615 = arith.constant 6 : i32
          %broadcast_in_dim3A_616 = vector.broadcast %broadcast_in_dim3A_615 : i32 to vector<16x1xi32>
          %gather3A_617 = vector.shape_cast %broadcast_in_dim3A_616 : vector<16x1xi32> to vector<16xi32>
          %gather3A_618 = tpu.dynamic_gather %get3A_88[%gather3A_617] in [0] : vector<16xf32>, vector<16xi32> -> vector<16xf32>
          %mul3A_619 = arith.constant 16 : i32
          %mul3A_620 = arith.muli %scan3A_82, %mul3A_619 : i32
          %add3A_621 = arith.constant 6 : i32
          %add3A_622 = arith.addi %mul3A_620, %add3A_621 : i32
          %get3A_623 = arith.index_cast %add3A_622 : i32 to index
          %get3A_624 = arith.constant 0 : index
          %get3A_625 = tpu.vector_load %arg10[%get3A_623, %get3A_624] {strides = array<i32>} : memref<80x128xf32, #tpu.memory_space<vmem>>, vector<1x16xf32>,
          %get3A_626 = vector.shape_cast %get3A_625 : vector<1x16xf32> to vector<16xf32>
          %mul3A_627 = arith.mulf %get3A_626, %gather3A_618 : vector<16xf32>
          %swap3A_628 = arith.index_cast %add3A_622 : i32 to index
          %swap3A_629 = arith.constant 0 : index
          %swap3A_630 = tpu.vector_load %arg10[%swap3A_628, %swap3A_629] {strides = array<i32>} : memref<80x128xf32, #tpu.memory_space<vmem>>, vector<1x16xf32>,
          %swap3A_631 = vector.shape_cast %swap3A_630 : vector<1x16xf32> to vector<16xf32>
          %swap3A_632 = vector.shape_cast %mul3A_627 : vector<16xf32> to vector<1x16xf32>
          tpu.vector_store %arg10[%swap3A_628, %swap3A_629], %swap3A_632 {strides = array<i32>} : memref<80x128xf32, #tpu.memory_space<vmem>>, vector<1x16xf32>,
          %get3A_633 = arith.index_cast %add3A_622 : i32 to index
          %get3A_634 = arith.constant 16 : index
          %get3A_635 = tpu.vector_load %arg10[%get3A_633, %get3A_634] {strides = array<i32>} : memref<80x128xf32, #tpu.memory_space<vmem>>, vector<1x16xf32>,
          %get3A_636 = vector.shape_cast %get3A_635 : vector<1x16xf32> to vector<16xf32>
          %mul3A_637 = arith.mulf %get3A_636, %gather3A_618 : vector<16xf32>
          %swap3A_638 = arith.index_cast %add3A_622 : i32 to index
          %swap3A_639 = arith.constant 16 : index
          %swap3A_640 = tpu.vector_load %arg10[%swap3A_638, %swap3A_639] {strides = array<i32>} : memref<80x128xf32, #tpu.memory_space<vmem>>, vector<1x16xf32>,
          %swap3A_641 = vector.shape_cast %swap3A_640 : vector<1x16xf32> to vector<16xf32>
          %swap3A_642 = vector.shape_cast %mul3A_637 : vector<16xf32> to vector<1x16xf32>
          tpu.vector_store %arg10[%swap3A_638, %swap3A_639], %swap3A_642 {strides = array<i32>} : memref<80x128xf32, #tpu.memory_space<vmem>>, vector<1x16xf32>,
          %get3A_643 = arith.index_cast %add3A_622 : i32 to index
          %get3A_644 = arith.constant 32 : index
          %get3A_645 = tpu.vector_load %arg10[%get3A_643, %get3A_644] {strides = array<i32>} : memref<80x128xf32, #tpu.memory_space<vmem>>, vector<1x16xf32>,
          %get3A_646 = vector.shape_cast %get3A_645 : vector<1x16xf32> to vector<16xf32>
          %mul3A_647 = arith.mulf %get3A_646, %gather3A_618 : vector<16xf32>
          %swap3A_648 = arith.index_cast %add3A_622 : i32 to index
          %swap3A_649 = arith.constant 32 : index
          %swap3A_650 = tpu.vector_load %arg10[%swap3A_648, %swap3A_649] {strides = array<i32>} : memref<80x128xf32, #tpu.memory_space<vmem>>, vector<1x16xf32>,
          %swap3A_651 = vector.shape_cast %swap3A_650 : vector<1x16xf32> to vector<16xf32>
          %swap3A_652 = vector.shape_cast %mul3A_647 : vector<16xf32> to vector<1x16xf32>
          tpu.vector_store %arg10[%swap3A_648, %swap3A_649], %swap3A_652 {strides = array<i32>} : memref<80x128xf32, #tpu.memory_space<vmem>>, vector<1x16xf32>,
          %get3A_653 = arith.index_cast %add3A_622 : i32 to index
          %get3A_654 = arith.constant 48 : index
          %get3A_655 = tpu.vector_load %arg10[%get3A_653, %get3A_654] {strides = array<i32>} : memref<80x128xf32, #tpu.memory_space<vmem>>, vector<1x16xf32>,
          %get3A_656 = vector.shape_cast %get3A_655 : vector<1x16xf32> to vector<16xf32>
          %mul3A_657 = arith.mulf %get3A_656, %gather3A_618 : vector<16xf32>
          %swap3A_658 = arith.index_cast %add3A_622 : i32 to index
          %swap3A_659 = arith.constant 48 : index
          %swap3A_660 = tpu.vector_load %arg10[%swap3A_658, %swap3A_659] {strides = array<i32>} : memref<80x128xf32, #tpu.memory_space<vmem>>, vector<1x16xf32>,
          %swap3A_661 = vector.shape_cast %swap3A_660 : vector<1x16xf32> to vector<16xf32>
          %swap3A_662 = vector.shape_cast %mul3A_657 : vector<16xf32> to vector<1x16xf32>
          tpu.vector_store %arg10[%swap3A_658, %swap3A_659], %swap3A_662 {strides = array<i32>} : memref<80x128xf32, #tpu.memory_space<vmem>>, vector<1x16xf32>,
          %get3A_663 = arith.index_cast %add3A_622 : i32 to index
          %get3A_664 = arith.constant 64 : index
          %get3A_665 = tpu.vector_load %arg10[%get3A_663, %get3A_664] {strides = array<i32>} : memref<80x128xf32, #tpu.memory_space<vmem>>, vector<1x16xf32>,
          %get3A_666 = vector.shape_cast %get3A_665 : vector<1x16xf32> to vector<16xf32>
          %mul3A_667 = arith.mulf %get3A_666, %gather3A_618 : vector<16xf32>
          %swap3A_668 = arith.index_cast %add3A_622 : i32 to index
          %swap3A_669 = arith.constant 64 : index
          %swap3A_670 = tpu.vector_load %arg10[%swap3A_668, %swap3A_669] {strides = array<i32>} : memref<80x128xf32, #tpu.memory_space<vmem>>, vector<1x16xf32>,
          %swap3A_671 = vector.shape_cast %swap3A_670 : vector<1x16xf32> to vector<16xf32>
          %swap3A_672 = vector.shape_cast %mul3A_667 : vector<16xf32> to vector<1x16xf32>
          tpu.vector_store %arg10[%swap3A_668, %swap3A_669], %swap3A_672 {strides = array<i32>} : memref<80x128xf32, #tpu.memory_space<vmem>>, vector<1x16xf32>,
          %get3A_673 = arith.index_cast %add3A_622 : i32 to index
          %get3A_674 = arith.constant 80 : index
          %get3A_675 = tpu.vector_load %arg10[%get3A_673, %get3A_674] {strides = array<i32>} : memref<80x128xf32, #tpu.memory_space<vmem>>, vector<1x16xf32>,
          %get3A_676 = vector.shape_cast %get3A_675 : vector<1x16xf32> to vector<16xf32>
          %mul3A_677 = arith.mulf %get3A_676, %gather3A_618 : vector<16xf32>
          %swap3A_678 = arith.index_cast %add3A_622 : i32 to index
          %swap3A_679 = arith.constant 80 : index
          %swap3A_680 = tpu.vector_load %arg10[%swap3A_678, %swap3A_679] {strides = array<i32>} : memref<80x128xf32, #tpu.memory_space<vmem>>, vector<1x16xf32>,
          %swap3A_681 = vector.shape_cast %swap3A_680 : vector<1x16xf32> to vector<16xf32>
          %swap3A_682 = vector.shape_cast %mul3A_677 : vector<16xf32> to vector<1x16xf32>
          tpu.vector_store %arg10[%swap3A_678, %swap3A_679], %swap3A_682 {strides = array<i32>} : memref<80x128xf32, #tpu.memory_space<vmem>>, vector<1x16xf32>,
          %get3A_683 = arith.index_cast %add3A_622 : i32 to index
          %get3A_684 = arith.constant 96 : index
          %get3A_685 = tpu.vector_load %arg10[%get3A_683, %get3A_684] {strides = array<i32>} : memref<80x128xf32, #tpu.memory_space<vmem>>, vector<1x16xf32>,
          %get3A_686 = vector.shape_cast %get3A_685 : vector<1x16xf32> to vector<16xf32>
          %mul3A_687 = arith.mulf %get3A_686, %gather3A_618 : vector<16xf32>
          %swap3A_688 = arith.index_cast %add3A_622 : i32 to index
          %swap3A_689 = arith.constant 96 : index
          %swap3A_690 = tpu.vector_load %arg10[%swap3A_688, %swap3A_689] {strides = array<i32>} : memref<80x128xf32, #tpu.memory_space<vmem>>, vector<1x16xf32>,
          %swap3A_691 = vector.shape_cast %swap3A_690 : vector<1x16xf32> to vector<16xf32>
          %swap3A_692 = vector.shape_cast %mul3A_687 : vector<16xf32> to vector<1x16xf32>
          tpu.vector_store %arg10[%swap3A_688, %swap3A_689], %swap3A_692 {strides = array<i32>} : memref<80x128xf32, #tpu.memory_space<vmem>>, vector<1x16xf32>,
          %get3A_693 = arith.index_cast %add3A_622 : i32 to index
          %get3A_694 = arith.constant 112 : index
          %get3A_695 = tpu.vector_load %arg10[%get3A_693, %get3A_694] {strides = array<i32>} : memref<80x128xf32, #tpu.memory_space<vmem>>, vector<1x16xf32>,
          %get3A_696 = vector.shape_cast %get3A_695 : vector<1x16xf32> to vector<16xf32>
          %mul3A_697 = arith.mulf %get3A_696, %gather3A_618 : vector<16xf32>
          %swap3A_698 = arith.index_cast %add3A_622 : i32 to index
          %swap3A_699 = arith.constant 112 : index
          %swap3A_700 = tpu.vector_load %arg10[%swap3A_698, %swap3A_699] {strides = array<i32>} : memref<80x128xf32, #tpu.memory_space<vmem>>, vector<1x16xf32>,
          %swap3A_701 = vector.shape_cast %swap3A_700 : vector<1x16xf32> to vector<16xf32>
          %swap3A_702 = vector.shape_cast %mul3A_697 : vector<16xf32> to vector<1x16xf32>
          tpu.vector_store %arg10[%swap3A_698, %swap3A_699], %swap3A_702 {strides = array<i32>} : memref<80x128xf32, #tpu.memory_space<vmem>>, vector<1x16xf32>,
          %broadcast_in_dim3A_703 = arith.constant 7 : i32
          %broadcast_in_dim3A_704 = vector.broadcast %broadcast_in_dim3A_703 : i32 to vector<16x1xi32>
          %gather3A_705 = vector.shape_cast %broadcast_in_dim3A_704 : vector<16x1xi32> to vector<16xi32>
          %gather3A_706 = tpu.dynamic_gather %get3A_88[%gather3A_705] in [0] : vector<16xf32>, vector<16xi32> -> vector<16xf32>
          %mul3A_707 = arith.constant 16 : i32
          %mul3A_708 = arith.muli %scan3A_82, %mul3A_707 : i32
          %add3A_709 = arith.constant 7 : i32
          %add3A_710 = arith.addi %mul3A_708, %add3A_709 : i32
          %get3A_711 = arith.index_cast %add3A_710 : i32 to index
          %get3A_712 = arith.constant 0 : index
          %get3A_713 = tpu.vector_load %arg10[%get3A_711, %get3A_712] {strides = array<i32>} : memref<80x128xf32, #tpu.memory_space<vmem>>, vector<1x16xf32>,
          %get3A_714 = vector.shape_cast %get3A_713 : vector<1x16xf32> to vector<16xf32>
          %mul3A_715 = arith.mulf %get3A_714, %gather3A_706 : vector<16xf32>
          %swap3A_716 = arith.index_cast %add3A_710 : i32 to index
          %swap3A_717 = arith.constant 0 : index
          %swap3A_718 = tpu.vector_load %arg10[%swap3A_716, %swap3A_717] {strides = array<i32>} : memref<80x128xf32, #tpu.memory_space<vmem>>, vector<1x16xf32>,
          %swap3A_719 = vector.shape_cast %swap3A_718 : vector<1x16xf32> to vector<16xf32>
          %swap3A_720 = vector.shape_cast %mul3A_715 : vector<16xf32> to vector<1x16xf32>
          tpu.vector_store %arg10[%swap3A_716, %swap3A_717], %swap3A_720 {strides = array<i32>} : memref<80x128xf32, #tpu.memory_space<vmem>>, vector<1x16xf32>,
          %get3A_721 = arith.index_cast %add3A_710 : i32 to index
          %get3A_722 = arith.constant 16 : index
          %get3A_723 = tpu.vector_load %arg10[%get3A_721, %get3A_722] {strides = array<i32>} : memref<80x128xf32, #tpu.memory_space<vmem>>, vector<1x16xf32>,
          %get3A_724 = vector.shape_cast %get3A_723 : vector<1x16xf32> to vector<16xf32>
          %mul3A_725 = arith.mulf %get3A_724, %gather3A_706 : vector<16xf32>
          %swap3A_726 = arith.index_cast %add3A_710 : i32 to index
          %swap3A_727 = arith.constant 16 : index
          %swap3A_728 = tpu.vector_load %arg10[%swap3A_726, %swap3A_727] {strides = array<i32>} : memref<80x128xf32, #tpu.memory_space<vmem>>, vector<1x16xf32>,
          %swap3A_729 = vector.shape_cast %swap3A_728 : vector<1x16xf32> to vector<16xf32>
          %swap3A_730 = vector.shape_cast %mul3A_725 : vector<16xf32> to vector<1x16xf32>
          tpu.vector_store %arg10[%swap3A_726, %swap3A_727], %swap3A_730 {strides = array<i32>} : memref<80x128xf32, #tpu.memory_space<vmem>>, vector<1x16xf32>,
          %get3A_731 = arith.index_cast %add3A_710 : i32 to index
          %get3A_732 = arith.constant 32 : index
          %get3A_733 = tpu.vector_load %arg10[%get3A_731, %get3A_732] {strides = array<i32>} : memref<80x128xf32, #tpu.memory_space<vmem>>, vector<1x16xf32>,
          %get3A_734 = vector.shape_cast %get3A_733 : vector<1x16xf32> to vector<16xf32>
          %mul3A_735 = arith.mulf %get3A_734, %gather3A_706 : vector<16xf32>
          %swap3A_736 = arith.index_cast %add3A_710 : i32 to index
          %swap3A_737 = arith.constant 32 : index
          %swap3A_738 = tpu.vector_load %arg10[%swap3A_736, %swap3A_737] {strides = array<i32>} : memref<80x128xf32, #tpu.memory_space<vmem>>, vector<1x16xf32>,
          %swap3A_739 = vector.shape_cast %swap3A_738 : vector<1x16xf32> to vector<16xf32>
          %swap3A_740 = vector.shape_cast %mul3A_735 : vector<16xf32> to vector<1x16xf32>
          tpu.vector_store %arg10[%swap3A_736, %swap3A_737], %swap3A_740 {strides = array<i32>} : memref<80x128xf32, #tpu.memory_space<vmem>>, vector<1x16xf32>,
          %get3A_741 = arith.index_cast %add3A_710 : i32 to index
          %get3A_742 = arith.constant 48 : index
          %get3A_743 = tpu.vector_load %arg10[%get3A_741, %get3A_742] {strides = array<i32>} : memref<80x128xf32, #tpu.memory_space<vmem>>, vector<1x16xf32>,
          %get3A_744 = vector.shape_cast %get3A_743 : vector<1x16xf32> to vector<16xf32>
          %mul3A_745 = arith.mulf %get3A_744, %gather3A_706 : vector<16xf32>
          %swap3A_746 = arith.index_cast %add3A_710 : i32 to index
          %swap3A_747 = arith.constant 48 : index
          %swap3A_748 = tpu.vector_load %arg10[%swap3A_746, %swap3A_747] {strides = array<i32>} : memref<80x128xf32, #tpu.memory_space<vmem>>, vector<1x16xf32>,
          %swap3A_749 = vector.shape_cast %swap3A_748 : vector<1x16xf32> to vector<16xf32>
          %swap3A_750 = vector.shape_cast %mul3A_745 : vector<16xf32> to vector<1x16xf32>
          tpu.vector_store %arg10[%swap3A_746, %swap3A_747], %swap3A_750 {strides = array<i32>} : memref<80x128xf32, #tpu.memory_space<vmem>>, vector<1x16xf32>,
          %get3A_751 = arith.index_cast %add3A_710 : i32 to index
          %get3A_752 = arith.constant 64 : index
          %get3A_753 = tpu.vector_load %arg10[%get3A_751, %get3A_752] {strides = array<i32>} : memref<80x128xf32, #tpu.memory_space<vmem>>, vector<1x16xf32>,
          %get3A_754 = vector.shape_cast %get3A_753 : vector<1x16xf32> to vector<16xf32>
          %mul3A_755 = arith.mulf %get3A_754, %gather3A_706 : vector<16xf32>
          %swap3A_756 = arith.index_cast %add3A_710 : i32 to index
          %swap3A_757 = arith.constant 64 : index
          %swap3A_758 = tpu.vector_load %arg10[%swap3A_756, %swap3A_757] {strides = array<i32>} : memref<80x128xf32, #tpu.memory_space<vmem>>, vector<1x16xf32>,
          %swap3A_759 = vector.shape_cast %swap3A_758 : vector<1x16xf32> to vector<16xf32>
          %swap3A_760 = vector.shape_cast %mul3A_755 : vector<16xf32> to vector<1x16xf32>
          tpu.vector_store %arg10[%swap3A_756, %swap3A_757], %swap3A_760 {strides = array<i32>} : memref<80x128xf32, #tpu.memory_space<vmem>>, vector<1x16xf32>,
          %get3A_761 = arith.index_cast %add3A_710 : i32 to index
          %get3A_762 = arith.constant 80 : index
          %get3A_763 = tpu.vector_load %arg10[%get3A_761, %get3A_762] {strides = array<i32>} : memref<80x128xf32, #tpu.memory_space<vmem>>, vector<1x16xf32>,
          %get3A_764 = vector.shape_cast %get3A_763 : vector<1x16xf32> to vector<16xf32>
          %mul3A_765 = arith.mulf %get3A_764, %gather3A_706 : vector<16xf32>
          %swap3A_766 = arith.index_cast %add3A_710 : i32 to index
          %swap3A_767 = arith.constant 80 : index
          %swap3A_768 = tpu.vector_load %arg10[%swap3A_766, %swap3A_767] {strides = array<i32>} : memref<80x128xf32, #tpu.memory_space<vmem>>, vector<1x16xf32>,
          %swap3A_769 = vector.shape_cast %swap3A_768 : vector<1x16xf32> to vector<16xf32>
          %swap3A_770 = vector.shape_cast %mul3A_765 : vector<16xf32> to vector<1x16xf32>
          tpu.vector_store %arg10[%swap3A_766, %swap3A_767], %swap3A_770 {strides = array<i32>} : memref<80x128xf32, #tpu.memory_space<vmem>>, vector<1x16xf32>,
          %get3A_771 = arith.index_cast %add3A_710 : i32 to index
          %get3A_772 = arith.constant 96 : index
          %get3A_773 = tpu.vector_load %arg10[%get3A_771, %get3A_772] {strides = array<i32>} : memref<80x128xf32, #tpu.memory_space<vmem>>, vector<1x16xf32>,
          %get3A_774 = vector.shape_cast %get3A_773 : vector<1x16xf32> to vector<16xf32>
          %mul3A_775 = arith.mulf %get3A_774, %gather3A_706 : vector<16xf32>
          %swap3A_776 = arith.index_cast %add3A_710 : i32 to index
          %swap3A_777 = arith.constant 96 : index
          %swap3A_778 = tpu.vector_load %arg10[%swap3A_776, %swap3A_777] {strides = array<i32>} : memref<80x128xf32, #tpu.memory_space<vmem>>, vector<1x16xf32>,
          %swap3A_779 = vector.shape_cast %swap3A_778 : vector<1x16xf32> to vector<16xf32>
          %swap3A_780 = vector.shape_cast %mul3A_775 : vector<16xf32> to vector<1x16xf32>
          tpu.vector_store %arg10[%swap3A_776, %swap3A_777], %swap3A_780 {strides = array<i32>} : memref<80x128xf32, #tpu.memory_space<vmem>>, vector<1x16xf32>,
          %get3A_781 = arith.index_cast %add3A_710 : i32 to index
          %get3A_782 = arith.constant 112 : index
          %get3A_783 = tpu.vector_load %arg10[%get3A_781, %get3A_782] {strides = array<i32>} : memref<80x128xf32, #tpu.memory_space<vmem>>, vector<1x16xf32>,
          %get3A_784 = vector.shape_cast %get3A_783 : vector<1x16xf32> to vector<16xf32>
          %mul3A_785 = arith.mulf %get3A_784, %gather3A_706 : vector<16xf32>
          %swap3A_786 = arith.index_cast %add3A_710 : i32 to index
          %swap3A_787 = arith.constant 112 : index
          %swap3A_788 = tpu.vector_load %arg10[%swap3A_786, %swap3A_787] {strides = array<i32>} : memref<80x128xf32, #tpu.memory_space<vmem>>, vector<1x16xf32>,
          %swap3A_789 = vector.shape_cast %swap3A_788 : vector<1x16xf32> to vector<16xf32>
          %swap3A_790 = vector.shape_cast %mul3A_785 : vector<16xf32> to vector<1x16xf32>
          tpu.vector_store %arg10[%swap3A_786, %swap3A_787], %swap3A_790 {strides = array<i32>} : memref<80x128xf32, #tpu.memory_space<vmem>>, vector<1x16xf32>,
          %broadcast_in_dim3A_791 = arith.constant 8 : i32
          %broadcast_in_dim3A_792 = vector.broadcast %broadcast_in_dim3A_791 : i32 to vector<16x1xi32>
          %gather3A_793 = vector.shape_cast %broadcast_in_dim3A_792 : vector<16x1xi32> to vector<16xi32>
          %gather3A_794 = tpu.dynamic_gather %get3A_88[%gather3A_793] in [0] : vector<16xf32>, vector<16xi32> -> vector<16xf32>
          %mul3A_795 = arith.constant 16 : i32
          %mul3A_796 = arith.muli %scan3A_82, %mul3A_795 : i32
          %add3A_797 = arith.constant 8 : i32
          %add3A_798 = arith.addi %mul3A_796, %add3A_797 : i32
          %get3A_799 = arith.index_cast %add3A_798 : i32 to index
          %get3A_800 = arith.constant 0 : index
          %get3A_801 = tpu.vector_load %arg10[%get3A_799, %get3A_800] {strides = array<i32>} : memref<80x128xf32, #tpu.memory_space<vmem>>, vector<1x16xf32>,
          %get3A_802 = vector.shape_cast %get3A_801 : vector<1x16xf32> to vector<16xf32>
          %mul3A_803 = arith.mulf %get3A_802, %gather3A_794 : vector<16xf32>
          %swap3A_804 = arith.index_cast %add3A_798 : i32 to index
          %swap3A_805 = arith.constant 0 : index
          %swap3A_806 = tpu.vector_load %arg10[%swap3A_804, %swap3A_805] {strides = array<i32>} : memref<80x128xf32, #tpu.memory_space<vmem>>, vector<1x16xf32>,
          %swap3A_807 = vector.shape_cast %swap3A_806 : vector<1x16xf32> to vector<16xf32>
          %swap3A_808 = vector.shape_cast %mul3A_803 : vector<16xf32> to vector<1x16xf32>
          tpu.vector_store %arg10[%swap3A_804, %swap3A_805], %swap3A_808 {strides = array<i32>} : memref<80x128xf32, #tpu.memory_space<vmem>>, vector<1x16xf32>,
          %get3A_809 = arith.index_cast %add3A_798 : i32 to index
          %get3A_810 = arith.constant 16 : index
          %get3A_811 = tpu.vector_load %arg10[%get3A_809, %get3A_810] {strides = array<i32>} : memref<80x128xf32, #tpu.memory_space<vmem>>, vector<1x16xf32>,
          %get3A_812 = vector.shape_cast %get3A_811 : vector<1x16xf32> to vector<16xf32>
          %mul3A_813 = arith.mulf %get3A_812, %gather3A_794 : vector<16xf32>
          %swap3A_814 = arith.index_cast %add3A_798 : i32 to index
          %swap3A_815 = arith.constant 16 : index
          %swap3A_816 = tpu.vector_load %arg10[%swap3A_814, %swap3A_815] {strides = array<i32>} : memref<80x128xf32, #tpu.memory_space<vmem>>, vector<1x16xf32>,
          %swap3A_817 = vector.shape_cast %swap3A_816 : vector<1x16xf32> to vector<16xf32>
          %swap3A_818 = vector.shape_cast %mul3A_813 : vector<16xf32> to vector<1x16xf32>
          tpu.vector_store %arg10[%swap3A_814, %swap3A_815], %swap3A_818 {strides = array<i32>} : memref<80x128xf32, #tpu.memory_space<vmem>>, vector<1x16xf32>,
          %get3A_819 = arith.index_cast %add3A_798 : i32 to index
          %get3A_820 = arith.constant 32 : index
          %get3A_821 = tpu.vector_load %arg10[%get3A_819, %get3A_820] {strides = array<i32>} : memref<80x128xf32, #tpu.memory_space<vmem>>, vector<1x16xf32>,
          %get3A_822 = vector.shape_cast %get3A_821 : vector<1x16xf32> to vector<16xf32>
          %mul3A_823 = arith.mulf %get3A_822, %gather3A_794 : vector<16xf32>
          %swap3A_824 = arith.index_cast %add3A_798 : i32 to index
          %swap3A_825 = arith.constant 32 : index
          %swap3A_826 = tpu.vector_load %arg10[%swap3A_824, %swap3A_825] {strides = array<i32>} : memref<80x128xf32, #tpu.memory_space<vmem>>, vector<1x16xf32>,
          %swap3A_827 = vector.shape_cast %swap3A_826 : vector<1x16xf32> to vector<16xf32>
          %swap3A_828 = vector.shape_cast %mul3A_823 : vector<16xf32> to vector<1x16xf32>
          tpu.vector_store %arg10[%swap3A_824, %swap3A_825], %swap3A_828 {strides = array<i32>} : memref<80x128xf32, #tpu.memory_space<vmem>>, vector<1x16xf32>,
          %get3A_829 = arith.index_cast %add3A_798 : i32 to index
          %get3A_830 = arith.constant 48 : index
          %get3A_831 = tpu.vector_load %arg10[%get3A_829, %get3A_830] {strides = array<i32>} : memref<80x128xf32, #tpu.memory_space<vmem>>, vector<1x16xf32>,
          %get3A_832 = vector.shape_cast %get3A_831 : vector<1x16xf32> to vector<16xf32>
          %mul3A_833 = arith.mulf %get3A_832, %gather3A_794 : vector<16xf32>
          %swap3A_834 = arith.index_cast %add3A_798 : i32 to index
          %swap3A_835 = arith.constant 48 : index
          %swap3A_836 = tpu.vector_load %arg10[%swap3A_834, %swap3A_835] {strides = array<i32>} : memref<80x128xf32, #tpu.memory_space<vmem>>, vector<1x16xf32>,
          %swap3A_837 = vector.shape_cast %swap3A_836 : vector<1x16xf32> to vector<16xf32>
          %swap3A_838 = vector.shape_cast %mul3A_833 : vector<16xf32> to vector<1x16xf32>
          tpu.vector_store %arg10[%swap3A_834, %swap3A_835], %swap3A_838 {strides = array<i32>} : memref<80x128xf32, #tpu.memory_space<vmem>>, vector<1x16xf32>,
          %get3A_839 = arith.index_cast %add3A_798 : i32 to index
          %get3A_840 = arith.constant 64 : index
          %get3A_841 = tpu.vector_load %arg10[%get3A_839, %get3A_840] {strides = array<i32>} : memref<80x128xf32, #tpu.memory_space<vmem>>, vector<1x16xf32>,
          %get3A_842 = vector.shape_cast %get3A_841 : vector<1x16xf32> to vector<16xf32>
          %mul3A_843 = arith.mulf %get3A_842, %gather3A_794 : vector<16xf32>
          %swap3A_844 = arith.index_cast %add3A_798 : i32 to index
          %swap3A_845 = arith.constant 64 : index
          %swap3A_846 = tpu.vector_load %arg10[%swap3A_844, %swap3A_845] {strides = array<i32>} : memref<80x128xf32, #tpu.memory_space<vmem>>, vector<1x16xf32>,
          %swap3A_847 = vector.shape_cast %swap3A_846 : vector<1x16xf32> to vector<16xf32>
          %swap3A_848 = vector.shape_cast %mul3A_843 : vector<16xf32> to vector<1x16xf32>
          tpu.vector_store %arg10[%swap3A_844, %swap3A_845], %swap3A_848 {strides = array<i32>} : memref<80x128xf32, #tpu.memory_space<vmem>>, vector<1x16xf32>,
          %get3A_849 = arith.index_cast %add3A_798 : i32 to index
          %get3A_850 = arith.constant 80 : index
          %get3A_851 = tpu.vector_load %arg10[%get3A_849, %get3A_850] {strides = array<i32>} : memref<80x128xf32, #tpu.memory_space<vmem>>, vector<1x16xf32>,
          %get3A_852 = vector.shape_cast %get3A_851 : vector<1x16xf32> to vector<16xf32>
          %mul3A_853 = arith.mulf %get3A_852, %gather3A_794 : vector<16xf32>
          %swap3A_854 = arith.index_cast %add3A_798 : i32 to index
          %swap3A_855 = arith.constant 80 : index
          %swap3A_856 = tpu.vector_load %arg10[%swap3A_854, %swap3A_855] {strides = array<i32>} : memref<80x128xf32, #tpu.memory_space<vmem>>, vector<1x16xf32>,
          %swap3A_857 = vector.shape_cast %swap3A_856 : vector<1x16xf32> to vector<16xf32>
          %swap3A_858 = vector.shape_cast %mul3A_853 : vector<16xf32> to vector<1x16xf32>
          tpu.vector_store %arg10[%swap3A_854, %swap3A_855], %swap3A_858 {strides = array<i32>} : memref<80x128xf32, #tpu.memory_space<vmem>>, vector<1x16xf32>,
          %get3A_859 = arith.index_cast %add3A_798 : i32 to index
          %get3A_860 = arith.constant 96 : index
          %get3A_861 = tpu.vector_load %arg10[%get3A_859, %get3A_860] {strides = array<i32>} : memref<80x128xf32, #tpu.memory_space<vmem>>, vector<1x16xf32>,
          %get3A_862 = vector.shape_cast %get3A_861 : vector<1x16xf32> to vector<16xf32>
          %mul3A_863 = arith.mulf %get3A_862, %gather3A_794 : vector<16xf32>
          %swap3A_864 = arith.index_cast %add3A_798 : i32 to index
          %swap3A_865 = arith.constant 96 : index
          %swap3A_866 = tpu.vector_load %arg10[%swap3A_864, %swap3A_865] {strides = array<i32>} : memref<80x128xf32, #tpu.memory_space<vmem>>, vector<1x16xf32>,
          %swap3A_867 = vector.shape_cast %swap3A_866 : vector<1x16xf32> to vector<16xf32>
          %swap3A_868 = vector.shape_cast %mul3A_863 : vector<16xf32> to vector<1x16xf32>
          tpu.vector_store %arg10[%swap3A_864, %swap3A_865], %swap3A_868 {strides = array<i32>} : memref<80x128xf32, #tpu.memory_space<vmem>>, vector<1x16xf32>,
          %get3A_869 = arith.index_cast %add3A_798 : i32 to index
          %get3A_870 = arith.constant 112 : index
          %get3A_871 = tpu.vector_load %arg10[%get3A_869, %get3A_870] {strides = array<i32>} : memref<80x128xf32, #tpu.memory_space<vmem>>, vector<1x16xf32>,
          %get3A_872 = vector.shape_cast %get3A_871 : vector<1x16xf32> to vector<16xf32>
          %mul3A_873 = arith.mulf %get3A_872, %gather3A_794 : vector<16xf32>
          %swap3A_874 = arith.index_cast %add3A_798 : i32 to index
          %swap3A_875 = arith.constant 112 : index
          %swap3A_876 = tpu.vector_load %arg10[%swap3A_874, %swap3A_875] {strides = array<i32>} : memref<80x128xf32, #tpu.memory_space<vmem>>, vector<1x16xf32>,
          %swap3A_877 = vector.shape_cast %swap3A_876 : vector<1x16xf32> to vector<16xf32>
          %swap3A_878 = vector.shape_cast %mul3A_873 : vector<16xf32> to vector<1x16xf32>
          tpu.vector_store %arg10[%swap3A_874, %swap3A_875], %swap3A_878 {strides = array<i32>} : memref<80x128xf32, #tpu.memory_space<vmem>>, vector<1x16xf32>,
          %broadcast_in_dim3A_879 = arith.constant 9 : i32
          %broadcast_in_dim3A_880 = vector.broadcast %broadcast_in_dim3A_879 : i32 to vector<16x1xi32>
          %gather3A_881 = vector.shape_cast %broadcast_in_dim3A_880 : vector<16x1xi32> to vector<16xi32>
          %gather3A_882 = tpu.dynamic_gather %get3A_88[%gather3A_881] in [0] : vector<16xf32>, vector<16xi32> -> vector<16xf32>
          %mul3A_883 = arith.constant 16 : i32
          %mul3A_884 = arith.muli %scan3A_82, %mul3A_883 : i32
          %add3A_885 = arith.constant 9 : i32
          %add3A_886 = arith.addi %mul3A_884, %add3A_885 : i32
          %get3A_887 = arith.index_cast %add3A_886 : i32 to index
          %get3A_888 = arith.constant 0 : index
          %get3A_889 = tpu.vector_load %arg10[%get3A_887, %get3A_888] {strides = array<i32>} : memref<80x128xf32, #tpu.memory_space<vmem>>, vector<1x16xf32>,
          %get3A_890 = vector.shape_cast %get3A_889 : vector<1x16xf32> to vector<16xf32>
          %mul3A_891 = arith.mulf %get3A_890, %gather3A_882 : vector<16xf32>
          %swap3A_892 = arith.index_cast %add3A_886 : i32 to index
          %swap3A_893 = arith.constant 0 : index
          %swap3A_894 = tpu.vector_load %arg10[%swap3A_892, %swap3A_893] {strides = array<i32>} : memref<80x128xf32, #tpu.memory_space<vmem>>, vector<1x16xf32>,
          %swap3A_895 = vector.shape_cast %swap3A_894 : vector<1x16xf32> to vector<16xf32>
          %swap3A_896 = vector.shape_cast %mul3A_891 : vector<16xf32> to vector<1x16xf32>
          tpu.vector_store %arg10[%swap3A_892, %swap3A_893], %swap3A_896 {strides = array<i32>} : memref<80x128xf32, #tpu.memory_space<vmem>>, vector<1x16xf32>,
          %get3A_897 = arith.index_cast %add3A_886 : i32 to index
          %get3A_898 = arith.constant 16 : index
          %get3A_899 = tpu.vector_load %arg10[%get3A_897, %get3A_898] {strides = array<i32>} : memref<80x128xf32, #tpu.memory_space<vmem>>, vector<1x16xf32>,
          %get3A_900 = vector.shape_cast %get3A_899 : vector<1x16xf32> to vector<16xf32>
          %mul3A_901 = arith.mulf %get3A_900, %gather3A_882 : vector<16xf32>
          %swap3A_902 = arith.index_cast %add3A_886 : i32 to index
          %swap3A_903 = arith.constant 16 : index
          %swap3A_904 = tpu.vector_load %arg10[%swap3A_902, %swap3A_903] {strides = array<i32>} : memref<80x128xf32, #tpu.memory_space<vmem>>, vector<1x16xf32>,
          %swap3A_905 = vector.shape_cast %swap3A_904 : vector<1x16xf32> to vector<16xf32>
          %swap3A_906 = vector.shape_cast %mul3A_901 : vector<16xf32> to vector<1x16xf32>
          tpu.vector_store %arg10[%swap3A_902, %swap3A_903], %swap3A_906 {strides = array<i32>} : memref<80x128xf32, #tpu.memory_space<vmem>>, vector<1x16xf32>,
          %get3A_907 = arith.index_cast %add3A_886 : i32 to index
          %get3A_908 = arith.constant 32 : index
          %get3A_909 = tpu.vector_load %arg10[%get3A_907, %get3A_908] {strides = array<i32>} : memref<80x128xf32, #tpu.memory_space<vmem>>, vector<1x16xf32>,
          %get3A_910 = vector.shape_cast %get3A_909 : vector<1x16xf32> to vector<16xf32>
          %mul3A_911 = arith.mulf %get3A_910, %gather3A_882 : vector<16xf32>
          %swap3A_912 = arith.index_cast %add3A_886 : i32 to index
          %swap3A_913 = arith.constant 32 : index
          %swap3A_914 = tpu.vector_load %arg10[%swap3A_912, %swap3A_913] {strides = array<i32>} : memref<80x128xf32, #tpu.memory_space<vmem>>, vector<1x16xf32>,
          %swap3A_915 = vector.shape_cast %swap3A_914 : vector<1x16xf32> to vector<16xf32>
          %swap3A_916 = vector.shape_cast %mul3A_911 : vector<16xf32> to vector<1x16xf32>
          tpu.vector_store %arg10[%swap3A_912, %swap3A_913], %swap3A_916 {strides = array<i32>} : memref<80x128xf32, #tpu.memory_space<vmem>>, vector<1x16xf32>,
          %get3A_917 = arith.index_cast %add3A_886 : i32 to index
          %get3A_918 = arith.constant 48 : index
          %get3A_919 = tpu.vector_load %arg10[%get3A_917, %get3A_918] {strides = array<i32>} : memref<80x128xf32, #tpu.memory_space<vmem>>, vector<1x16xf32>,
          %get3A_920 = vector.shape_cast %get3A_919 : vector<1x16xf32> to vector<16xf32>
          %mul3A_921 = arith.mulf %get3A_920, %gather3A_882 : vector<16xf32>
          %swap3A_922 = arith.index_cast %add3A_886 : i32 to index
          %swap3A_923 = arith.constant 48 : index
          %swap3A_924 = tpu.vector_load %arg10[%swap3A_922, %swap3A_923] {strides = array<i32>} : memref<80x128xf32, #tpu.memory_space<vmem>>, vector<1x16xf32>,
          %swap3A_925 = vector.shape_cast %swap3A_924 : vector<1x16xf32> to vector<16xf32>
          %swap3A_926 = vector.shape_cast %mul3A_921 : vector<16xf32> to vector<1x16xf32>
          tpu.vector_store %arg10[%swap3A_922, %swap3A_923], %swap3A_926 {strides = array<i32>} : memref<80x128xf32, #tpu.memory_space<vmem>>, vector<1x16xf32>,
          %get3A_927 = arith.index_cast %add3A_886 : i32 to index
          %get3A_928 = arith.constant 64 : index
          %get3A_929 = tpu.vector_load %arg10[%get3A_927, %get3A_928] {strides = array<i32>} : memref<80x128xf32, #tpu.memory_space<vmem>>, vector<1x16xf32>,
          %get3A_930 = vector.shape_cast %get3A_929 : vector<1x16xf32> to vector<16xf32>
          %mul3A_931 = arith.mulf %get3A_930, %gather3A_882 : vector<16xf32>
          %swap3A_932 = arith.index_cast %add3A_886 : i32 to index
          %swap3A_933 = arith.constant 64 : index
          %swap3A_934 = tpu.vector_load %arg10[%swap3A_932, %swap3A_933] {strides = array<i32>} : memref<80x128xf32, #tpu.memory_space<vmem>>, vector<1x16xf32>,
          %swap3A_935 = vector.shape_cast %swap3A_934 : vector<1x16xf32> to vector<16xf32>
          %swap3A_936 = vector.shape_cast %mul3A_931 : vector<16xf32> to vector<1x16xf32>
          tpu.vector_store %arg10[%swap3A_932, %swap3A_933], %swap3A_936 {strides = array<i32>} : memref<80x128xf32, #tpu.memory_space<vmem>>, vector<1x16xf32>,
          %get3A_937 = arith.index_cast %add3A_886 : i32 to index
          %get3A_938 = arith.constant 80 : index
          %get3A_939 = tpu.vector_load %arg10[%get3A_937, %get3A_938] {strides = array<i32>} : memref<80x128xf32, #tpu.memory_space<vmem>>, vector<1x16xf32>,
          %get3A_940 = vector.shape_cast %get3A_939 : vector<1x16xf32> to vector<16xf32>
          %mul3A_941 = arith.mulf %get3A_940, %gather3A_882 : vector<16xf32>
          %swap3A_942 = arith.index_cast %add3A_886 : i32 to index
          %swap3A_943 = arith.constant 80 : index
          %swap3A_944 = tpu.vector_load %arg10[%swap3A_942, %swap3A_943] {strides = array<i32>} : memref<80x128xf32, #tpu.memory_space<vmem>>, vector<1x16xf32>,
          %swap3A_945 = vector.shape_cast %swap3A_944 : vector<1x16xf32> to vector<16xf32>
          %swap3A_946 = vector.shape_cast %mul3A_941 : vector<16xf32> to vector<1x16xf32>
          tpu.vector_store %arg10[%swap3A_942, %swap3A_943], %swap3A_946 {strides = array<i32>} : memref<80x128xf32, #tpu.memory_space<vmem>>, vector<1x16xf32>,
          %get3A_947 = arith.index_cast %add3A_886 : i32 to index
          %get3A_948 = arith.constant 96 : index
          %get3A_949 = tpu.vector_load %arg10[%get3A_947, %get3A_948] {strides = array<i32>} : memref<80x128xf32, #tpu.memory_space<vmem>>, vector<1x16xf32>,
          %get3A_950 = vector.shape_cast %get3A_949 : vector<1x16xf32> to vector<16xf32>
          %mul3A_951 = arith.mulf %get3A_950, %gather3A_882 : vector<16xf32>
          %swap3A_952 = arith.index_cast %add3A_886 : i32 to index
          %swap3A_953 = arith.constant 96 : index
          %swap3A_954 = tpu.vector_load %arg10[%swap3A_952, %swap3A_953] {strides = array<i32>} : memref<80x128xf32, #tpu.memory_space<vmem>>, vector<1x16xf32>,
          %swap3A_955 = vector.shape_cast %swap3A_954 : vector<1x16xf32> to vector<16xf32>
          %swap3A_956 = vector.shape_cast %mul3A_951 : vector<16xf32> to vector<1x16xf32>
          tpu.vector_store %arg10[%swap3A_952, %swap3A_953], %swap3A_956 {strides = array<i32>} : memref<80x128xf32, #tpu.memory_space<vmem>>, vector<1x16xf32>,
          %get3A_957 = arith.index_cast %add3A_886 : i32 to index
          %get3A_958 = arith.constant 112 : index
          %get3A_959 = tpu.vector_load %arg10[%get3A_957, %get3A_958] {strides = array<i32>} : memref<80x128xf32, #tpu.memory_space<vmem>>, vector<1x16xf32>,
          %get3A_960 = vector.shape_cast %get3A_959 : vector<1x16xf32> to vector<16xf32>
          %mul3A_961 = arith.mulf %get3A_960, %gather3A_882 : vector<16xf32>
          %swap3A_962 = arith.index_cast %add3A_886 : i32 to index
          %swap3A_963 = arith.constant 112 : index
          %swap3A_964 = tpu.vector_load %arg10[%swap3A_962, %swap3A_963] {strides = array<i32>} : memref<80x128xf32, #tpu.memory_space<vmem>>, vector<1x16xf32>,
          %swap3A_965 = vector.shape_cast %swap3A_964 : vector<1x16xf32> to vector<16xf32>
          %swap3A_966 = vector.shape_cast %mul3A_961 : vector<16xf32> to vector<1x16xf32>
          tpu.vector_store %arg10[%swap3A_962, %swap3A_963], %swap3A_966 {strides = array<i32>} : memref<80x128xf32, #tpu.memory_space<vmem>>, vector<1x16xf32>,
          %broadcast_in_dim3A_967 = arith.constant 10 : i32
          %broadcast_in_dim3A_968 = vector.broadcast %broadcast_in_dim3A_967 : i32 to vector<16x1xi32>
          %gather3A_969 = vector.shape_cast %broadcast_in_dim3A_968 : vector<16x1xi32> to vector<16xi32>
          %gather3A_970 = tpu.dynamic_gather %get3A_88[%gather3A_969] in [0] : vector<16xf32>, vector<16xi32> -> vector<16xf32>
          %mul3A_971 = arith.constant 16 : i32
          %mul3A_972 = arith.muli %scan3A_82, %mul3A_971 : i32
          %add3A_973 = arith.constant 10 : i32
          %add3A_974 = arith.addi %mul3A_972, %add3A_973 : i32
          %get3A_975 = arith.index_cast %add3A_974 : i32 to index
          %get3A_976 = arith.constant 0 : index
          %get3A_977 = tpu.vector_load %arg10[%get3A_975, %get3A_976] {strides = array<i32>} : memref<80x128xf32, #tpu.memory_space<vmem>>, vector<1x16xf32>,
          %get3A_978 = vector.shape_cast %get3A_977 : vector<1x16xf32> to vector<16xf32>
          %mul3A_979 = arith.mulf %get3A_978, %gather3A_970 : vector<16xf32>
          %swap3A_980 = arith.index_cast %add3A_974 : i32 to index
          %swap3A_981 = arith.constant 0 : index
          %swap3A_982 = tpu.vector_load %arg10[%swap3A_980, %swap3A_981] {strides = array<i32>} : memref<80x128xf32, #tpu.memory_space<vmem>>, vector<1x16xf32>,
          %swap3A_983 = vector.shape_cast %swap3A_982 : vector<1x16xf32> to vector<16xf32>
          %swap3A_984 = vector.shape_cast %mul3A_979 : vector<16xf32> to vector<1x16xf32>
          tpu.vector_store %arg10[%swap3A_980, %swap3A_981], %swap3A_984 {strides = array<i32>} : memref<80x128xf32, #tpu.memory_space<vmem>>, vector<1x16xf32>,
          %get3A_985 = arith.index_cast %add3A_974 : i32 to index
          %get3A_986 = arith.constant 16 : index
          %get3A_987 = tpu.vector_load %arg10[%get3A_985, %get3A_986] {strides = array<i32>} : memref<80x128xf32, #tpu.memory_space<vmem>>, vector<1x16xf32>,
          %get3A_988 = vector.shape_cast %get3A_987 : vector<1x16xf32> to vector<16xf32>
          %mul3A_989 = arith.mulf %get3A_988, %gather3A_970 : vector<16xf32>
          %swap3A_990 = arith.index_cast %add3A_974 : i32 to index
          %swap3A_991 = arith.constant 16 : index
          %swap3A_992 = tpu.vector_load %arg10[%swap3A_990, %swap3A_991] {strides = array<i32>} : memref<80x128xf32, #tpu.memory_space<vmem>>, vector<1x16xf32>,
          %swap3A_993 = vector.shape_cast %swap3A_992 : vector<1x16xf32> to vector<16xf32>
          %swap3A_994 = vector.shape_cast %mul3A_989 : vector<16xf32> to vector<1x16xf32>
          tpu.vector_store %arg10[%swap3A_990, %swap3A_991], %swap3A_994 {strides = array<i32>} : memref<80x128xf32, #tpu.memory_space<vmem>>, vector<1x16xf32>,
          %get3A_995 = arith.index_cast %add3A_974 : i32 to index
          %get3A_996 = arith.constant 32 : index
          %get3A_997 = tpu.vector_load %arg10[%get3A_995, %get3A_996] {strides = array<i32>} : memref<80x128xf32, #tpu.memory_space<vmem>>, vector<1x16xf32>,
          %get3A_998 = vector.shape_cast %get3A_997 : vector<1x16xf32> to vector<16xf32>
          %mul3A_999 = arith.mulf %get3A_998, %gather3A_970 : vector<16xf32>
          %swap3A_1000 = arith.index_cast %add3A_974 : i32 to index
          %swap3A_1001 = arith.constant 32 : index
          %swap3A_1002 = tpu.vector_load %arg10[%swap3A_1000, %swap3A_1001] {strides = array<i32>} : memref<80x128xf32, #tpu.memory_space<vmem>>, vector<1x16xf32>,
          %swap3A_1003 = vector.shape_cast %swap3A_1002 : vector<1x16xf32> to vector<16xf32>
          %swap3A_1004 = vector.shape_cast %mul3A_999 : vector<16xf32> to vector<1x16xf32>
          tpu.vector_store %arg10[%swap3A_1000, %swap3A_1001], %swap3A_1004 {strides = array<i32>} : memref<80x128xf32, #tpu.memory_space<vmem>>, vector<1x16xf32>,
          %get3A_1005 = arith.index_cast %add3A_974 : i32 to index
          %get3A_1006 = arith.constant 48 : index
          %get3A_1007 = tpu.vector_load %arg10[%get3A_1005, %get3A_1006] {strides = array<i32>} : memref<80x128xf32, #tpu.memory_space<vmem>>, vector<1x16xf32>,
          %get3A_1008 = vector.shape_cast %get3A_1007 : vector<1x16xf32> to vector<16xf32>
          %mul3A_1009 = arith.mulf %get3A_1008, %gather3A_970 : vector<16xf32>
          %swap3A_1010 = arith.index_cast %add3A_974 : i32 to index
          %swap3A_1011 = arith.constant 48 : index
          %swap3A_1012 = tpu.vector_load %arg10[%swap3A_1010, %swap3A_1011] {strides = array<i32>} : memref<80x128xf32, #tpu.memory_space<vmem>>, vector<1x16xf32>,
          %swap3A_1013 = vector.shape_cast %swap3A_1012 : vector<1x16xf32> to vector<16xf32>
          %swap3A_1014 = vector.shape_cast %mul3A_1009 : vector<16xf32> to vector<1x16xf32>
          tpu.vector_store %arg10[%swap3A_1010, %swap3A_1011], %swap3A_1014 {strides = array<i32>} : memref<80x128xf32, #tpu.memory_space<vmem>>, vector<1x16xf32>,
          %get3A_1015 = arith.index_cast %add3A_974 : i32 to index
          %get3A_1016 = arith.constant 64 : index
          %get3A_1017 = tpu.vector_load %arg10[%get3A_1015, %get3A_1016] {strides = array<i32>} : memref<80x128xf32, #tpu.memory_space<vmem>>, vector<1x16xf32>,
          %get3A_1018 = vector.shape_cast %get3A_1017 : vector<1x16xf32> to vector<16xf32>
          %mul3A_1019 = arith.mulf %get3A_1018, %gather3A_970 : vector<16xf32>
          %swap3A_1020 = arith.index_cast %add3A_974 : i32 to index
          %swap3A_1021 = arith.constant 64 : index
          %swap3A_1022 = tpu.vector_load %arg10[%swap3A_1020, %swap3A_1021] {strides = array<i32>} : memref<80x128xf32, #tpu.memory_space<vmem>>, vector<1x16xf32>,
          %swap3A_1023 = vector.shape_cast %swap3A_1022 : vector<1x16xf32> to vector<16xf32>
          %swap3A_1024 = vector.shape_cast %mul3A_1019 : vector<16xf32> to vector<1x16xf32>
          tpu.vector_store %arg10[%swap3A_1020, %swap3A_1021], %swap3A_1024 {strides = array<i32>} : memref<80x128xf32, #tpu.memory_space<vmem>>, vector<1x16xf32>,
          %get3A_1025 = arith.index_cast %add3A_974 : i32 to index
          %get3A_1026 = arith.constant 80 : index
          %get3A_1027 = tpu.vector_load %arg10[%get3A_1025, %get3A_1026] {strides = array<i32>} : memref<80x128xf32, #tpu.memory_space<vmem>>, vector<1x16xf32>,
          %get3A_1028 = vector.shape_cast %get3A_1027 : vector<1x16xf32> to vector<16xf32>
          %mul3A_1029 = arith.mulf %get3A_1028, %gather3A_970 : vector<16xf32>
          %swap3A_1030 = arith.index_cast %add3A_974 : i32 to index
          %swap3A_1031 = arith.constant 80 : index
          %swap3A_1032 = tpu.vector_load %arg10[%swap3A_1030, %swap3A_1031] {strides = array<i32>} : memref<80x128xf32, #tpu.memory_space<vmem>>, vector<1x16xf32>,
          %swap3A_1033 = vector.shape_cast %swap3A_1032 : vector<1x16xf32> to vector<16xf32>
          %swap3A_1034 = vector.shape_cast %mul3A_1029 : vector<16xf32> to vector<1x16xf32>
          tpu.vector_store %arg10[%swap3A_1030, %swap3A_1031], %swap3A_1034 {strides = array<i32>} : memref<80x128xf32, #tpu.memory_space<vmem>>, vector<1x16xf32>,
          %get3A_1035 = arith.index_cast %add3A_974 : i32 to index
          %get3A_1036 = arith.constant 96 : index
          %get3A_1037 = tpu.vector_load %arg10[%get3A_1035, %get3A_1036] {strides = array<i32>} : memref<80x128xf32, #tpu.memory_space<vmem>>, vector<1x16xf32>,
          %get3A_1038 = vector.shape_cast %get3A_1037 : vector<1x16xf32> to vector<16xf32>
          %mul3A_1039 = arith.mulf %get3A_1038, %gather3A_970 : vector<16xf32>
          %swap3A_1040 = arith.index_cast %add3A_974 : i32 to index
          %swap3A_1041 = arith.constant 96 : index
          %swap3A_1042 = tpu.vector_load %arg10[%swap3A_1040, %swap3A_1041] {strides = array<i32>} : memref<80x128xf32, #tpu.memory_space<vmem>>, vector<1x16xf32>,
          %swap3A_1043 = vector.shape_cast %swap3A_1042 : vector<1x16xf32> to vector<16xf32>
          %swap3A_1044 = vector.shape_cast %mul3A_1039 : vector<16xf32> to vector<1x16xf32>
          tpu.vector_store %arg10[%swap3A_1040, %swap3A_1041], %swap3A_1044 {strides = array<i32>} : memref<80x128xf32, #tpu.memory_space<vmem>>, vector<1x16xf32>,
          %get3A_1045 = arith.index_cast %add3A_974 : i32 to index
          %get3A_1046 = arith.constant 112 : index
          %get3A_1047 = tpu.vector_load %arg10[%get3A_1045, %get3A_1046] {strides = array<i32>} : memref<80x128xf32, #tpu.memory_space<vmem>>, vector<1x16xf32>,
          %get3A_1048 = vector.shape_cast %get3A_1047 : vector<1x16xf32> to vector<16xf32>
          %mul3A_1049 = arith.mulf %get3A_1048, %gather3A_970 : vector<16xf32>
          %swap3A_1050 = arith.index_cast %add3A_974 : i32 to index
          %swap3A_1051 = arith.constant 112 : index
          %swap3A_1052 = tpu.vector_load %arg10[%swap3A_1050, %swap3A_1051] {strides = array<i32>} : memref<80x128xf32, #tpu.memory_space<vmem>>, vector<1x16xf32>,
          %swap3A_1053 = vector.shape_cast %swap3A_1052 : vector<1x16xf32> to vector<16xf32>
          %swap3A_1054 = vector.shape_cast %mul3A_1049 : vector<16xf32> to vector<1x16xf32>
          tpu.vector_store %arg10[%swap3A_1050, %swap3A_1051], %swap3A_1054 {strides = array<i32>} : memref<80x128xf32, #tpu.memory_space<vmem>>, vector<1x16xf32>,
          %broadcast_in_dim3A_1055 = arith.constant 11 : i32
          %broadcast_in_dim3A_1056 = vector.broadcast %broadcast_in_dim3A_1055 : i32 to vector<16x1xi32>
          %gather3A_1057 = vector.shape_cast %broadcast_in_dim3A_1056 : vector<16x1xi32> to vector<16xi32>
          %gather3A_1058 = tpu.dynamic_gather %get3A_88[%gather3A_1057] in [0] : vector<16xf32>, vector<16xi32> -> vector<16xf32>
          %mul3A_1059 = arith.constant 16 : i32
          %mul3A_1060 = arith.muli %scan3A_82, %mul3A_1059 : i32
          %add3A_1061 = arith.constant 11 : i32
          %add3A_1062 = arith.addi %mul3A_1060, %add3A_1061 : i32
          %get3A_1063 = arith.index_cast %add3A_1062 : i32 to index
          %get3A_1064 = arith.constant 0 : index
          %get3A_1065 = tpu.vector_load %arg10[%get3A_1063, %get3A_1064] {strides = array<i32>} : memref<80x128xf32, #tpu.memory_space<vmem>>, vector<1x16xf32>,
          %get3A_1066 = vector.shape_cast %get3A_1065 : vector<1x16xf32> to vector<16xf32>
          %mul3A_1067 = arith.mulf %get3A_1066, %gather3A_1058 : vector<16xf32>
          %swap3A_1068 = arith.index_cast %add3A_1062 : i32 to index
          %swap3A_1069 = arith.constant 0 : index
          %swap3A_1070 = tpu.vector_load %arg10[%swap3A_1068, %swap3A_1069] {strides = array<i32>} : memref<80x128xf32, #tpu.memory_space<vmem>>, vector<1x16xf32>,
          %swap3A_1071 = vector.shape_cast %swap3A_1070 : vector<1x16xf32> to vector<16xf32>
          %swap3A_1072 = vector.shape_cast %mul3A_1067 : vector<16xf32> to vector<1x16xf32>
          tpu.vector_store %arg10[%swap3A_1068, %swap3A_1069], %swap3A_1072 {strides = array<i32>} : memref<80x128xf32, #tpu.memory_space<vmem>>, vector<1x16xf32>,
          %get3A_1073 = arith.index_cast %add3A_1062 : i32 to index
          %get3A_1074 = arith.constant 16 : index
          %get3A_1075 = tpu.vector_load %arg10[%get3A_1073, %get3A_1074] {strides = array<i32>} : memref<80x128xf32, #tpu.memory_space<vmem>>, vector<1x16xf32>,
          %get3A_1076 = vector.shape_cast %get3A_1075 : vector<1x16xf32> to vector<16xf32>
          %mul3A_1077 = arith.mulf %get3A_1076, %gather3A_1058 : vector<16xf32>
          %swap3A_1078 = arith.index_cast %add3A_1062 : i32 to index
          %swap3A_1079 = arith.constant 16 : index
          %swap3A_1080 = tpu.vector_load %arg10[%swap3A_1078, %swap3A_1079] {strides = array<i32>} : memref<80x128xf32, #tpu.memory_space<vmem>>, vector<1x16xf32>,
          %swap3A_1081 = vector.shape_cast %swap3A_1080 : vector<1x16xf32> to vector<16xf32>
          %swap3A_1082 = vector.shape_cast %mul3A_1077 : vector<16xf32> to vector<1x16xf32>
          tpu.vector_store %arg10[%swap3A_1078, %swap3A_1079], %swap3A_1082 {strides = array<i32>} : memref<80x128xf32, #tpu.memory_space<vmem>>, vector<1x16xf32>,
          %get3A_1083 = arith.index_cast %add3A_1062 : i32 to index
          %get3A_1084 = arith.constant 32 : index
          %get3A_1085 = tpu.vector_load %arg10[%get3A_1083, %get3A_1084] {strides = array<i32>} : memref<80x128xf32, #tpu.memory_space<vmem>>, vector<1x16xf32>,
          %get3A_1086 = vector.shape_cast %get3A_1085 : vector<1x16xf32> to vector<16xf32>
          %mul3A_1087 = arith.mulf %get3A_1086, %gather3A_1058 : vector<16xf32>
          %swap3A_1088 = arith.index_cast %add3A_1062 : i32 to index
          %swap3A_1089 = arith.constant 32 : index
          %swap3A_1090 = tpu.vector_load %arg10[%swap3A_1088, %swap3A_1089] {strides = array<i32>} : memref<80x128xf32, #tpu.memory_space<vmem>>, vector<1x16xf32>,
          %swap3A_1091 = vector.shape_cast %swap3A_1090 : vector<1x16xf32> to vector<16xf32>
          %swap3A_1092 = vector.shape_cast %mul3A_1087 : vector<16xf32> to vector<1x16xf32>
          tpu.vector_store %arg10[%swap3A_1088, %swap3A_1089], %swap3A_1092 {strides = array<i32>} : memref<80x128xf32, #tpu.memory_space<vmem>>, vector<1x16xf32>,
          %get3A_1093 = arith.index_cast %add3A_1062 : i32 to index
          %get3A_1094 = arith.constant 48 : index
          %get3A_1095 = tpu.vector_load %arg10[%get3A_1093, %get3A_1094] {strides = array<i32>} : memref<80x128xf32, #tpu.memory_space<vmem>>, vector<1x16xf32>,
          %get3A_1096 = vector.shape_cast %get3A_1095 : vector<1x16xf32> to vector<16xf32>
          %mul3A_1097 = arith.mulf %get3A_1096, %gather3A_1058 : vector<16xf32>
          %swap3A_1098 = arith.index_cast %add3A_1062 : i32 to index
          %swap3A_1099 = arith.constant 48 : index
          %swap3A_1100 = tpu.vector_load %arg10[%swap3A_1098, %swap3A_1099] {strides = array<i32>} : memref<80x128xf32, #tpu.memory_space<vmem>>, vector<1x16xf32>,
          %swap3A_1101 = vector.shape_cast %swap3A_1100 : vector<1x16xf32> to vector<16xf32>
          %swap3A_1102 = vector.shape_cast %mul3A_1097 : vector<16xf32> to vector<1x16xf32>
          tpu.vector_store %arg10[%swap3A_1098, %swap3A_1099], %swap3A_1102 {strides = array<i32>} : memref<80x128xf32, #tpu.memory_space<vmem>>, vector<1x16xf32>,
          %get3A_1103 = arith.index_cast %add3A_1062 : i32 to index
          %get3A_1104 = arith.constant 64 : index
          %get3A_1105 = tpu.vector_load %arg10[%get3A_1103, %get3A_1104] {strides = array<i32>} : memref<80x128xf32, #tpu.memory_space<vmem>>, vector<1x16xf32>,
          %get3A_1106 = vector.shape_cast %get3A_1105 : vector<1x16xf32> to vector<16xf32>
          %mul3A_1107 = arith.mulf %get3A_1106, %gather3A_1058 : vector<16xf32>
          %swap3A_1108 = arith.index_cast %add3A_1062 : i32 to index
          %swap3A_1109 = arith.constant 64 : index
          %swap3A_1110 = tpu.vector_load %arg10[%swap3A_1108, %swap3A_1109] {strides = array<i32>} : memref<80x128xf32, #tpu.memory_space<vmem>>, vector<1x16xf32>,
          %swap3A_1111 = vector.shape_cast %swap3A_1110 : vector<1x16xf32> to vector<16xf32>
          %swap3A_1112 = vector.shape_cast %mul3A_1107 : vector<16xf32> to vector<1x16xf32>
          tpu.vector_store %arg10[%swap3A_1108, %swap3A_1109], %swap3A_1112 {strides = array<i32>} : memref<80x128xf32, #tpu.memory_space<vmem>>, vector<1x16xf32>,
          %get3A_1113 = arith.index_cast %add3A_1062 : i32 to index
          %get3A_1114 = arith.constant 80 : index
          %get3A_1115 = tpu.vector_load %arg10[%get3A_1113, %get3A_1114] {strides = array<i32>} : memref<80x128xf32, #tpu.memory_space<vmem>>, vector<1x16xf32>,
          %get3A_1116 = vector.shape_cast %get3A_1115 : vector<1x16xf32> to vector<16xf32>
          %mul3A_1117 = arith.mulf %get3A_1116, %gather3A_1058 : vector<16xf32>
          %swap3A_1118 = arith.index_cast %add3A_1062 : i32 to index
          %swap3A_1119 = arith.constant 80 : index
          %swap3A_1120 = tpu.vector_load %arg10[%swap3A_1118, %swap3A_1119] {strides = array<i32>} : memref<80x128xf32, #tpu.memory_space<vmem>>, vector<1x16xf32>,
          %swap3A_1121 = vector.shape_cast %swap3A_1120 : vector<1x16xf32> to vector<16xf32>
          %swap3A_1122 = vector.shape_cast %mul3A_1117 : vector<16xf32> to vector<1x16xf32>
          tpu.vector_store %arg10[%swap3A_1118, %swap3A_1119], %swap3A_1122 {strides = array<i32>} : memref<80x128xf32, #tpu.memory_space<vmem>>, vector<1x16xf32>,
          %get3A_1123 = arith.index_cast %add3A_1062 : i32 to index
          %get3A_1124 = arith.constant 96 : index
          %get3A_1125 = tpu.vector_load %arg10[%get3A_1123, %get3A_1124] {strides = array<i32>} : memref<80x128xf32, #tpu.memory_space<vmem>>, vector<1x16xf32>,
          %get3A_1126 = vector.shape_cast %get3A_1125 : vector<1x16xf32> to vector<16xf32>
          %mul3A_1127 = arith.mulf %get3A_1126, %gather3A_1058 : vector<16xf32>
          %swap3A_1128 = arith.index_cast %add3A_1062 : i32 to index
          %swap3A_1129 = arith.constant 96 : index
          %swap3A_1130 = tpu.vector_load %arg10[%swap3A_1128, %swap3A_1129] {strides = array<i32>} : memref<80x128xf32, #tpu.memory_space<vmem>>, vector<1x16xf32>,
          %swap3A_1131 = vector.shape_cast %swap3A_1130 : vector<1x16xf32> to vector<16xf32>
          %swap3A_1132 = vector.shape_cast %mul3A_1127 : vector<16xf32> to vector<1x16xf32>
          tpu.vector_store %arg10[%swap3A_1128, %swap3A_1129], %swap3A_1132 {strides = array<i32>} : memref<80x128xf32, #tpu.memory_space<vmem>>, vector<1x16xf32>,
          %get3A_1133 = arith.index_cast %add3A_1062 : i32 to index
          %get3A_1134 = arith.constant 112 : index
          %get3A_1135 = tpu.vector_load %arg10[%get3A_1133, %get3A_1134] {strides = array<i32>} : memref<80x128xf32, #tpu.memory_space<vmem>>, vector<1x16xf32>,
          %get3A_1136 = vector.shape_cast %get3A_1135 : vector<1x16xf32> to vector<16xf32>
          %mul3A_1137 = arith.mulf %get3A_1136, %gather3A_1058 : vector<16xf32>
          %swap3A_1138 = arith.index_cast %add3A_1062 : i32 to index
          %swap3A_1139 = arith.constant 112 : index
          %swap3A_1140 = tpu.vector_load %arg10[%swap3A_1138, %swap3A_1139] {strides = array<i32>} : memref<80x128xf32, #tpu.memory_space<vmem>>, vector<1x16xf32>,
          %swap3A_1141 = vector.shape_cast %swap3A_1140 : vector<1x16xf32> to vector<16xf32>
          %swap3A_1142 = vector.shape_cast %mul3A_1137 : vector<16xf32> to vector<1x16xf32>
          tpu.vector_store %arg10[%swap3A_1138, %swap3A_1139], %swap3A_1142 {strides = array<i32>} : memref<80x128xf32, #tpu.memory_space<vmem>>, vector<1x16xf32>,
          %broadcast_in_dim3A_1143 = arith.constant 12 : i32
          %broadcast_in_dim3A_1144 = vector.broadcast %broadcast_in_dim3A_1143 : i32 to vector<16x1xi32>
          %gather3A_1145 = vector.shape_cast %broadcast_in_dim3A_1144 : vector<16x1xi32> to vector<16xi32>
          %gather3A_1146 = tpu.dynamic_gather %get3A_88[%gather3A_1145] in [0] : vector<16xf32>, vector<16xi32> -> vector<16xf32>
          %mul3A_1147 = arith.constant 16 : i32
          %mul3A_1148 = arith.muli %scan3A_82, %mul3A_1147 : i32
          %add3A_1149 = arith.constant 12 : i32
          %add3A_1150 = arith.addi %mul3A_1148, %add3A_1149 : i32
          %get3A_1151 = arith.index_cast %add3A_1150 : i32 to index
          %get3A_1152 = arith.constant 0 : index
          %get3A_1153 = tpu.vector_load %arg10[%get3A_1151, %get3A_1152] {strides = array<i32>} : memref<80x128xf32, #tpu.memory_space<vmem>>, vector<1x16xf32>,
          %get3A_1154 = vector.shape_cast %get3A_1153 : vector<1x16xf32> to vector<16xf32>
          %mul3A_1155 = arith.mulf %get3A_1154, %gather3A_1146 : vector<16xf32>
          %swap3A_1156 = arith.index_cast %add3A_1150 : i32 to index
          %swap3A_1157 = arith.constant 0 : index
          %swap3A_1158 = tpu.vector_load %arg10[%swap3A_1156, %swap3A_1157] {strides = array<i32>} : memref<80x128xf32, #tpu.memory_space<vmem>>, vector<1x16xf32>,
          %swap3A_1159 = vector.shape_cast %swap3A_1158 : vector<1x16xf32> to vector<16xf32>
          %swap3A_1160 = vector.shape_cast %mul3A_1155 : vector<16xf32> to vector<1x16xf32>
          tpu.vector_store %arg10[%swap3A_1156, %swap3A_1157], %swap3A_1160 {strides = array<i32>} : memref<80x128xf32, #tpu.memory_space<vmem>>, vector<1x16xf32>,
          %get3A_1161 = arith.index_cast %add3A_1150 : i32 to index
          %get3A_1162 = arith.constant 16 : index
          %get3A_1163 = tpu.vector_load %arg10[%get3A_1161, %get3A_1162] {strides = array<i32>} : memref<80x128xf32, #tpu.memory_space<vmem>>, vector<1x16xf32>,
          %get3A_1164 = vector.shape_cast %get3A_1163 : vector<1x16xf32> to vector<16xf32>
          %mul3A_1165 = arith.mulf %get3A_1164, %gather3A_1146 : vector<16xf32>
          %swap3A_1166 = arith.index_cast %add3A_1150 : i32 to index
          %swap3A_1167 = arith.constant 16 : index
          %swap3A_1168 = tpu.vector_load %arg10[%swap3A_1166, %swap3A_1167] {strides = array<i32>} : memref<80x128xf32, #tpu.memory_space<vmem>>, vector<1x16xf32>,
          %swap3A_1169 = vector.shape_cast %swap3A_1168 : vector<1x16xf32> to vector<16xf32>
          %swap3A_1170 = vector.shape_cast %mul3A_1165 : vector<16xf32> to vector<1x16xf32>
          tpu.vector_store %arg10[%swap3A_1166, %swap3A_1167], %swap3A_1170 {strides = array<i32>} : memref<80x128xf32, #tpu.memory_space<vmem>>, vector<1x16xf32>,
          %get3A_1171 = arith.index_cast %add3A_1150 : i32 to index
          %get3A_1172 = arith.constant 32 : index
          %get3A_1173 = tpu.vector_load %arg10[%get3A_1171, %get3A_1172] {strides = array<i32>} : memref<80x128xf32, #tpu.memory_space<vmem>>, vector<1x16xf32>,
          %get3A_1174 = vector.shape_cast %get3A_1173 : vector<1x16xf32> to vector<16xf32>
          %mul3A_1175 = arith.mulf %get3A_1174, %gather3A_1146 : vector<16xf32>
          %swap3A_1176 = arith.index_cast %add3A_1150 : i32 to index
          %swap3A_1177 = arith.constant 32 : index
          %swap3A_1178 = tpu.vector_load %arg10[%swap3A_1176, %swap3A_1177] {strides = array<i32>} : memref<80x128xf32, #tpu.memory_space<vmem>>, vector<1x16xf32>,
          %swap3A_1179 = vector.shape_cast %swap3A_1178 : vector<1x16xf32> to vector<16xf32>
          %swap3A_1180 = vector.shape_cast %mul3A_1175 : vector<16xf32> to vector<1x16xf32>
          tpu.vector_store %arg10[%swap3A_1176, %swap3A_1177], %swap3A_1180 {strides = array<i32>} : memref<80x128xf32, #tpu.memory_space<vmem>>, vector<1x16xf32>,
          %get3A_1181 = arith.index_cast %add3A_1150 : i32 to index
          %get3A_1182 = arith.constant 48 : index
          %get3A_1183 = tpu.vector_load %arg10[%get3A_1181, %get3A_1182] {strides = array<i32>} : memref<80x128xf32, #tpu.memory_space<vmem>>, vector<1x16xf32>,
          %get3A_1184 = vector.shape_cast %get3A_1183 : vector<1x16xf32> to vector<16xf32>
          %mul3A_1185 = arith.mulf %get3A_1184, %gather3A_1146 : vector<16xf32>
          %swap3A_1186 = arith.index_cast %add3A_1150 : i32 to index
          %swap3A_1187 = arith.constant 48 : index
          %swap3A_1188 = tpu.vector_load %arg10[%swap3A_1186, %swap3A_1187] {strides = array<i32>} : memref<80x128xf32, #tpu.memory_space<vmem>>, vector<1x16xf32>,
          %swap3A_1189 = vector.shape_cast %swap3A_1188 : vector<1x16xf32> to vector<16xf32>
          %swap3A_1190 = vector.shape_cast %mul3A_1185 : vector<16xf32> to vector<1x16xf32>
          tpu.vector_store %arg10[%swap3A_1186, %swap3A_1187], %swap3A_1190 {strides = array<i32>} : memref<80x128xf32, #tpu.memory_space<vmem>>, vector<1x16xf32>,
          %get3A_1191 = arith.index_cast %add3A_1150 : i32 to index
          %get3A_1192 = arith.constant 64 : index
          %get3A_1193 = tpu.vector_load %arg10[%get3A_1191, %get3A_1192] {strides = array<i32>} : memref<80x128xf32, #tpu.memory_space<vmem>>, vector<1x16xf32>,
          %get3A_1194 = vector.shape_cast %get3A_1193 : vector<1x16xf32> to vector<16xf32>
          %mul3A_1195 = arith.mulf %get3A_1194, %gather3A_1146 : vector<16xf32>
          %swap3A_1196 = arith.index_cast %add3A_1150 : i32 to index
          %swap3A_1197 = arith.constant 64 : index
          %swap3A_1198 = tpu.vector_load %arg10[%swap3A_1196, %swap3A_1197] {strides = array<i32>} : memref<80x128xf32, #tpu.memory_space<vmem>>, vector<1x16xf32>,
          %swap3A_1199 = vector.shape_cast %swap3A_1198 : vector<1x16xf32> to vector<16xf32>
          %swap3A_1200 = vector.shape_cast %mul3A_1195 : vector<16xf32> to vector<1x16xf32>
          tpu.vector_store %arg10[%swap3A_1196, %swap3A_1197], %swap3A_1200 {strides = array<i32>} : memref<80x128xf32, #tpu.memory_space<vmem>>, vector<1x16xf32>,
          %get3A_1201 = arith.index_cast %add3A_1150 : i32 to index
          %get3A_1202 = arith.constant 80 : index
          %get3A_1203 = tpu.vector_load %arg10[%get3A_1201, %get3A_1202] {strides = array<i32>} : memref<80x128xf32, #tpu.memory_space<vmem>>, vector<1x16xf32>,
          %get3A_1204 = vector.shape_cast %get3A_1203 : vector<1x16xf32> to vector<16xf32>
          %mul3A_1205 = arith.mulf %get3A_1204, %gather3A_1146 : vector<16xf32>
          %swap3A_1206 = arith.index_cast %add3A_1150 : i32 to index
          %swap3A_1207 = arith.constant 80 : index
          %swap3A_1208 = tpu.vector_load %arg10[%swap3A_1206, %swap3A_1207] {strides = array<i32>} : memref<80x128xf32, #tpu.memory_space<vmem>>, vector<1x16xf32>,
          %swap3A_1209 = vector.shape_cast %swap3A_1208 : vector<1x16xf32> to vector<16xf32>
          %swap3A_1210 = vector.shape_cast %mul3A_1205 : vector<16xf32> to vector<1x16xf32>
          tpu.vector_store %arg10[%swap3A_1206, %swap3A_1207], %swap3A_1210 {strides = array<i32>} : memref<80x128xf32, #tpu.memory_space<vmem>>, vector<1x16xf32>,
          %get3A_1211 = arith.index_cast %add3A_1150 : i32 to index
          %get3A_1212 = arith.constant 96 : index
          %get3A_1213 = tpu.vector_load %arg10[%get3A_1211, %get3A_1212] {strides = array<i32>} : memref<80x128xf32, #tpu.memory_space<vmem>>, vector<1x16xf32>,
          %get3A_1214 = vector.shape_cast %get3A_1213 : vector<1x16xf32> to vector<16xf32>
          %mul3A_1215 = arith.mulf %get3A_1214, %gather3A_1146 : vector<16xf32>
          %swap3A_1216 = arith.index_cast %add3A_1150 : i32 to index
          %swap3A_1217 = arith.constant 96 : index
          %swap3A_1218 = tpu.vector_load %arg10[%swap3A_1216, %swap3A_1217] {strides = array<i32>} : memref<80x128xf32, #tpu.memory_space<vmem>>, vector<1x16xf32>,
          %swap3A_1219 = vector.shape_cast %swap3A_1218 : vector<1x16xf32> to vector<16xf32>
          %swap3A_1220 = vector.shape_cast %mul3A_1215 : vector<16xf32> to vector<1x16xf32>
          tpu.vector_store %arg10[%swap3A_1216, %swap3A_1217], %swap3A_1220 {strides = array<i32>} : memref<80x128xf32, #tpu.memory_space<vmem>>, vector<1x16xf32>,
          %get3A_1221 = arith.index_cast %add3A_1150 : i32 to index
          %get3A_1222 = arith.constant 112 : index
          %get3A_1223 = tpu.vector_load %arg10[%get3A_1221, %get3A_1222] {strides = array<i32>} : memref<80x128xf32, #tpu.memory_space<vmem>>, vector<1x16xf32>,
          %get3A_1224 = vector.shape_cast %get3A_1223 : vector<1x16xf32> to vector<16xf32>
          %mul3A_1225 = arith.mulf %get3A_1224, %gather3A_1146 : vector<16xf32>
          %swap3A_1226 = arith.index_cast %add3A_1150 : i32 to index
          %swap3A_1227 = arith.constant 112 : index
          %swap3A_1228 = tpu.vector_load %arg10[%swap3A_1226, %swap3A_1227] {strides = array<i32>} : memref<80x128xf32, #tpu.memory_space<vmem>>, vector<1x16xf32>,
          %swap3A_1229 = vector.shape_cast %swap3A_1228 : vector<1x16xf32> to vector<16xf32>
          %swap3A_1230 = vector.shape_cast %mul3A_1225 : vector<16xf32> to vector<1x16xf32>
          tpu.vector_store %arg10[%swap3A_1226, %swap3A_1227], %swap3A_1230 {strides = array<i32>} : memref<80x128xf32, #tpu.memory_space<vmem>>, vector<1x16xf32>,
          %broadcast_in_dim3A_1231 = arith.constant 13 : i32
          %broadcast_in_dim3A_1232 = vector.broadcast %broadcast_in_dim3A_1231 : i32 to vector<16x1xi32>
          %gather3A_1233 = vector.shape_cast %broadcast_in_dim3A_1232 : vector<16x1xi32> to vector<16xi32>
          %gather3A_1234 = tpu.dynamic_gather %get3A_88[%gather3A_1233] in [0] : vector<16xf32>, vector<16xi32> -> vector<16xf32>
          %mul3A_1235 = arith.constant 16 : i32
          %mul3A_1236 = arith.muli %scan3A_82, %mul3A_1235 : i32
          %add3A_1237 = arith.constant 13 : i32
          %add3A_1238 = arith.addi %mul3A_1236, %add3A_1237 : i32
          %get3A_1239 = arith.index_cast %add3A_1238 : i32 to index
          %get3A_1240 = arith.constant 0 : index
          %get3A_1241 = tpu.vector_load %arg10[%get3A_1239, %get3A_1240] {strides = array<i32>} : memref<80x128xf32, #tpu.memory_space<vmem>>, vector<1x16xf32>,
          %get3A_1242 = vector.shape_cast %get3A_1241 : vector<1x16xf32> to vector<16xf32>
          %mul3A_1243 = arith.mulf %get3A_1242, %gather3A_1234 : vector<16xf32>
          %swap3A_1244 = arith.index_cast %add3A_1238 : i32 to index
          %swap3A_1245 = arith.constant 0 : index
          %swap3A_1246 = tpu.vector_load %arg10[%swap3A_1244, %swap3A_1245] {strides = array<i32>} : memref<80x128xf32, #tpu.memory_space<vmem>>, vector<1x16xf32>,
          %swap3A_1247 = vector.shape_cast %swap3A_1246 : vector<1x16xf32> to vector<16xf32>
          %swap3A_1248 = vector.shape_cast %mul3A_1243 : vector<16xf32> to vector<1x16xf32>
          tpu.vector_store %arg10[%swap3A_1244, %swap3A_1245], %swap3A_1248 {strides = array<i32>} : memref<80x128xf32, #tpu.memory_space<vmem>>, vector<1x16xf32>,
          %get3A_1249 = arith.index_cast %add3A_1238 : i32 to index
          %get3A_1250 = arith.constant 16 : index
          %get3A_1251 = tpu.vector_load %arg10[%get3A_1249, %get3A_1250] {strides = array<i32>} : memref<80x128xf32, #tpu.memory_space<vmem>>, vector<1x16xf32>,
          %get3A_1252 = vector.shape_cast %get3A_1251 : vector<1x16xf32> to vector<16xf32>
          %mul3A_1253 = arith.mulf %get3A_1252, %gather3A_1234 : vector<16xf32>
          %swap3A_1254 = arith.index_cast %add3A_1238 : i32 to index
          %swap3A_1255 = arith.constant 16 : index
          %swap3A_1256 = tpu.vector_load %arg10[%swap3A_1254, %swap3A_1255] {strides = array<i32>} : memref<80x128xf32, #tpu.memory_space<vmem>>, vector<1x16xf32>,
          %swap3A_1257 = vector.shape_cast %swap3A_1256 : vector<1x16xf32> to vector<16xf32>
          %swap3A_1258 = vector.shape_cast %mul3A_1253 : vector<16xf32> to vector<1x16xf32>
          tpu.vector_store %arg10[%swap3A_1254, %swap3A_1255], %swap3A_1258 {strides = array<i32>} : memref<80x128xf32, #tpu.memory_space<vmem>>, vector<1x16xf32>,
          %get3A_1259 = arith.index_cast %add3A_1238 : i32 to index
          %get3A_1260 = arith.constant 32 : index
          %get3A_1261 = tpu.vector_load %arg10[%get3A_1259, %get3A_1260] {strides = array<i32>} : memref<80x128xf32, #tpu.memory_space<vmem>>, vector<1x16xf32>,
          %get3A_1262 = vector.shape_cast %get3A_1261 : vector<1x16xf32> to vector<16xf32>
          %mul3A_1263 = arith.mulf %get3A_1262, %gather3A_1234 : vector<16xf32>
          %swap3A_1264 = arith.index_cast %add3A_1238 : i32 to index
          %swap3A_1265 = arith.constant 32 : index
          %swap3A_1266 = tpu.vector_load %arg10[%swap3A_1264, %swap3A_1265] {strides = array<i32>} : memref<80x128xf32, #tpu.memory_space<vmem>>, vector<1x16xf32>,
          %swap3A_1267 = vector.shape_cast %swap3A_1266 : vector<1x16xf32> to vector<16xf32>
          %swap3A_1268 = vector.shape_cast %mul3A_1263 : vector<16xf32> to vector<1x16xf32>
          tpu.vector_store %arg10[%swap3A_1264, %swap3A_1265], %swap3A_1268 {strides = array<i32>} : memref<80x128xf32, #tpu.memory_space<vmem>>, vector<1x16xf32>,
          %get3A_1269 = arith.index_cast %add3A_1238 : i32 to index
          %get3A_1270 = arith.constant 48 : index
          %get3A_1271 = tpu.vector_load %arg10[%get3A_1269, %get3A_1270] {strides = array<i32>} : memref<80x128xf32, #tpu.memory_space<vmem>>, vector<1x16xf32>,
          %get3A_1272 = vector.shape_cast %get3A_1271 : vector<1x16xf32> to vector<16xf32>
          %mul3A_1273 = arith.mulf %get3A_1272, %gather3A_1234 : vector<16xf32>
          %swap3A_1274 = arith.index_cast %add3A_1238 : i32 to index
          %swap3A_1275 = arith.constant 48 : index
          %swap3A_1276 = tpu.vector_load %arg10[%swap3A_1274, %swap3A_1275] {strides = array<i32>} : memref<80x128xf32, #tpu.memory_space<vmem>>, vector<1x16xf32>,
          %swap3A_1277 = vector.shape_cast %swap3A_1276 : vector<1x16xf32> to vector<16xf32>
          %swap3A_1278 = vector.shape_cast %mul3A_1273 : vector<16xf32> to vector<1x16xf32>
          tpu.vector_store %arg10[%swap3A_1274, %swap3A_1275], %swap3A_1278 {strides = array<i32>} : memref<80x128xf32, #tpu.memory_space<vmem>>, vector<1x16xf32>,
          %get3A_1279 = arith.index_cast %add3A_1238 : i32 to index
          %get3A_1280 = arith.constant 64 : index
          %get3A_1281 = tpu.vector_load %arg10[%get3A_1279, %get3A_1280] {strides = array<i32>} : memref<80x128xf32, #tpu.memory_space<vmem>>, vector<1x16xf32>,
          %get3A_1282 = vector.shape_cast %get3A_1281 : vector<1x16xf32> to vector<16xf32>
          %mul3A_1283 = arith.mulf %get3A_1282, %gather3A_1234 : vector<16xf32>
          %swap3A_1284 = arith.index_cast %add3A_1238 : i32 to index
          %swap3A_1285 = arith.constant 64 : index
          %swap3A_1286 = tpu.vector_load %arg10[%swap3A_1284, %swap3A_1285] {strides = array<i32>} : memref<80x128xf32, #tpu.memory_space<vmem>>, vector<1x16xf32>,
          %swap3A_1287 = vector.shape_cast %swap3A_1286 : vector<1x16xf32> to vector<16xf32>
          %swap3A_1288 = vector.shape_cast %mul3A_1283 : vector<16xf32> to vector<1x16xf32>
          tpu.vector_store %arg10[%swap3A_1284, %swap3A_1285], %swap3A_1288 {strides = array<i32>} : memref<80x128xf32, #tpu.memory_space<vmem>>, vector<1x16xf32>,
          %get3A_1289 = arith.index_cast %add3A_1238 : i32 to index
          %get3A_1290 = arith.constant 80 : index
          %get3A_1291 = tpu.vector_load %arg10[%get3A_1289, %get3A_1290] {strides = array<i32>} : memref<80x128xf32, #tpu.memory_space<vmem>>, vector<1x16xf32>,
          %get3A_1292 = vector.shape_cast %get3A_1291 : vector<1x16xf32> to vector<16xf32>
          %mul3A_1293 = arith.mulf %get3A_1292, %gather3A_1234 : vector<16xf32>
          %swap3A_1294 = arith.index_cast %add3A_1238 : i32 to index
          %swap3A_1295 = arith.constant 80 : index
          %swap3A_1296 = tpu.vector_load %arg10[%swap3A_1294, %swap3A_1295] {strides = array<i32>} : memref<80x128xf32, #tpu.memory_space<vmem>>, vector<1x16xf32>,
          %swap3A_1297 = vector.shape_cast %swap3A_1296 : vector<1x16xf32> to vector<16xf32>
          %swap3A_1298 = vector.shape_cast %mul3A_1293 : vector<16xf32> to vector<1x16xf32>
          tpu.vector_store %arg10[%swap3A_1294, %swap3A_1295], %swap3A_1298 {strides = array<i32>} : memref<80x128xf32, #tpu.memory_space<vmem>>, vector<1x16xf32>,
          %get3A_1299 = arith.index_cast %add3A_1238 : i32 to index
          %get3A_1300 = arith.constant 96 : index
          %get3A_1301 = tpu.vector_load %arg10[%get3A_1299, %get3A_1300] {strides = array<i32>} : memref<80x128xf32, #tpu.memory_space<vmem>>, vector<1x16xf32>,
          %get3A_1302 = vector.shape_cast %get3A_1301 : vector<1x16xf32> to vector<16xf32>
          %mul3A_1303 = arith.mulf %get3A_1302, %gather3A_1234 : vector<16xf32>
          %swap3A_1304 = arith.index_cast %add3A_1238 : i32 to index
          %swap3A_1305 = arith.constant 96 : index
          %swap3A_1306 = tpu.vector_load %arg10[%swap3A_1304, %swap3A_1305] {strides = array<i32>} : memref<80x128xf32, #tpu.memory_space<vmem>>, vector<1x16xf32>,
          %swap3A_1307 = vector.shape_cast %swap3A_1306 : vector<1x16xf32> to vector<16xf32>
          %swap3A_1308 = vector.shape_cast %mul3A_1303 : vector<16xf32> to vector<1x16xf32>
          tpu.vector_store %arg10[%swap3A_1304, %swap3A_1305], %swap3A_1308 {strides = array<i32>} : memref<80x128xf32, #tpu.memory_space<vmem>>, vector<1x16xf32>,
          %get3A_1309 = arith.index_cast %add3A_1238 : i32 to index
          %get3A_1310 = arith.constant 112 : index
          %get3A_1311 = tpu.vector_load %arg10[%get3A_1309, %get3A_1310] {strides = array<i32>} : memref<80x128xf32, #tpu.memory_space<vmem>>, vector<1x16xf32>,
          %get3A_1312 = vector.shape_cast %get3A_1311 : vector<1x16xf32> to vector<16xf32>
          %mul3A_1313 = arith.mulf %get3A_1312, %gather3A_1234 : vector<16xf32>
          %swap3A_1314 = arith.index_cast %add3A_1238 : i32 to index
          %swap3A_1315 = arith.constant 112 : index
          %swap3A_1316 = tpu.vector_load %arg10[%swap3A_1314, %swap3A_1315] {strides = array<i32>} : memref<80x128xf32, #tpu.memory_space<vmem>>, vector<1x16xf32>,
          %swap3A_1317 = vector.shape_cast %swap3A_1316 : vector<1x16xf32> to vector<16xf32>
          %swap3A_1318 = vector.shape_cast %mul3A_1313 : vector<16xf32> to vector<1x16xf32>
          tpu.vector_store %arg10[%swap3A_1314, %swap3A_1315], %swap3A_1318 {strides = array<i32>} : memref<80x128xf32, #tpu.memory_space<vmem>>, vector<1x16xf32>,
          %broadcast_in_dim3A_1319 = arith.constant 14 : i32
          %broadcast_in_dim3A_1320 = vector.broadcast %broadcast_in_dim3A_1319 : i32 to vector<16x1xi32>
          %gather3A_1321 = vector.shape_cast %broadcast_in_dim3A_1320 : vector<16x1xi32> to vector<16xi32>
          %gather3A_1322 = tpu.dynamic_gather %get3A_88[%gather3A_1321] in [0] : vector<16xf32>, vector<16xi32> -> vector<16xf32>
          %mul3A_1323 = arith.constant 16 : i32
          %mul3A_1324 = arith.muli %scan3A_82, %mul3A_1323 : i32
          %add3A_1325 = arith.constant 14 : i32
          %add3A_1326 = arith.addi %mul3A_1324, %add3A_1325 : i32
          %get3A_1327 = arith.index_cast %add3A_1326 : i32 to index
          %get3A_1328 = arith.constant 0 : index
          %get3A_1329 = tpu.vector_load %arg10[%get3A_1327, %get3A_1328] {strides = array<i32>} : memref<80x128xf32, #tpu.memory_space<vmem>>, vector<1x16xf32>,
          %get3A_1330 = vector.shape_cast %get3A_1329 : vector<1x16xf32> to vector<16xf32>
          %mul3A_1331 = arith.mulf %get3A_1330, %gather3A_1322 : vector<16xf32>
          %swap3A_1332 = arith.index_cast %add3A_1326 : i32 to index
          %swap3A_1333 = arith.constant 0 : index
          %swap3A_1334 = tpu.vector_load %arg10[%swap3A_1332, %swap3A_1333] {strides = array<i32>} : memref<80x128xf32, #tpu.memory_space<vmem>>, vector<1x16xf32>,
          %swap3A_1335 = vector.shape_cast %swap3A_1334 : vector<1x16xf32> to vector<16xf32>
          %swap3A_1336 = vector.shape_cast %mul3A_1331 : vector<16xf32> to vector<1x16xf32>
          tpu.vector_store %arg10[%swap3A_1332, %swap3A_1333], %swap3A_1336 {strides = array<i32>} : memref<80x128xf32, #tpu.memory_space<vmem>>, vector<1x16xf32>,
          %get3A_1337 = arith.index_cast %add3A_1326 : i32 to index
          %get3A_1338 = arith.constant 16 : index
          %get3A_1339 = tpu.vector_load %arg10[%get3A_1337, %get3A_1338] {strides = array<i32>} : memref<80x128xf32, #tpu.memory_space<vmem>>, vector<1x16xf32>,
          %get3A_1340 = vector.shape_cast %get3A_1339 : vector<1x16xf32> to vector<16xf32>
          %mul3A_1341 = arith.mulf %get3A_1340, %gather3A_1322 : vector<16xf32>
          %swap3A_1342 = arith.index_cast %add3A_1326 : i32 to index
          %swap3A_1343 = arith.constant 16 : index
          %swap3A_1344 = tpu.vector_load %arg10[%swap3A_1342, %swap3A_1343] {strides = array<i32>} : memref<80x128xf32, #tpu.memory_space<vmem>>, vector<1x16xf32>,
          %swap3A_1345 = vector.shape_cast %swap3A_1344 : vector<1x16xf32> to vector<16xf32>
          %swap3A_1346 = vector.shape_cast %mul3A_1341 : vector<16xf32> to vector<1x16xf32>
          tpu.vector_store %arg10[%swap3A_1342, %swap3A_1343], %swap3A_1346 {strides = array<i32>} : memref<80x128xf32, #tpu.memory_space<vmem>>, vector<1x16xf32>,
          %get3A_1347 = arith.index_cast %add3A_1326 : i32 to index
          %get3A_1348 = arith.constant 32 : index
          %get3A_1349 = tpu.vector_load %arg10[%get3A_1347, %get3A_1348] {strides = array<i32>} : memref<80x128xf32, #tpu.memory_space<vmem>>, vector<1x16xf32>,
          %get3A_1350 = vector.shape_cast %get3A_1349 : vector<1x16xf32> to vector<16xf32>
          %mul3A_1351 = arith.mulf %get3A_1350, %gather3A_1322 : vector<16xf32>
          %swap3A_1352 = arith.index_cast %add3A_1326 : i32 to index
          %swap3A_1353 = arith.constant 32 : index
          %swap3A_1354 = tpu.vector_load %arg10[%swap3A_1352, %swap3A_1353] {strides = array<i32>} : memref<80x128xf32, #tpu.memory_space<vmem>>, vector<1x16xf32>,
          %swap3A_1355 = vector.shape_cast %swap3A_1354 : vector<1x16xf32> to vector<16xf32>
          %swap3A_1356 = vector.shape_cast %mul3A_1351 : vector<16xf32> to vector<1x16xf32>
          tpu.vector_store %arg10[%swap3A_1352, %swap3A_1353], %swap3A_1356 {strides = array<i32>} : memref<80x128xf32, #tpu.memory_space<vmem>>, vector<1x16xf32>,
          %get3A_1357 = arith.index_cast %add3A_1326 : i32 to index
          %get3A_1358 = arith.constant 48 : index
          %get3A_1359 = tpu.vector_load %arg10[%get3A_1357, %get3A_1358] {strides = array<i32>} : memref<80x128xf32, #tpu.memory_space<vmem>>, vector<1x16xf32>,
          %get3A_1360 = vector.shape_cast %get3A_1359 : vector<1x16xf32> to vector<16xf32>
          %mul3A_1361 = arith.mulf %get3A_1360, %gather3A_1322 : vector<16xf32>
          %swap3A_1362 = arith.index_cast %add3A_1326 : i32 to index
          %swap3A_1363 = arith.constant 48 : index
          %swap3A_1364 = tpu.vector_load %arg10[%swap3A_1362, %swap3A_1363] {strides = array<i32>} : memref<80x128xf32, #tpu.memory_space<vmem>>, vector<1x16xf32>,
          %swap3A_1365 = vector.shape_cast %swap3A_1364 : vector<1x16xf32> to vector<16xf32>
          %swap3A_1366 = vector.shape_cast %mul3A_1361 : vector<16xf32> to vector<1x16xf32>
          tpu.vector_store %arg10[%swap3A_1362, %swap3A_1363], %swap3A_1366 {strides = array<i32>} : memref<80x128xf32, #tpu.memory_space<vmem>>, vector<1x16xf32>,
          %get3A_1367 = arith.index_cast %add3A_1326 : i32 to index
          %get3A_1368 = arith.constant 64 : index
          %get3A_1369 = tpu.vector_load %arg10[%get3A_1367, %get3A_1368] {strides = array<i32>} : memref<80x128xf32, #tpu.memory_space<vmem>>, vector<1x16xf32>,
          %get3A_1370 = vector.shape_cast %get3A_1369 : vector<1x16xf32> to vector<16xf32>
          %mul3A_1371 = arith.mulf %get3A_1370, %gather3A_1322 : vector<16xf32>
          %swap3A_1372 = arith.index_cast %add3A_1326 : i32 to index
          %swap3A_1373 = arith.constant 64 : index
          %swap3A_1374 = tpu.vector_load %arg10[%swap3A_1372, %swap3A_1373] {strides = array<i32>} : memref<80x128xf32, #tpu.memory_space<vmem>>, vector<1x16xf32>,
          %swap3A_1375 = vector.shape_cast %swap3A_1374 : vector<1x16xf32> to vector<16xf32>
          %swap3A_1376 = vector.shape_cast %mul3A_1371 : vector<16xf32> to vector<1x16xf32>
          tpu.vector_store %arg10[%swap3A_1372, %swap3A_1373], %swap3A_1376 {strides = array<i32>} : memref<80x128xf32, #tpu.memory_space<vmem>>, vector<1x16xf32>,
          %get3A_1377 = arith.index_cast %add3A_1326 : i32 to index
          %get3A_1378 = arith.constant 80 : index
          %get3A_1379 = tpu.vector_load %arg10[%get3A_1377, %get3A_1378] {strides = array<i32>} : memref<80x128xf32, #tpu.memory_space<vmem>>, vector<1x16xf32>,
          %get3A_1380 = vector.shape_cast %get3A_1379 : vector<1x16xf32> to vector<16xf32>
          %mul3A_1381 = arith.mulf %get3A_1380, %gather3A_1322 : vector<16xf32>
          %swap3A_1382 = arith.index_cast %add3A_1326 : i32 to index
          %swap3A_1383 = arith.constant 80 : index
          %swap3A_1384 = tpu.vector_load %arg10[%swap3A_1382, %swap3A_1383] {strides = array<i32>} : memref<80x128xf32, #tpu.memory_space<vmem>>, vector<1x16xf32>,
          %swap3A_1385 = vector.shape_cast %swap3A_1384 : vector<1x16xf32> to vector<16xf32>
          %swap3A_1386 = vector.shape_cast %mul3A_1381 : vector<16xf32> to vector<1x16xf32>
          tpu.vector_store %arg10[%swap3A_1382, %swap3A_1383], %swap3A_1386 {strides = array<i32>} : memref<80x128xf32, #tpu.memory_space<vmem>>, vector<1x16xf32>,
          %get3A_1387 = arith.index_cast %add3A_1326 : i32 to index
          %get3A_1388 = arith.constant 96 : index
          %get3A_1389 = tpu.vector_load %arg10[%get3A_1387, %get3A_1388] {strides = array<i32>} : memref<80x128xf32, #tpu.memory_space<vmem>>, vector<1x16xf32>,
          %get3A_1390 = vector.shape_cast %get3A_1389 : vector<1x16xf32> to vector<16xf32>
          %mul3A_1391 = arith.mulf %get3A_1390, %gather3A_1322 : vector<16xf32>
          %swap3A_1392 = arith.index_cast %add3A_1326 : i32 to index
          %swap3A_1393 = arith.constant 96 : index
          %swap3A_1394 = tpu.vector_load %arg10[%swap3A_1392, %swap3A_1393] {strides = array<i32>} : memref<80x128xf32, #tpu.memory_space<vmem>>, vector<1x16xf32>,
          %swap3A_1395 = vector.shape_cast %swap3A_1394 : vector<1x16xf32> to vector<16xf32>
          %swap3A_1396 = vector.shape_cast %mul3A_1391 : vector<16xf32> to vector<1x16xf32>
          tpu.vector_store %arg10[%swap3A_1392, %swap3A_1393], %swap3A_1396 {strides = array<i32>} : memref<80x128xf32, #tpu.memory_space<vmem>>, vector<1x16xf32>,
          %get3A_1397 = arith.index_cast %add3A_1326 : i32 to index
          %get3A_1398 = arith.constant 112 : index
          %get3A_1399 = tpu.vector_load %arg10[%get3A_1397, %get3A_1398] {strides = array<i32>} : memref<80x128xf32, #tpu.memory_space<vmem>>, vector<1x16xf32>,
          %get3A_1400 = vector.shape_cast %get3A_1399 : vector<1x16xf32> to vector<16xf32>
          %mul3A_1401 = arith.mulf %get3A_1400, %gather3A_1322 : vector<16xf32>
          %swap3A_1402 = arith.index_cast %add3A_1326 : i32 to index
          %swap3A_1403 = arith.constant 112 : index
          %swap3A_1404 = tpu.vector_load %arg10[%swap3A_1402, %swap3A_1403] {strides = array<i32>} : memref<80x128xf32, #tpu.memory_space<vmem>>, vector<1x16xf32>,
          %swap3A_1405 = vector.shape_cast %swap3A_1404 : vector<1x16xf32> to vector<16xf32>
          %swap3A_1406 = vector.shape_cast %mul3A_1401 : vector<16xf32> to vector<1x16xf32>
          tpu.vector_store %arg10[%swap3A_1402, %swap3A_1403], %swap3A_1406 {strides = array<i32>} : memref<80x128xf32, #tpu.memory_space<vmem>>, vector<1x16xf32>,
          %broadcast_in_dim3A_1407 = arith.constant 15 : i32
          %broadcast_in_dim3A_1408 = vector.broadcast %broadcast_in_dim3A_1407 : i32 to vector<16x1xi32>
          %gather3A_1409 = vector.shape_cast %broadcast_in_dim3A_1408 : vector<16x1xi32> to vector<16xi32>
          %gather3A_1410 = tpu.dynamic_gather %get3A_88[%gather3A_1409] in [0] : vector<16xf32>, vector<16xi32> -> vector<16xf32>
          %mul3A_1411 = arith.constant 16 : i32
          %mul3A_1412 = arith.muli %scan3A_82, %mul3A_1411 : i32
          %add3A_1413 = arith.constant 15 : i32
          %add3A_1414 = arith.addi %mul3A_1412, %add3A_1413 : i32
          %get3A_1415 = arith.index_cast %add3A_1414 : i32 to index
          %get3A_1416 = arith.constant 0 : index
          %get3A_1417 = tpu.vector_load %arg10[%get3A_1415, %get3A_1416] {strides = array<i32>} : memref<80x128xf32, #tpu.memory_space<vmem>>, vector<1x16xf32>,
          %get3A_1418 = vector.shape_cast %get3A_1417 : vector<1x16xf32> to vector<16xf32>
          %mul3A_1419 = arith.mulf %get3A_1418, %gather3A_1410 : vector<16xf32>
          %swap3A_1420 = arith.index_cast %add3A_1414 : i32 to index
          %swap3A_1421 = arith.constant 0 : index
          %swap3A_1422 = tpu.vector_load %arg10[%swap3A_1420, %swap3A_1421] {strides = array<i32>} : memref<80x128xf32, #tpu.memory_space<vmem>>, vector<1x16xf32>,
          %swap3A_1423 = vector.shape_cast %swap3A_1422 : vector<1x16xf32> to vector<16xf32>
          %swap3A_1424 = vector.shape_cast %mul3A_1419 : vector<16xf32> to vector<1x16xf32>
          tpu.vector_store %arg10[%swap3A_1420, %swap3A_1421], %swap3A_1424 {strides = array<i32>} : memref<80x128xf32, #tpu.memory_space<vmem>>, vector<1x16xf32>,
          %get3A_1425 = arith.index_cast %add3A_1414 : i32 to index
          %get3A_1426 = arith.constant 16 : index
          %get3A_1427 = tpu.vector_load %arg10[%get3A_1425, %get3A_1426] {strides = array<i32>} : memref<80x128xf32, #tpu.memory_space<vmem>>, vector<1x16xf32>,
          %get3A_1428 = vector.shape_cast %get3A_1427 : vector<1x16xf32> to vector<16xf32>
          %mul3A_1429 = arith.mulf %get3A_1428, %gather3A_1410 : vector<16xf32>
          %swap3A_1430 = arith.index_cast %add3A_1414 : i32 to index
          %swap3A_1431 = arith.constant 16 : index
          %swap3A_1432 = tpu.vector_load %arg10[%swap3A_1430, %swap3A_1431] {strides = array<i32>} : memref<80x128xf32, #tpu.memory_space<vmem>>, vector<1x16xf32>,
          %swap3A_1433 = vector.shape_cast %swap3A_1432 : vector<1x16xf32> to vector<16xf32>
          %swap3A_1434 = vector.shape_cast %mul3A_1429 : vector<16xf32> to vector<1x16xf32>
          tpu.vector_store %arg10[%swap3A_1430, %swap3A_1431], %swap3A_1434 {strides = array<i32>} : memref<80x128xf32, #tpu.memory_space<vmem>>, vector<1x16xf32>,
          %get3A_1435 = arith.index_cast %add3A_1414 : i32 to index
          %get3A_1436 = arith.constant 32 : index
          %get3A_1437 = tpu.vector_load %arg10[%get3A_1435, %get3A_1436] {strides = array<i32>} : memref<80x128xf32, #tpu.memory_space<vmem>>, vector<1x16xf32>,
          %get3A_1438 = vector.shape_cast %get3A_1437 : vector<1x16xf32> to vector<16xf32>
          %mul3A_1439 = arith.mulf %get3A_1438, %gather3A_1410 : vector<16xf32>
          %swap3A_1440 = arith.index_cast %add3A_1414 : i32 to index
          %swap3A_1441 = arith.constant 32 : index
          %swap3A_1442 = tpu.vector_load %arg10[%swap3A_1440, %swap3A_1441] {strides = array<i32>} : memref<80x128xf32, #tpu.memory_space<vmem>>, vector<1x16xf32>,
          %swap3A_1443 = vector.shape_cast %swap3A_1442 : vector<1x16xf32> to vector<16xf32>
          %swap3A_1444 = vector.shape_cast %mul3A_1439 : vector<16xf32> to vector<1x16xf32>
          tpu.vector_store %arg10[%swap3A_1440, %swap3A_1441], %swap3A_1444 {strides = array<i32>} : memref<80x128xf32, #tpu.memory_space<vmem>>, vector<1x16xf32>,
          %get3A_1445 = arith.index_cast %add3A_1414 : i32 to index
          %get3A_1446 = arith.constant 48 : index
          %get3A_1447 = tpu.vector_load %arg10[%get3A_1445, %get3A_1446] {strides = array<i32>} : memref<80x128xf32, #tpu.memory_space<vmem>>, vector<1x16xf32>,
          %get3A_1448 = vector.shape_cast %get3A_1447 : vector<1x16xf32> to vector<16xf32>
          %mul3A_1449 = arith.mulf %get3A_1448, %gather3A_1410 : vector<16xf32>
          %swap3A_1450 = arith.index_cast %add3A_1414 : i32 to index
          %swap3A_1451 = arith.constant 48 : index
          %swap3A_1452 = tpu.vector_load %arg10[%swap3A_1450, %swap3A_1451] {strides = array<i32>} : memref<80x128xf32, #tpu.memory_space<vmem>>, vector<1x16xf32>,
          %swap3A_1453 = vector.shape_cast %swap3A_1452 : vector<1x16xf32> to vector<16xf32>
          %swap3A_1454 = vector.shape_cast %mul3A_1449 : vector<16xf32> to vector<1x16xf32>
          tpu.vector_store %arg10[%swap3A_1450, %swap3A_1451], %swap3A_1454 {strides = array<i32>} : memref<80x128xf32, #tpu.memory_space<vmem>>, vector<1x16xf32>,
          %get3A_1455 = arith.index_cast %add3A_1414 : i32 to index
          %get3A_1456 = arith.constant 64 : index
          %get3A_1457 = tpu.vector_load %arg10[%get3A_1455, %get3A_1456] {strides = array<i32>} : memref<80x128xf32, #tpu.memory_space<vmem>>, vector<1x16xf32>,
          %get3A_1458 = vector.shape_cast %get3A_1457 : vector<1x16xf32> to vector<16xf32>
          %mul3A_1459 = arith.mulf %get3A_1458, %gather3A_1410 : vector<16xf32>
          %swap3A_1460 = arith.index_cast %add3A_1414 : i32 to index
          %swap3A_1461 = arith.constant 64 : index
          %swap3A_1462 = tpu.vector_load %arg10[%swap3A_1460, %swap3A_1461] {strides = array<i32>} : memref<80x128xf32, #tpu.memory_space<vmem>>, vector<1x16xf32>,
          %swap3A_1463 = vector.shape_cast %swap3A_1462 : vector<1x16xf32> to vector<16xf32>
          %swap3A_1464 = vector.shape_cast %mul3A_1459 : vector<16xf32> to vector<1x16xf32>
          tpu.vector_store %arg10[%swap3A_1460, %swap3A_1461], %swap3A_1464 {strides = array<i32>} : memref<80x128xf32, #tpu.memory_space<vmem>>, vector<1x16xf32>,
          %get3A_1465 = arith.index_cast %add3A_1414 : i32 to index
          %get3A_1466 = arith.constant 80 : index
          %get3A_1467 = tpu.vector_load %arg10[%get3A_1465, %get3A_1466] {strides = array<i32>} : memref<80x128xf32, #tpu.memory_space<vmem>>, vector<1x16xf32>,
          %get3A_1468 = vector.shape_cast %get3A_1467 : vector<1x16xf32> to vector<16xf32>
          %mul3A_1469 = arith.mulf %get3A_1468, %gather3A_1410 : vector<16xf32>
          %swap3A_1470 = arith.index_cast %add3A_1414 : i32 to index
          %swap3A_1471 = arith.constant 80 : index
          %swap3A_1472 = tpu.vector_load %arg10[%swap3A_1470, %swap3A_1471] {strides = array<i32>} : memref<80x128xf32, #tpu.memory_space<vmem>>, vector<1x16xf32>,
          %swap3A_1473 = vector.shape_cast %swap3A_1472 : vector<1x16xf32> to vector<16xf32>
          %swap3A_1474 = vector.shape_cast %mul3A_1469 : vector<16xf32> to vector<1x16xf32>
          tpu.vector_store %arg10[%swap3A_1470, %swap3A_1471], %swap3A_1474 {strides = array<i32>} : memref<80x128xf32, #tpu.memory_space<vmem>>, vector<1x16xf32>,
          %get3A_1475 = arith.index_cast %add3A_1414 : i32 to index
          %get3A_1476 = arith.constant 96 : index
          %get3A_1477 = tpu.vector_load %arg10[%get3A_1475, %get3A_1476] {strides = array<i32>} : memref<80x128xf32, #tpu.memory_space<vmem>>, vector<1x16xf32>,
          %get3A_1478 = vector.shape_cast %get3A_1477 : vector<1x16xf32> to vector<16xf32>
          %mul3A_1479 = arith.mulf %get3A_1478, %gather3A_1410 : vector<16xf32>
          %swap3A_1480 = arith.index_cast %add3A_1414 : i32 to index
          %swap3A_1481 = arith.constant 96 : index
          %swap3A_1482 = tpu.vector_load %arg10[%swap3A_1480, %swap3A_1481] {strides = array<i32>} : memref<80x128xf32, #tpu.memory_space<vmem>>, vector<1x16xf32>,
          %swap3A_1483 = vector.shape_cast %swap3A_1482 : vector<1x16xf32> to vector<16xf32>
          %swap3A_1484 = vector.shape_cast %mul3A_1479 : vector<16xf32> to vector<1x16xf32>
          tpu.vector_store %arg10[%swap3A_1480, %swap3A_1481], %swap3A_1484 {strides = array<i32>} : memref<80x128xf32, #tpu.memory_space<vmem>>, vector<1x16xf32>,
          %get3A_1485 = arith.index_cast %add3A_1414 : i32 to index
          %get3A_1486 = arith.constant 112 : index
          %get3A_1487 = tpu.vector_load %arg10[%get3A_1485, %get3A_1486] {strides = array<i32>} : memref<80x128xf32, #tpu.memory_space<vmem>>, vector<1x16xf32>,
          %get3A_1488 = vector.shape_cast %get3A_1487 : vector<1x16xf32> to vector<16xf32>
          %mul3A_1489 = arith.mulf %get3A_1488, %gather3A_1410 : vector<16xf32>
          %swap3A_1490 = arith.index_cast %add3A_1414 : i32 to index
          %swap3A_1491 = arith.constant 112 : index
          %swap3A_1492 = tpu.vector_load %arg10[%swap3A_1490, %swap3A_1491] {strides = array<i32>} : memref<80x128xf32, #tpu.memory_space<vmem>>, vector<1x16xf32>,
          %swap3A_1493 = vector.shape_cast %swap3A_1492 : vector<1x16xf32> to vector<16xf32>
          %swap3A_1494 = vector.shape_cast %mul3A_1489 : vector<16xf32> to vector<1x16xf32>
          tpu.vector_store %arg10[%swap3A_1490, %swap3A_1491], %swap3A_1494 {strides = array<i32>} : memref<80x128xf32, #tpu.memory_space<vmem>>, vector<1x16xf32>,
          %scan3A_1495 = arith.constant 0 : i32
          scf.yield %scan3A_1495 : i32
        }
        %scan3A_80 = arith.constant 5 : i32
        "tpu.region"() ({
          %run_scoped3A = tpu.sem_alloc : memref<!tpu.dma_semaphore, #tpu.memory_space<semaphore_mem>>
          %dma_start3A_82 = arith.constant 0 : i32
          %dma_start3A_83 = tpu.memref_slice %arg7[%scan3A_62, %dma_start3A_82] : memref<25x80xi32, #tpu.memory_space<vmem>> -> memref<1x80xi32, #tpu.memory_space<vmem>>
          %dma_start3A_84 = tpu.memref_squeeze %dma_start3A_83 : memref<1x80xi32, #tpu.memory_space<vmem>> -> memref<80xi32, #tpu.memory_space<vmem>>
          %dma_start3A_85 = arith.constant 0 : i32
          %dma_start3A_86 = arith.constant 0 : i32
          %dma_start3A_87 = tpu.memref_slice %arg11[%dma_start3A_85, %dma_start3A_86] : memref<10240x128xf32, #tpu.memory_space<vmem_shared>> -> memref<10240x128xf32, #tpu.memory_space<vmem_shared>>
          tpu.enqueue_indirect_dma source(%arg10 : memref<80x128xf32, #tpu.memory_space<vmem>>) target(%dma_start3A_87 : memref<10240x128xf32, #tpu.memory_space<vmem_shared>>) offsets(%dma_start3A_84 : memref<80xi32, #tpu.memory_space<vmem>>) semaphore(%run_scoped3A : memref<!tpu.dma_semaphore, #tpu.memory_space<semaphore_mem>>) {add = true}
          %dma_wait3A_88 = arith.constant 0 : i32
          %dma_wait3A_89 = tpu.memref_slice %arg7[%scan3A_62, %dma_wait3A_88] : memref<25x80xi32, #tpu.memory_space<vmem>> -> memref<1x80xi32, #tpu.memory_space<vmem>>
          %dma_wait3A_90 = tpu.memref_squeeze %dma_wait3A_89 : memref<1x80xi32, #tpu.memory_space<vmem>> -> memref<80xi32, #tpu.memory_space<vmem>>
          %dma_wait3A_91 = arith.constant 0 : i32
          %dma_wait3A_92 = arith.constant 0 : i32
          %dma_wait3A_93 = tpu.memref_slice %arg11[%dma_wait3A_91, %dma_wait3A_92] : memref<10240x128xf32, #tpu.memory_space<vmem_shared>> -> memref<10240x128xf32, #tpu.memory_space<vmem_shared>>
          tpu.wait_indirect_dma semaphore(%run_scoped3A : memref<!tpu.dma_semaphore, #tpu.memory_space<semaphore_mem>>) src(%arg10 : memref<80x128xf32, #tpu.memory_space<vmem>>) dst(%dma_wait3A_93 : memref<10240x128xf32, #tpu.memory_space<vmem_shared>>)
          tpu.yield
        }) : () -> ()
        %scan3A_81 = arith.constant 0 : i32
        scf.yield %scan3A_81 : i32
      }
      %scan3A_60 = arith.constant 25 : i32
      %scan3A_61 = arith.constant 0 : i32
      scf.yield %scan3A_61 : i32
    }
    %scan3A_46 = arith.constant 5 : i32
    %barrier3A_47 = arith.constant 0 : index
    tpu.barrier barrier_id(%barrier3A_47)
    %mul3A_48 = arith.constant 640 : i32
    %mul3A_49 = arith.muli %arg1, %mul3A_48 : i32
    %mul3A_50 = arith.constant 640 : i32
    %mul3A_51 = arith.muli %arg1, %mul3A_50 : i32
    "tpu.region"() ({
      %run_scoped3A = tpu.sem_alloc : memref<!tpu.dma_semaphore, #tpu.memory_space<semaphore_mem>>
      %dma_start3A = arith.constant 0 : i32
      %dma_start3A_52 = tpu.memref_slice %arg6[%arg0, %mul3A_51, %dma_start3A] : memref<2x10240x128xf32, #tpu.memory_space<hbm>> -> memref<1x640x128xf32, #tpu.memory_space<hbm>>
      %dma_start3A_53 = tpu.memref_squeeze %dma_start3A_52 : memref<1x640x128xf32, #tpu.memory_space<hbm>> -> memref<640x128xf32, #tpu.memory_space<hbm>>
      %dma_start3A_54 = arith.constant 0 : i32
      %dma_start3A_55 = tpu.memref_slice %arg11[%mul3A_49, %dma_start3A_54] : memref<10240x128xf32, #tpu.memory_space<vmem_shared>> -> memref<640x128xf32, #tpu.memory_space<vmem_shared>>
      tpu.enqueue_dma source(%dma_start3A_55 : memref<640x128xf32, #tpu.memory_space<vmem_shared>>) target(%dma_start3A_53 : memref<640x128xf32, #tpu.memory_space<hbm>>) target_semaphore(%run_scoped3A : memref<!tpu.dma_semaphore, #tpu.memory_space<semaphore_mem>>)
      %dma_wait3A = arith.constant 0 : i32
      %dma_wait3A_56 = tpu.memref_slice %arg6[%arg0, %mul3A_51, %dma_wait3A] : memref<2x10240x128xf32, #tpu.memory_space<hbm>> -> memref<1x640x128xf32, #tpu.memory_space<hbm>>
      %dma_wait3A_57 = tpu.memref_squeeze %dma_wait3A_56 : memref<1x640x128xf32, #tpu.memory_space<hbm>> -> memref<640x128xf32, #tpu.memory_space<hbm>>
      %dma_wait3A_58 = arith.constant 0 : i32
      %dma_wait3A_59 = tpu.memref_slice %arg11[%mul3A_49, %dma_wait3A_58] : memref<10240x128xf32, #tpu.memory_space<vmem_shared>> -> memref<640x128xf32, #tpu.memory_space<vmem_shared>>
      tpu.wait_dma2 semaphore(%run_scoped3A : memref<!tpu.dma_semaphore, #tpu.memory_space<semaphore_mem>>) src(%dma_wait3A_59 : memref<640x128xf32, #tpu.memory_space<vmem_shared>>) dst(%dma_wait3A_57 : memref<640x128xf32, #tpu.memory_space<hbm>>)
      tpu.yield
    }) : () -> ()
    return
  }
}

module attributes {stable_mosaic.version = 14 : i64} {
  func.func @_combine_body(%arg0: i32, %arg1: memref<2x640x128xf32, #tpu.memory_space<vmem>>, %arg2: memref<640x128xf32, #tpu.memory_space<vmem>>) attributes {dimension_semantics = [#tpu.dimension_semantics<arbitrary>], iteration_bounds = array<i64: 16>, scalar_prefetch = 0 : i64, scratch_operands = 0 : i64, tpu.core_type = #tpu.core_type<tc>, window_params = [{transform_indices = @transform_0, window_bounds = array<i64: 2, 640, 128>}, {transform_indices = @transform_1, window_bounds = array<i64: 640, 128>}]} {
    %get3A = arith.constant 0 : index
    %get3A_0 = arith.constant 0 : index
    %get3A_1 = arith.constant 0 : index
    %get3A_2 = vector.load %arg1[%get3A, %get3A_0, %get3A_1] : memref<2x640x128xf32, #tpu.memory_space<vmem>>, vector<1x640x128xf32>
    %get3A_3 = vector.shape_cast %get3A_2 : vector<1x640x128xf32> to vector<640x128xf32>
    %get3A_4 = arith.constant 1 : index
    %get3A_5 = arith.constant 0 : index
    %get3A_6 = arith.constant 0 : index
    %get3A_7 = vector.load %arg1[%get3A_4, %get3A_5, %get3A_6] : memref<2x640x128xf32, #tpu.memory_space<vmem>>, vector<1x640x128xf32>
    %get3A_8 = vector.shape_cast %get3A_7 : vector<1x640x128xf32> to vector<640x128xf32>
    %add3A = arith.addf %get3A_3, %get3A_8 : vector<640x128xf32>
    %mul3A = arith.constant 2.000000e-01 : f32
    %mul3A_9 = vector.broadcast %mul3A : f32 to vector<640x128xf32>
    %mul3A_10 = arith.mulf %mul3A_9, %add3A : vector<640x128xf32>
    %max3A = arith.maximumf %add3A, %mul3A_10 : vector<640x128xf32>
    %swap3A = arith.constant 0 : index
    %swap3A_11 = arith.constant 0 : index
    %swap3A_12 = vector.load %arg2[%swap3A, %swap3A_11] : memref<640x128xf32, #tpu.memory_space<vmem>>, vector<640x128xf32>
    tpu.vector_store %arg2[%swap3A, %swap3A_11], %max3A {strides = array<i32>} : memref<640x128xf32, #tpu.memory_space<vmem>>, vector<640x128xf32>,
    return
  }
  func.func @transform_0(%arg0: i32) -> (i32, i32, i32) {
    %c0_i32 = arith.constant 0 : i32
    %c0_i32_0 = arith.constant 0 : i32
    %c0_i32_1 = arith.constant 0 : i32
    return %c0_i32, %arg0, %c0_i32_0 : i32, i32, i32
  }
  func.func @transform_1(%arg0: i32) -> (i32, i32) {
    %c0_i32 = arith.constant 0 : i32
    %c0_i32_0 = arith.constant 0 : i32
    return %arg0, %c0_i32 : i32, i32
  }
}

</mosaic_0001>

<sc_bundles>
// kernel: kernel.4.cloned.1.call-start
scs
__scs_entry_jumppad:
0x0: {  	(pc) =	sbr.rel $0x88, $3  }
0x1: {  	(tag) =	ssettag $0x0;
	lr =	simm.s32 $0x1  }
0x2: {  	[smem:$0x3F9E] =	sst lr;
	_ =	strace $0xD0000000  }
0x3: {  	_ = 	snop  }
0x4: {  	_ = 	snop  }
0x5: {  	_ = 	snop  }
0x6: {  	_ = 	snop  }
0x7: {  	_ = 	snop  }
__scs_overlays_trampoline_lowered:
0x8: {  	[smem:$0x3FAD] =	sst s0  }
0x9: {  	[smem:$0x3FAE] =	sst s1  }
0xa: {  	[smem:$0x3FAF] =	sst s2  }
0xb: {  	[smem:$0x3FB0] =	sst s3  }
0xc: {  	[smem:$0x3FB1] =	sst s4  }
0xd: {  	[smem:$0x3FB2] =	sst s5  }
0xe: {  	[smem:$0x3FB3] =	sst s6  }
0xf: {  	[smem:$0x3FB4] =	sst s7  }
0x10: {  	[smem:$0x3FB5] =	sst s8  }
0x11: {  	[smem:$0x3FB6] =	sst s9;
	s0 =	simm.s32 @!p0 $0x0  }
0x12: {  	s1 =	sld [smem:$0x3F9C];
	s0 =	simm.s32 @p0 $0x1  }
0x13: {  	[smem:$0x3FB7] =	sst s0;
	s0 =	simm.s32 @!p1 $0x0  }
0x14: {  	s2 =	sld [smem:$0x3F9B];
	s0 =	simm.s32 @p1 $0x1  }
0x15: {  	[smem:$0x3FB8] =	sst s0;
	s0 =	simm.s32 @!p2 $0x0  }
0x16: {  	s3 =	sld [smem:$0x3FDB];
	s0 =	simm.s32 @p2 $0x1  }
0x17: {  	s4 =	simm.s32 $0x1BF5;
	[smem:$0x3FBA] =	sst s0  }
0x18: {  	s0 =	sld [smem:$0x3F9D];
	_ =	swait.ge [sflag:s4], $0x0  }
0x19: {  	s7 =	sld [smem:$0x3F9E]  }
0x1a: {  	s8 =	sadd.s32 $0xFFFFE003, lr  }
0x1b: {  	s9 =	sadd.s32 $0xFFFFFEF7, lr;
	s5 =	simm.s32 $0xFFFFFFFF;
	p2 =	slt.u32 s8, $0xFFFFF086  }
0x1c: {  	p1 =	slt.u32 s9, $0xF7A;
	s5 =	simm.s32 @!p2 $0x0  }
0x1d: {  	s5 =	simm.s32 @p1 $0x1;
	p0 =	seq.s32 s7, s2  }
0x1e: {  	s7 =	smul.u32 @!p0 $0xF7A, s2;
	p2 =	seq.s32 @!p0 s5, $0x0  }
0x1f: {  	s9 =	smul.u32 $0xF7A, s1;
	s8 =	simm.s32 @!p0 $0x1BF5;
	p2 =	por !p2, p0  }
0x20: {  	[sflag:s8] =	ssyncset.s32 @!p0 $0xFFFFF086;
	s6 =	sadd.s32 @!p0 s3, s7;
	s7 =	simm.s32 @!p0 $0x108  }
0x21: {  	s3 =	sadd.s32 s3, s9;
	s6 =	sadd.s32 @!p0 $0x88, s6;
	s7 =	simm.s32 @p2 $0x1082  }
0x22: {  	[simem:s7], [sflag:s8] =	dma.local @!p0 [hbm:s6], $0xF7A  }
0x23: {  	s9 =	sor.u32 $0xD0000000, s2;
	s6 =	simm.s32 $0x108;
	_ =	swait.ge @!p0 [sflag:s8], $0x0  }
0x24: {  	s3 =	sadd.s32 $0x88, s3;
	s6 =	simm.s32 @!p1 $0x1082;
	[sflag:s4] =	ssyncset.s32 $0xFFFFF086  }
0x25: {  	[simem:s6], [sflag:s4] =	dma.local [hbm:s3], $0xF7A  }
0x26: {  	[smem:$0x3F9E] =	sst s1;
	(tag) =	ssettag s2;
	_ =	strace s9  }
0x27: {  	s1 =	sld [smem:$0x3FAE]  }
0x28: {  	s2 =	sld [smem:$0x3FAF]  }
0x29: {  	s4 =	sld [smem:$0x3FB1]  }
0x2a: {  	p0 =	seq.s32 s5, $0x0;
	s5 =	sld [smem:$0x3FB2]  }
0x2b: {  	s6 =	sld [smem:$0x3FB3]  }
0x2c: {  	s7 =	sld [smem:$0x3FB4]  }
0x2d: {  	s3 =	simm.s32 $0x108;
	s8 =	sld [smem:$0x3FB5]  }
0x2e: {  	s3 =	simm.s32 @!p0 $0x1082;
	s9 =	sld [smem:$0x3FB6]  }
0x2f: {  	lr =	sadd.s32 s0, s3;
	s0 =	sld [smem:$0x3FAD]  }
0x30: {  	s3 =	sld [smem:$0x3FB0]  }
0x31: {  	[smem:$0x3FB9] =	sst s10  }
0x32: {  	s10 =	sld [smem:$0x3FB7];
	_ =	sdelay $0x3  }
0x33: {  	p0 =	seq.s32 s10, $0x1;
	s10 =	sld [smem:$0x3FB9];
	_ =	sdelay $0x3  }
0x34: {  	[smem:$0x3FB9] =	sst s10  }
0x35: {  	s10 =	sld [smem:$0x3FB8];
	_ =	sdelay $0x3  }
0x36: {  	p1 =	seq.s32 s10, $0x1;
	s10 =	sld [smem:$0x3FB9];
	_ =	sdelay $0x3  }
0x37: {  	[smem:$0x3FB9] =	sst s10  }
0x38: {  	s10 =	sld [smem:$0x3FBA]  }
0x39: {  	_ = 	snop;
	(pc) =	sbr.ind lr, $3  }
0x3a: {  	_ = 	snop  }
0x3b: {  	_ = 	snop  }
0x3c: {  	p2 =	seq.s32 s10, $0x1;
	s10 =	sld [smem:$0x3FB9]  }
0x3d: {  	_ =	shalt  }
0x3e: {  	_ =	shalt  }
0x3f: {  	_ =	shalt  }
0x40: {  	_ =	shalt  }
0x41: {  	_ =	shalt  }
0x42: {  	_ =	shalt  }
0x43: {  	_ =	shalt  }
0x44: {  	_ =	shalt  }
0x45: {  	_ =	shalt  }
0x46: {  	_ =	shalt  }
0x47: {  	_ =	shalt  }
0x48: {  	_ =	shalt  }
0x49: {  	_ =	shalt  }
0x4a: {  	_ =	shalt  }
0x4b: {  	_ =	shalt  }
0x4c: {  	_ =	shalt  }
0x4d: {  	_ =	shalt  }
0x4e: {  	_ =	shalt  }
0x4f: {  	_ =	shalt  }
0x50: {  	_ =	shalt  }
0x51: {  	_ =	shalt  }
0x52: {  	_ =	shalt  }
0x53: {  	_ =	shalt  }
0x54: {  	_ =	shalt  }
0x55: {  	_ =	shalt  }
0x56: {  	_ =	shalt  }
0x57: {  	_ =	shalt  }
0x58: {  	_ =	shalt  }
0x59: {  	_ =	shalt  }
0x5a: {  	_ =	shalt  }
0x5b: {  	_ =	shalt  }
0x5c: {  	_ =	shalt  }
0x5d: {  	_ =	shalt  }
0x5e: {  	_ =	shalt  }
0x5f: {  	_ =	shalt  }
0x60: {  	_ =	shalt  }
0x61: {  	_ =	shalt  }
0x62: {  	_ =	shalt  }
0x63: {  	_ =	shalt  }
0x64: {  	_ =	shalt  }
0x65: {  	_ =	shalt  }
0x66: {  	_ =	shalt  }
0x67: {  	_ =	shalt  }
0x68: {  	_ =	shalt  }
0x69: {  	_ =	shalt  }
0x6a: {  	_ =	shalt  }
0x6b: {  	_ =	shalt  }
0x6c: {  	_ =	shalt  }
0x6d: {  	_ =	shalt  }
0x6e: {  	_ =	shalt  }
0x6f: {  	_ =	shalt  }
0x70: {  	_ =	shalt  }
0x71: {  	_ =	shalt  }
0x72: {  	_ =	shalt  }
0x73: {  	_ =	shalt  }
0x74: {  	_ =	shalt  }
0x75: {  	_ =	shalt  }
0x76: {  	_ =	shalt  }
0x77: {  	_ =	shalt  }
0x78: {  	_ =	shalt  }
0x79: {  	_ =	shalt  }
0x7a: {  	_ =	shalt  }
0x7b: {  	_ =	shalt  }
0x7c: {  	_ =	shalt  }
0x7d: {  	_ =	shalt  }
0x7e: {  	_ =	shalt  }
0x7f: {  	_ =	shalt  }
0x80: {  	_ =	shalt  }
0x81: {  	_ =	shalt  }
0x82: {  	_ =	shalt  }
0x83: {  	_ =	shalt  }
0x84: {  	_ =	shalt  }
0x85: {  	_ =	shalt  }
0x86: {  	_ =	shalt  }
0x87: {  	_ =	shalt  }
.Lfunc_end0:
.L_simem_size_0:
called_computation_lowered:
.L_overlay_start_0:
0x88: {  	s2 =	sld [smem:$0x3FD9]  }
0x89: {  	s3 =	sld [smem:$0x3FFE];
	_ =	sdelay $0x1  }
0x8a: {  	s1 =	srdreg.scid  }
0x8b: {  	s0 =	sand.u32 $0x1, s1  }
0x8c: {  	s17 =	sshll.u32 s0, $0xA;
	s2 =	sadd.s32 s3, s2  }
0x8d: {  	s2 =	sadd.s32 s2, s17  }
0x8e: {  	[smem:$0x3FC5] =	sst s2  }
0x8f: {  	_ = 	snop  }
0x90: {  	s2 =	sld [smem:$0x3FC7]  }
0x91: {  	s18 =	sld [smem:$0x3FD0];
	(tm) =	ssettm $0x1  }
0x92: {  	s4 =	sld [smem:$0x3FFB];
	_ =	sdelay $0x3  }
0x93: {  	_ =	strace s4  }
0x94: {  	s4 =	sld [smem:$0x3FFC];
	_ =	sdelay $0x3  }
0x95: {  	_ =	strace s4  }
0x96: {  	s4 =	sld [smem:$0x3FFD];
	_ =	sdelay $0x3  }
0x97: {  	_ =	strace s4  }
0x98: {  	_ =	strace $0x8FFFFFFF  }
0x99: {  	s19 =	sld [smem:$0x3FDB];
	_ =	sdelay $0x1  }
0x9a: {  	s5 =	simm.s32 $_scs_section_size  }
0x9b: {  	s6 =	simm.s32 $_size__tile_overlayer_lowered;
	s7 =	simm.s32 $_tile_overlayer_lowered  }
0x9c: {  	s22 =	simm.s32 $0x1BFF;
	s21 =	sshll.u32 s7, $0x1;
	s4 =	sadd.s32 s5, s19  }
0x9d: {  	s8 =	simm.s32 $0x0;
	s20 =	sshll.u32 s6, $0x1;
	s6 =	sadd.s32 s21, s4  }
0x9e: {  	[timem:s8], [sflag:s22] =	dma.local [hbm:s6], s20  }
0x9f: {  	_ =	swait.ge [sflag:s22], s20  }
0xa0: {  	s5 =	ssub.s32 $0x0, s20;
	[sflag:s22] =	ssyncset.done $0x0  }
0xa1: {  	[sflag:s22] =	ssyncadd.s32 s5;
	_ =	sdelay $0x1  }
0xa2: {  	s23 =	simm.s32 $0x1B8B  }
0xa3: {  	_ =	swait.ge [sflag:s23], $0x1  }
0xa4: {  	[sflag:s23] =	ssyncset.done $0x0  }
0xa5: {  	s25 =	simm.s32 $0x1B8E;
	s24 =	sld [smem:$0x3FFE];
	[sflag:s23] =	ssyncadd.s32 $0xFFFFFFFF  }
0xa6: {  	s26 =	simm.s32 $execute0_lowered;
	[smem:$0x3FD2] =	sst s25  }
0xa7: {  	s6 =	sshll.u32 s26, $0x1;
	_ =	strace $0x80000046;
	[dreg:$0x1] =	wrdreg $0xFFFFFFFF  }
0xa8: {  	s28 =	simm.s32 $_size_execute0_lowered;
	s4 =	sadd.s32 s4, s6;
	[dreg:$0x0] =	wrdreg $0x0  }
0xa9: {  	s6 =	sshll.u32 s28, $0x1;
	[dreg:$0x2] =	wrdreg s4  }
0xaa: {  	[dreg:$0x3] =	wrdreg s6  }
0xab: {  	[dreg:$0x4] =	wrdreg $0xC0  }
0xac: {  	_ =	task [dreg:s8], $0x5FFFF  }
0xad: {  	[dreg:$0x1] =	wrdreg $0xFFFFFFFF  }
0xae: {  	[dreg:$0x0] =	wrdreg $0x60  }
0xaf: {  	[dreg:$0x2] =	wrdreg s18  }
0xb0: {  	[dreg:$0x3] =	wrdreg s24  }
0xb1: {  	[dreg:$0x4] =	wrdreg s2  }
0xb2: {  	[dreg:$0x5] =	wrdreg $0x58000  }
0xb3: {  	[dreg:$0x6] =	wrdreg $0x9  }
0xb4: {  	_ =	task.clear_ibuf [dreg:s8], $0x7FFFF;
	_ =	strace $0x90000046  }
0xb5: {  	s29 =	simm.s32 $0x9;
	_ =	strace $0x80000048  }
0xb6: {  	_ =	swait.ge [sflag:s29], $0x1  }
0xb7: {  	[sflag:s29] =	ssyncadd.s32 $0xFFFFFFFF  }
0xb8: {  	_ =	strace $0x90000048  }
0xb9: {  	_ =	sfence  }
0xba: {  	s30 =	sld [smem:$0x0];
	_ =	sdelay $0x2  }
0xbb: {  	s31 =	sshll.u32 s1, $0xD;
	s1 =	sshrl.u32 s1, $0x2  }
0xbc: {  	s3 =	sand.u32 $0x4000, s31;
	s1 =	sadd.s32 s1, s30  }
0xbd: {  	s0 =	sor.u32 s3, s0;
	s1 =	sshll.u32 s1, $0x11  }
0xbe: {  	s0 =	sor.u32 s1, s0  }
0xbf: {  	s0 =	sadd.s32 $0x8F2B, s0  }
0xc0: {  	[sflag:s0] =	ssyncadd.remote.s32 $0x1  }
0xc1: {  	_ =	sfence.sel $0xFFFF  }
0xc2: {  	[dreg:$0x0] =	wrdreg $0xFFFFFFFF;
	(pc) =	sbr.abs _section_cstart, $3  }
0xc3: {  	[dreg:$0x1] =	wrdreg $0xFFFFFFFF  }
0xc4: {  	_ =	task.clear_ibuf [dreg:s8], $0x2FFFF;
	_ =	strace $0x9FFFFFFF  }
0xc5: {  	(tm) =	ssettm $0x7FFFFFFF  }
tec
execute0_lowered:
.L_overlay_start_1:
0x0: {  	(tag) =	ssettag $0x1  }
0x1: {  	s0 =	rddreg [dreg:$0x0]  }
0x2: {  	s2 =	rddreg [dreg:$0x1]  }
0x3: {  	s4 =	rddreg [dreg:$0x2]  }
0x4: {  	s1 =	srdreg.scid;
	s5 =	rddreg [dreg:$0x3]  }
0x5: {  	s3 =	rddreg [dreg:$0x4];
	s6 =	simm.s32 $0x0;
	s19 =	simm.s32 $0x3000  }
0x6: {  	s20 =	simm.s32 $0x2;
	s21 =	simm.s32 $0x1000;
	s8 =	sand.u32 $0x1, s1  }
0x7: {  	s22 =	simm.s32 $0x2000;
	s1 =	stileid.u32;
	s7 =	smul.u32 $0x140000, s8  }
0x8: {  	s23 =	simm.s32 $0x50;
	s24 =	simm.s32 $0x1;
	s9 =	smul.u32 $0x14000, s1  }
0x9: {  	[smem:$0x7FF] =	sst s6;
	s10 =	smul.u32 $0x50000, s1;
	s31 =	ssub.s32 $0x2, s8  }
0xa: {  	_ =	strace $0x80000047;
	s12 =	sshll.u32 s8, $0x4;
	s11 =	sshrl.u32 s31, $0x1  }
0xb: {  	v0 =	vimm.f32 $0.0e+00;
	v1 =	vimm.s32 $0x0;
	s16 =	sor.u32 s1, s12;
	s9 =	sadd.s32 s9, s7;
	s7 =	sadd.s32 $0x14000, s2  }
0xc: {  	v2 =	vimm.s32 $0x1;
	v3 =	vimm.s32 $0x2;
	v4 =	vimm.s32 $0x3;
	s10 =	sshrl.u32 s10, $0x2;
	s18 =	ssub.s32 s31, s11;
	s16 =	smul.u32 $0x5000, s16  }
0xd: {  	v5 =	vimm.s32 $0x4;
	v6 =	vimm.s32 $0x5;
	v7 =	vimm.s32 $0x6;
	s9 =	sshrl.u32 s9, $0x3;
	s8 =	sadd.s32 s10, s5;
	s18 =	smax.u32 s18, $0x1  }
0xe: {  	v8 =	vimm.s32 $0x7;
	v9 =	vimm.s32 $0x8;
	v10 =	vimm.s32 $0x9;
	s17 =	sadd.s32 s9, s2;
	s9 =	sadd.s32 $0x2800, s8;
	s10 =	sadd.s32 $0x5000, s8  }
0xf: {  	v11 =	vimm.s32 $0xA;
	v12 =	vimm.s32 $0xB;
	v13 =	vimm.s32 $0xC;
	s11 =	sadd.s32 $0x7800, s8;
	s12 =	sadd.s32 $0xA000, s8;
	s13 =	sadd.s32 $0xC800, s8  }
0x10: {  	v14 =	vimm.s32 $0xD;
	v15 =	vimm.s32 $0xE;
	v16 =	vimm.s32 $0xF;
	s14 =	sadd.s32 $0xF000, s8;
	s15 =	sadd.s32 $0x11800, s8;
	s17 =	sadd.s32 $0x28000, s17  }
.LBB2_1:
0x11: {  	s25 =	simm.s32 $0x0;
	s26 =	simm.s32 $0x200  }
.LBB2_2:
0x12: {  	p0 =	sne.s32 s26, $0x9E00;
	[tilespmem:s25+$0x3070] =	vst v0  }
0x13: {  	[tilespmem:s25+$0x3000] =	vst v0  }
0x14: {  	[tilespmem:s25+$0x3010] =	vst v0  }
.Ltmp0:
0x15: {  	[tilespmem:s25+$0x3020] =	vst v0;
	(pc) =	sbr.rel @p0 .LBB2_2-.Ltmp0, $4  }
0x16: {  	[tilespmem:s25+$0x3030] =	vst v0  }
0x17: {  	[tilespmem:s25+$0x3040] =	vst v0  }
0x18: {  	[tilespmem:s25+$0x3050] =	vst v0  }
0x19: {  	[tilespmem:s25+$0x3060] =	vst v0;
	s25 =	sshra.s32 s26, $0x2;
	s26 =	sadd.s32 $0x200, s26  }
0x1a: {  	[tilespmem:s25+$0x3070] =	vst v0  }
0x1b: {  	[tilespmem:s25+$0x3000] =	vst v0  }
0x1c: {  	[tilespmem:s25+$0x3010] =	vst v0  }
0x1d: {  	[tilespmem:s25+$0x3020] =	vst v0  }
0x1e: {  	[tilespmem:s25+$0x3030] =	vst v0  }
0x1f: {  	[tilespmem:s25+$0x3040] =	vst v0  }
0x20: {  	[tilespmem:s25+$0x3050] =	vst v0  }
0x21: {  	[tilespmem:s25+$0x3060] =	vst v0  }
0x22: {  	[spmem:s8] =	stream.linear.scatter [tilespmem:s19], [sflag:$0x2], $0x2800, $0x38;
	[tilespmem:$0x19800] =	vst v63  }
0x23: {  	_ =	swait.ge [sflag:s20], $0x2800  }
0x24: {  	[sflag:s20] =	ssyncset.done $0x0  }
0x25: {  	[sflag:s20] =	ssyncadd.s32 $0xFFFFD800  }
0x26: {  	[spmem:s9] =	stream.linear.scatter [tilespmem:s19], [sflag:$0x2], $0x2800, $0x38;
	[tilespmem:$0x19800] =	vst v63  }
0x27: {  	_ =	swait.ge [sflag:s20], $0x2800  }
0x28: {  	[sflag:s20] =	ssyncset.done $0x0  }
0x29: {  	[sflag:s20] =	ssyncadd.s32 $0xFFFFD800  }
0x2a: {  	[spmem:s10] =	stream.linear.scatter [tilespmem:s19], [sflag:$0x2], $0x2800, $0x38;
	[tilespmem:$0x19800] =	vst v63  }
0x2b: {  	_ =	swait.ge [sflag:s20], $0x2800  }
0x2c: {  	[sflag:s20] =	ssyncset.done $0x0  }
0x2d: {  	[sflag:s20] =	ssyncadd.s32 $0xFFFFD800  }
0x2e: {  	[spmem:s11] =	stream.linear.scatter [tilespmem:s19], [sflag:$0x2], $0x2800, $0x38;
	[tilespmem:$0x19800] =	vst v63  }
0x2f: {  	_ =	swait.ge [sflag:s20], $0x2800  }
0x30: {  	[sflag:s20] =	ssyncset.done $0x0  }
0x31: {  	[sflag:s20] =	ssyncadd.s32 $0xFFFFD800  }
0x32: {  	[spmem:s12] =	stream.linear.scatter [tilespmem:s19], [sflag:$0x2], $0x2800, $0x38;
	[tilespmem:$0x19800] =	vst v63  }
0x33: {  	_ =	swait.ge [sflag:s20], $0x2800  }
0x34: {  	[sflag:s20] =	ssyncset.done $0x0  }
0x35: {  	[sflag:s20] =	ssyncadd.s32 $0xFFFFD800  }
0x36: {  	[spmem:s13] =	stream.linear.scatter [tilespmem:s19], [sflag:$0x2], $0x2800, $0x38;
	[tilespmem:$0x19800] =	vst v63  }
0x37: {  	_ =	swait.ge [sflag:s20], $0x2800  }
0x38: {  	[sflag:s20] =	ssyncset.done $0x0  }
0x39: {  	[sflag:s20] =	ssyncadd.s32 $0xFFFFD800  }
0x3a: {  	[spmem:s14] =	stream.linear.scatter [tilespmem:s19], [sflag:$0x2], $0x2800, $0x38;
	[tilespmem:$0x19800] =	vst v63  }
0x3b: {  	_ =	swait.ge [sflag:s20], $0x2800  }
0x3c: {  	[sflag:s20] =	ssyncset.done $0x0  }
0x3d: {  	[sflag:s20] =	ssyncadd.s32 $0xFFFFD800  }
0x3e: {  	[spmem:s15] =	stream.linear.scatter [tilespmem:s19], [sflag:$0x2], $0x2800, $0x38;
	[tilespmem:$0x19800] =	vst v63  }
0x3f: {  	_ =	swait.ge [sflag:s20], $0x2800  }
0x40: {  	[sflag:s20] =	ssyncset.done $0x0  }
0x41: {  	[sflag:s20] =	ssyncadd.s32 $0xFFFFD800  }
0x42: {  	s25 =	simm.s32 $0x0;
	s26 =	simm.s32 $0x0;
	[bflag:$0x0] =	sbarrier.arrive $0xFFFF  }
.LBB2_4:
0x43: {  	s28 =	sshll.u32 s26, $0xC  }
0x44: {  	s28 =	sadd.s32 s16, s28  }
0x45: {  	s28 =	sshrl.u32 s28, $0x3  }
0x46: {  	s29 =	sadd.s32 s0, s28  }
0x47: {  	[tilespmem:s25], [sflag:$0x2] =	stream.linear.gather [hbm4b:s29+s25], $0xC80, $0x38;
	[tilespmem:$0x19800] =	vst v63  }
0x48: {  	_ =	swait.ge [sflag:s20], $0xC80  }
0x49: {  	[sflag:s20] =	ssyncset.done $0x0  }
0x4a: {  	s31 =	sadd.s32 s2, s28;
	[sflag:s20] =	ssyncadd.s32 $0xFFFFF380  }
0x4b: {  	[tilespmem:s21], [sflag:$0x2] =	stream.linear.gather [hbm4b:s31+s25], $0xC80, $0x38;
	[tilespmem:$0x19800] =	vst v63  }
0x4c: {  	_ =	swait.ge [sflag:s20], $0xC80  }
0x4d: {  	[sflag:s20] =	ssyncset.done $0x0  }
0x4e: {  	s28 =	sadd.s32 s7, s28;
	[sflag:s20] =	ssyncadd.s32 $0xFFFFF380  }
0x4f: {  	[tilespmem:s22], [sflag:$0x2] =	stream.linear.gather [hbm4b:s28+s25], $0xC80, $0x38;
	[tilespmem:$0x19800] =	vst v63  }
0x50: {  	_ =	swait.ge [sflag:s20], $0xC80  }
0x51: {  	[sflag:s20] =	ssyncset.done $0x0  }
0x52: {  	s28 =	simm.s32 $0x0;
	[sflag:s20] =	ssyncadd.s32 $0xFFFFF380  }
.LBB2_5:
0x53: {  	s29 =	sshll.u32 s28, $0x7  }
0x54: {  	s30 =	sadd.s32 $0x1000, s29;
	s31 =	sadd.s32 $0x2000, s29  }
0x55: {  	[tilespmem:s19], [sflag:$0x1] =	stream.indirect.gather [hbm4b:s4+s23], $0x80, s30, s23, $0xb8;
	[tilespmem:$0x19800] =	vst v63  }
0x56: {  	v17 =	vmov s31;
	_ =	swait.ge [sflag:s24], $0x2800  }
0x57: {  	[sflag:s24] =	ssyncset.done $0x0  }
0x58: {  	s30 =	simm.s32 $0x0;
	[sflag:s24] =	ssyncadd.s32 $0xFFFFD800  }
.LBB2_6:
0x59: {  	s31 =	sshll.u32 s30, $0x4  }
0x5a: {  	s31 =	sand.u32 $0x3FFFFFF0, s31  }
0x5b: {  	v18 =	vld.idx.msk [tilespmem:v17+s31+$0x0 ss:$0x1], $0xffff;
	s31 =	sshll.u32 s30, $0xB  }
0x5c: {  	s31 =	sand.u32 $0x3FFFF800, s31  }
0x5d: {  	v19 =	vld [tilespmem:s31+$0x3000]  }
0x5e: {  	v20 =	vld [tilespmem:s31+$0x3010]  }
0x5f: {  	v21 =	vld [tilespmem:s31+$0x3020]  }
0x60: {  	v23 =	vld [tilespmem:s31+$0x3030];
	v22 =	vperm.xlane v18, v1  }
0x61: {  	v24 =	vld [tilespmem:s31+$0x3040]  }
0x62: {  	v25 =	vld [tilespmem:s31+$0x3050];
	v19 =	vmul.f32 v19, v22  }
0x63: {  	v26 =	vld [tilespmem:s31+$0x3060];
	v20 =	vmul.f32 v20, v22  }
0x64: {  	v43 =	vld [tilespmem:s31+$0x3070];
	[tilespmem:s31+$0x3000] =	vst v19;
	v19 =	vmul.f32 v21, v22  }
0x65: {  	v45 =	vld [tilespmem:s31+$0x3080];
	v44 =	vmul.f32 v23, v22;
	[tilespmem:s31+$0x3010] =	vst v20  }
0x66: {  	v46 =	vld [tilespmem:s31+$0x3090];
	[tilespmem:s31+$0x3020] =	vst v19;
	v19 =	vmul.f32 v24, v22  }
0x67: {  	v48 =	vld [tilespmem:s31+$0x30A0];
	v47 =	vmul.f32 v25, v22;
	[tilespmem:s31+$0x3030] =	vst v44  }
0x68: {  	v27 =	vld [tilespmem:s31+$0x30B0];
	v49 =	vperm.xlane v18, v2;
	[tilespmem:s31+$0x3040] =	vst v19;
	v19 =	vmul.f32 v26, v22  }
0x69: {  	v51 =	vld [tilespmem:s31+$0x30C0];
	v50 =	vmul.f32 v43, v22;
	[tilespmem:s31+$0x3050] =	vst v47  }
0x6a: {  	v52 =	vld [tilespmem:s31+$0x30D0];
	[tilespmem:s31+$0x3060] =	vst v19;
	v19 =	vmul.f32 v45, v49  }
0x6b: {  	v54 =	vld [tilespmem:s31+$0x30E0];
	v53 =	vmul.f32 v46, v49;
	[tilespmem:s31+$0x3070] =	vst v50  }
0x6c: {  	v55 =	vld [tilespmem:s31+$0x30F0];
	[tilespmem:s31+$0x3080] =	vst v19;
	v19 =	vmul.f32 v48, v49  }
0x6d: {  	v57 =	vld [tilespmem:s31+$0x3100];
	v56 =	vmul.f32 v27, v49;
	[tilespmem:s31+$0x3090] =	vst v53  }
0x6e: {  	v58 =	vld [tilespmem:s31+$0x3110];
	[tilespmem:s31+$0x30A0] =	vst v19;
	v19 =	vmul.f32 v51, v49  }
0x6f: {  	v60 =	vld [tilespmem:s31+$0x3120];
	v59 =	vmul.f32 v52, v49;
	[tilespmem:s31+$0x30B0] =	vst v56  }
0x70: {  	v62 =	vld [tilespmem:s31+$0x3130];
	v61 =	vperm.xlane v18, v3;
	[tilespmem:s31+$0x30C0] =	vst v19;
	v19 =	vmul.f32 v54, v49  }
0x71: {  	v28 =	vld [tilespmem:s31+$0x3140];
	v63 =	vmul.f32 v55, v49;
	[tilespmem:s31+$0x30D0] =	vst v59  }
0x72: {  	v29 =	vld [tilespmem:s31+$0x3150];
	[tilespmem:s31+$0x30E0] =	vst v19;
	v19 =	vmul.f32 v57, v61  }
0x73: {  	v31 =	vld [tilespmem:s31+$0x3160];
	v30 =	vmul.f32 v58, v61;
	[tilespmem:s31+$0x30F0] =	vst v63  }
0x74: {  	v32 =	vld [tilespmem:s31+$0x3170];
	[tilespmem:s31+$0x3100] =	vst v19;
	v19 =	vmul.f32 v60, v61  }
0x75: {  	v34 =	vld [tilespmem:s31+$0x3180];
	v33 =	vmul.f32 v62, v61;
	[tilespmem:s31+$0x3110] =	vst v30  }
0x76: {  	v35 =	vld [tilespmem:s31+$0x3190];
	[tilespmem:s31+$0x3120] =	vst v19;
	v19 =	vmul.f32 v28, v61  }
0x77: {  	v37 =	vld [tilespmem:s31+$0x31A0];
	v36 =	vmul.f32 v29, v61;
	[tilespmem:s31+$0x3130] =	vst v33  }
0x78: {  	v39 =	vld [tilespmem:s31+$0x31B0];
	v38 =	vperm.xlane v18, v4;
	[tilespmem:s31+$0x3140] =	vst v19;
	v19 =	vmul.f32 v31, v61  }
0x79: {  	v41 =	vld [tilespmem:s31+$0x31C0];
	v40 =	vmul.f32 v32, v61;
	[tilespmem:s31+$0x3150] =	vst v36  }
0x7a: {  	v45 =	vld [tilespmem:s31+$0x31F0];
	[tilespmem:s31+$0x3160] =	vst v19;
	v19 =	vmul.f32 v34, v38  }
0x7b: {  	v43 =	vmul.f32 v35, v38;
	[tilespmem:s31+$0x3170] =	vst v40;
	v44 =	vld [tilespmem:s31+$0x31E0]  }
0x7c: {  	v42 =	vld [tilespmem:s31+$0x31D0];
	[tilespmem:s31+$0x3180] =	vst v19;
	v19 =	vmul.f32 v37, v38  }
0x7d: {  	v46 =	vmul.f32 v39, v38;
	[tilespmem:s31+$0x3190] =	vst v43;
	v47 =	vld [tilespmem:s31+$0x3200]  }
0x7e: {  	v52 =	vld [tilespmem:s31+$0x3230];
	[tilespmem:s31+$0x31A0] =	vst v19;
	v19 =	vmul.f32 v41, v38  }
0x7f: {  	[tilespmem:s31+$0x31B0] =	vst v46;
	v50 =	vld [tilespmem:s31+$0x3220];
	v53 =	vmul.f32 v45, v38  }
0x80: {  	v55 =	vld [tilespmem:s31+$0x3250];
	v51 =	vperm.xlane v18, v5;
	[tilespmem:s31+$0x31C0] =	vst v19;
	v19 =	vmul.f32 v44, v38  }
0x81: {  	v49 =	vmul.f32 v42, v38;
	v54 =	vld [tilespmem:s31+$0x3240];
	[tilespmem:s31+$0x31F0] =	vst v53  }
0x82: {  	v58 =	vld [tilespmem:s31+$0x3270];
	[tilespmem:s31+$0x31E0] =	vst v19;
	v19 =	vmul.f32 v47, v51  }
0x83: {  	v59 =	vmul.f32 v52, v51;
	[tilespmem:s31+$0x31D0] =	vst v49;
	v57 =	vld [tilespmem:s31+$0x3260]  }
0x84: {  	v48 =	vld [tilespmem:s31+$0x3210];
	[tilespmem:s31+$0x3200] =	vst v19;
	v19 =	vmul.f32 v50, v51  }
0x85: {  	v62 =	vmul.f32 v55, v51;
	[tilespmem:s31+$0x3230] =	vst v59;
	v60 =	vld [tilespmem:s31+$0x3280]  }
0x86: {  	v40 =	vld [tilespmem:s31+$0x3310];
	[tilespmem:s31+$0x3220] =	vst v19;
	v19 =	vmul.f32 v54, v51  }
0x87: {  	v63 =	vld [tilespmem:s31+$0x32A0];
	v32 =	vmul.f32 v58, v51;
	[tilespmem:s31+$0x3250] =	vst v62  }
0x88: {  	v30 =	vperm.xlane v18, v6;
	v61 =	vld [tilespmem:s31+$0x3290];
	[tilespmem:s31+$0x3240] =	vst v19;
	v19 =	vmul.f32 v57, v51  }
0x89: {  	v33 =	vld [tilespmem:s31+$0x32C0];
	v43 =	vperm.xlane v18, v7;
	v56 =	vmul.f32 v48, v51;
	[tilespmem:s31+$0x3270] =	vst v32  }
0x8a: {  	v53 =	vld [tilespmem:s31+$0x3390];
	[tilespmem:s31+$0x3260] =	vst v19;
	v19 =	vmul.f32 v60, v30  }
0x8b: {  	v36 =	vld [tilespmem:s31+$0x32E0];
	v48 =	vmul.f32 v40, v43;
	[tilespmem:s31+$0x3210] =	vst v56  }
0x8c: {  	v31 =	vld [tilespmem:s31+$0x32B0];
	[tilespmem:s31+$0x3280] =	vst v19;
	v19 =	vmul.f32 v63, v30  }
0x8d: {  	v39 =	vld [tilespmem:s31+$0x3300];
	[tilespmem:s31+$0x3310] =	vst v48;
	v56 =	vperm.xlane v18, v8;
	v35 =	vmul.f32 v61, v30  }
0x8e: {  	v34 =	vld [tilespmem:s31+$0x32D0];
	[tilespmem:s31+$0x32A0] =	vst v19;
	v19 =	vmul.f32 v33, v30  }
0x8f: {  	v42 =	vld [tilespmem:s31+$0x3320];
	v61 =	vmul.f32 v53, v56;
	[tilespmem:s31+$0x3290] =	vst v35  }
0x90: {  	v37 =	vld [tilespmem:s31+$0x32F0];
	[tilespmem:s31+$0x32C0] =	vst v19;
	v19 =	vmul.f32 v36, v30  }
0x91: {  	v46 =	vld [tilespmem:s31+$0x3340];
	[tilespmem:s31+$0x3390] =	vst v61;
	v38 =	vmul.f32 v31, v30  }
0x92: {  	v47 =	vld [tilespmem:s31+$0x3350];
	[tilespmem:s31+$0x32E0] =	vst v19;
	v19 =	vmul.f32 v39, v43  }
0x93: {  	v49 =	vld [tilespmem:s31+$0x3360];
	v41 =	vmul.f32 v34, v30;
	[tilespmem:s31+$0x32B0] =	vst v38  }
0x94: {  	v38 =	vld [tilespmem:s31+$0x3450];
	[tilespmem:s31+$0x3300] =	vst v19;
	v19 =	vmul.f32 v42, v43  }
0x95: {  	v52 =	vld [tilespmem:s31+$0x3380];
	[tilespmem:s31+$0x32D0] =	vst v41;
	v45 =	vmul.f32 v37, v30  }
0x96: {  	v44 =	vld [tilespmem:s31+$0x3330];
	[tilespmem:s31+$0x3320] =	vst v19;
	v19 =	vmul.f32 v46, v43  }
0x97: {  	v55 =	vld [tilespmem:s31+$0x33A0];
	v34 =	vperm.xlane v18, v9;
	[tilespmem:s31+$0x32F0] =	vst v45;
	v54 =	vmul.f32 v47, v43  }
0x98: {  	v50 =	vld [tilespmem:s31+$0x3370];
	[tilespmem:s31+$0x3340] =	vst v19;
	v19 =	vmul.f32 v49, v43  }
0x99: {  	v59 =	vld [tilespmem:s31+$0x33C0];
	v45 =	vmul.f32 v38, v34;
	[tilespmem:s31+$0x3350] =	vst v54  }
0x9a: {  	v57 =	vld [tilespmem:s31+$0x33B0];
	[tilespmem:s31+$0x3360] =	vst v19;
	v19 =	vmul.f32 v52, v56  }
0x9b: {  	v62 =	vld [tilespmem:s31+$0x33E0];
	v51 =	vmul.f32 v44, v43;
	[tilespmem:s31+$0x3450] =	vst v45  }
0x9c: {  	v60 =	vld [tilespmem:s31+$0x33D0];
	[tilespmem:s31+$0x3380] =	vst v19;
	v19 =	vmul.f32 v55, v56  }
0x9d: {  	v58 =	vmul.f32 v50, v43;
	[tilespmem:s31+$0x3330] =	vst v51;
	v30 =	vld [tilespmem:s31+$0x3400]  }
0x9e: {  	v51 =	vld [tilespmem:s31+$0x34D0];
	[tilespmem:s31+$0x33A0] =	vst v19;
	v19 =	vmul.f32 v59, v56  }
0x9f: {  	[tilespmem:s31+$0x3370] =	vst v58;
	v29 =	vmul.f32 v57, v56;
	v33 =	vld [tilespmem:s31+$0x3420]  }
0xa0: {  	v63 =	vld [tilespmem:s31+$0x33F0];
	[tilespmem:s31+$0x33C0] =	vst v19;
	v19 =	vmul.f32 v62, v56  }
0xa1: {  	v37 =	vld [tilespmem:s31+$0x3440];
	v47 =	vperm.xlane v18, v10;
	[tilespmem:s31+$0x33B0] =	vst v29;
	v32 =	vmul.f32 v60, v56  }
0xa2: {  	v61 =	vld [tilespmem:s31+$0x3530];
	[tilespmem:s31+$0x33E0] =	vst v19;
	v19 =	vmul.f32 v30, v34  }
0xa3: {  	v40 =	vld [tilespmem:s31+$0x3460];
	v58 =	vmul.f32 v51, v47;
	[tilespmem:s31+$0x33D0] =	vst v32  }
0xa4: {  	v31 =	vld [tilespmem:s31+$0x3410];
	[tilespmem:s31+$0x3400] =	vst v19;
	v19 =	vmul.f32 v33, v34  }
0xa5: {  	v60 =	vperm.xlane v18, v11;
	v36 =	vmul.f32 v63, v56;
	[tilespmem:s31+$0x34D0] =	vst v58;
	v43 =	vld [tilespmem:s31+$0x3480]  }
0xa6: {  	v57 =	vld [tilespmem:s31+$0x3510];
	[tilespmem:s31+$0x3420] =	vst v19;
	v19 =	vmul.f32 v37, v34  }
0xa7: {  	v32 =	vmul.f32 v61, v60;
	[tilespmem:s31+$0x33F0] =	vst v36;
	v46 =	vld [tilespmem:s31+$0x34A0]  }
0xa8: {  	v35 =	vld [tilespmem:s31+$0x3430];
	[tilespmem:s31+$0x3440] =	vst v19;
	v19 =	vmul.f32 v40, v34  }
0xa9: {  	v50 =	vld [tilespmem:s31+$0x34C0];
	v39 =	vmul.f32 v31, v34;
	[tilespmem:s31+$0x3530] =	vst v32  }
0xaa: {  	v28 =	vld [tilespmem:s31+$0x3550];
	[tilespmem:s31+$0x3460] =	vst v19;
	v19 =	vmul.f32 v43, v47  }
0xab: {  	v53 =	vld [tilespmem:s31+$0x34E0];
	v29 =	vmul.f32 v57, v60;
	[tilespmem:s31+$0x3410] =	vst v39  }
0xac: {  	v31 =	vld [tilespmem:s31+$0x3570];
	[tilespmem:s31+$0x3480] =	vst v19;
	v19 =	vmul.f32 v46, v47  }
0xad: {  	v42 =	vmul.f32 v35, v34;
	[tilespmem:s31+$0x3510] =	vst v29;
	v56 =	vld [tilespmem:s31+$0x3500]  }
0xae: {  	v41 =	vld [tilespmem:s31+$0x3470];
	[tilespmem:s31+$0x34A0] =	vst v19;
	v19 =	vmul.f32 v50, v47  }
0xaf: {  	v35 =	vmul.f32 v28, v60;
	[tilespmem:s31+$0x3430] =	vst v42;
	v59 =	vld [tilespmem:s31+$0x3520]  }
0xb0: {  	v44 =	vld [tilespmem:s31+$0x3490];
	[tilespmem:s31+$0x34C0] =	vst v19;
	v19 =	vmul.f32 v53, v47  }
0xb1: {  	v63 =	vld [tilespmem:s31+$0x3540];
	[tilespmem:s31+$0x3550] =	vst v35;
	v39 =	vmul.f32 v31, v60  }
0xb2: {  	v48 =	vld [tilespmem:s31+$0x34B0];
	[tilespmem:s31+$0x34E0] =	vst v19;
	v19 =	vmul.f32 v56, v60  }
0xb3: {  	v49 =	vmul.f32 v41, v34;
	[tilespmem:s31+$0x3570] =	vst v39;
	v30 =	vld [tilespmem:s31+$0x3560]  }
0xb4: {  	v54 =	vld [tilespmem:s31+$0x34F0];
	[tilespmem:s31+$0x3500] =	vst v19;
	v19 =	vmul.f32 v59, v60  }
0xb5: {  	[tilespmem:s31+$0x3470] =	vst v49;
	v52 =	vmul.f32 v44, v47;
	v33 =	vld [tilespmem:s31+$0x3580]  }
0xb6: {  	v38 =	vld [tilespmem:s31+$0x35B0];
	[tilespmem:s31+$0x3520] =	vst v19;
	v19 =	vmul.f32 v63, v60  }
0xb7: {  	v36 =	vld [tilespmem:s31+$0x35A0];
	[tilespmem:s31+$0x3490] =	vst v52;
	v55 =	vmul.f32 v48, v47  }
0xb8: {  	v41 =	vld [tilespmem:s31+$0x35D0];
	v37 =	vperm.xlane v18, v12;
	[tilespmem:s31+$0x3540] =	vst v19;
	v19 =	vmul.f32 v30, v60  }
0xb9: {  	[tilespmem:s31+$0x34B0] =	vst v55;
	v62 =	vmul.f32 v54, v47;
	v40 =	vld [tilespmem:s31+$0x35C0]  }
0xba: {  	v44 =	vld [tilespmem:s31+$0x35F0];
	[tilespmem:s31+$0x3560] =	vst v19;
	v19 =	vmul.f32 v33, v37  }
0xbb: {  	[tilespmem:s31+$0x34F0] =	vst v62;
	v45 =	vmul.f32 v38, v37;
	v43 =	vld [tilespmem:s31+$0x35E0]  }
0xbc: {  	v34 =	vld [tilespmem:s31+$0x3590];
	[tilespmem:s31+$0x3580] =	vst v19;
	v19 =	vmul.f32 v36, v37  }
0xbd: {  	v48 =	vmul.f32 v41, v37;
	[tilespmem:s31+$0x35B0] =	vst v45;
	v46 =	vld [tilespmem:s31+$0x3600]  }
0xbe: {  	v51 =	vld [tilespmem:s31+$0x3630];
	[tilespmem:s31+$0x35A0] =	vst v19;
	v19 =	vmul.f32 v40, v37  }
0xbf: {  	v49 =	vld [tilespmem:s31+$0x3620];
	v52 =	vmul.f32 v44, v37;
	[tilespmem:s31+$0x35D0] =	vst v48  }
0xc0: {  	v54 =	vld [tilespmem:s31+$0x3650];
	v50 =	vperm.xlane v18, v13;
	[tilespmem:s31+$0x35C0] =	vst v19;
	v19 =	vmul.f32 v43, v37  }
0xc1: {  	[tilespmem:s31+$0x35F0] =	vst v52;
	v42 =	vmul.f32 v34, v37;
	v53 =	vld [tilespmem:s31+$0x3640]  }
0xc2: {  	v57 =	vld [tilespmem:s31+$0x3670];
	[tilespmem:s31+$0x35E0] =	vst v19;
	v19 =	vmul.f32 v46, v50  }
0xc3: {  	[tilespmem:s31+$0x3590] =	vst v42;
	v58 =	vmul.f32 v51, v50;
	v56 =	vld [tilespmem:s31+$0x3660]  }
0xc4: {  	v47 =	vld [tilespmem:s31+$0x3610];
	[tilespmem:s31+$0x3600] =	vst v19;
	v19 =	vmul.f32 v49, v50  }
0xc5: {  	v61 =	vmul.f32 v54, v50;
	[tilespmem:s31+$0x3630] =	vst v58;
	v59 =	vld [tilespmem:s31+$0x3680]  }
0xc6: {  	v39 =	vld [tilespmem:s31+$0x3710];
	[tilespmem:s31+$0x3620] =	vst v19;
	v19 =	vmul.f32 v53, v50  }
0xc7: {  	v62 =	vld [tilespmem:s31+$0x36A0];
	v31 =	vmul.f32 v57, v50;
	[tilespmem:s31+$0x3650] =	vst v61  }
0xc8: {  	v63 =	vperm.xlane v18, v14;
	v60 =	vld [tilespmem:s31+$0x3690];
	[tilespmem:s31+$0x3640] =	vst v19;
	v19 =	vmul.f32 v56, v50  }
0xc9: {  	v32 =	vld [tilespmem:s31+$0x36C0];
	v42 =	vperm.xlane v18, v15;
	[tilespmem:s31+$0x3670] =	vst v31;
	v55 =	vmul.f32 v47, v50  }
0xca: {  	v33 =	vld [tilespmem:s31+$0x36D0];
	[tilespmem:s31+$0x3660] =	vst v19;
	v19 =	vmul.f32 v59, v63  }
0xcb: {  	v35 =	vld [tilespmem:s31+$0x36E0];
	v47 =	vmul.f32 v39, v42;
	[tilespmem:s31+$0x3610] =	vst v55  }
0xcc: {  	v30 =	vld [tilespmem:s31+$0x36B0];
	[tilespmem:s31+$0x3680] =	vst v19;
	v19 =	vmul.f32 v62, v63  }
0xcd: {  	v38 =	vld [tilespmem:s31+$0x3700];
	[tilespmem:s31+$0x3710] =	vst v47;
	v34 =	vmul.f32 v60, v63  }
0xce: {  	v36 =	vld [tilespmem:s31+$0x36F0];
	[tilespmem:s31+$0x36A0] =	vst v19;
	v19 =	vmul.f32 v32, v63  }
0xcf: {  	v41 =	vld [tilespmem:s31+$0x3720];
	[tilespmem:s31+$0x3690] =	vst v34;
	v40 =	vmul.f32 v33, v63  }
0xd0: {  	v46 =	vld [tilespmem:s31+$0x3750];
	[tilespmem:s31+$0x36C0] =	vst v19;
	v19 =	vmul.f32 v35, v63  }
0xd1: {  	v45 =	vld [tilespmem:s31+$0x3740];
	v37 =	vmul.f32 v30, v63;
	[tilespmem:s31+$0x36D0] =	vst v40  }
0xd2: {  	v43 =	vld [tilespmem:s31+$0x3730];
	[tilespmem:s31+$0x36E0] =	vst v19;
	v19 =	vmul.f32 v38, v42  }
0xd3: {  	v48 =	vld [tilespmem:s31+$0x3760];
	v44 =	vmul.f32 v36, v63;
	[tilespmem:s31+$0x36B0] =	vst v37  }
0xd4: {  	v49 =	vld [tilespmem:s31+$0x3770];
	[tilespmem:s31+$0x3700] =	vst v19;
	v19 =	vmul.f32 v41, v42  }
0xd5: {  	v51 =	vld [tilespmem:s31+$0x3780];
	[tilespmem:s31+$0x36F0] =	vst v44;
	v53 =	vmul.f32 v46, v42  }
0xd6: {  	v52 =	vld [tilespmem:s31+$0x3790];
	[tilespmem:s31+$0x3720] =	vst v19;
	v19 =	vmul.f32 v45, v42  }
0xd7: {  	v54 =	vld [tilespmem:s31+$0x37A0];
	v50 =	vmul.f32 v43, v42;
	[tilespmem:s31+$0x3750] =	vst v53  }
0xd8: {  	v18 =	vperm.xlane v18, v16;
	v55 =	vld [tilespmem:s31+$0x37B0];
	[tilespmem:s31+$0x3740] =	vst v19;
	v19 =	vmul.f32 v48, v42  }
0xd9: {  	v57 =	vld [tilespmem:s31+$0x37C0];
	v56 =	vmul.f32 v49, v42;
	[tilespmem:s31+$0x3730] =	vst v50  }
0xda: {  	v58 =	vld [tilespmem:s31+$0x37D0];
	[tilespmem:s31+$0x3760] =	vst v19;
	v19 =	vmul.f32 v51, v18  }
0xdb: {  	v60 =	vld [tilespmem:s31+$0x37E0];
	v59 =	vmul.f32 v52, v18;
	[tilespmem:s31+$0x3770] =	vst v56  }
0xdc: {  	v61 =	vld [tilespmem:s31+$0x37F0];
	[tilespmem:s31+$0x3780] =	vst v19;
	v19 =	vmul.f32 v54, v18  }
0xdd: {  	[tilespmem:s31+$0x3790] =	vst v59;
	v62 =	vmul.f32 v55, v18  }
0xde: {  	p0 =	sne.s32 s30, $0x4;
	[tilespmem:s31+$0x37A0] =	vst v19;
	v19 =	vmul.f32 v57, v18  }
.Ltmp1:
0xdf: {  	[tilespmem:s31+$0x37B0] =	vst v62;
	v63 =	vmul.f32 v58, v18;
	(pc) =	sbr.rel @p0 .LBB2_6-.Ltmp1, $4  }
0xe0: {  	[tilespmem:s31+$0x37C0] =	vst v19;
	v19 =	vmul.f32 v60, v18  }
0xe1: {  	[tilespmem:s31+$0x37D0] =	vst v63;
	v18 =	vmul.f32 v61, v18  }
0xe2: {  	[tilespmem:s31+$0x37E0] =	vst v19  }
0xe3: {  	s30 =	sadd.s32 $0x1, s30;
	[tilespmem:s31+$0x37F0] =	vst v18  }
0xe4: {  	s28 =	sadd.s32 $0x1, s28  }
0xe5: {  	p0 =	sne.s32 s28, $0x19  }
.Ltmp2:
0xe6: {  	_ = 	snop;
	(pc) =	sbr.rel @p0 .LBB2_5-.Ltmp2, $4  }
0xe7: {  	[spmem:s5] =	stream.indirect.scatter.add.f32 [tilespmem:s19], [sflag:$0x2], $0x80, s29, s23, $0xb8;
	[tilespmem:$0x19800] =	vst v63  }
0xe8: {  	_ =	swait.ge [sflag:s20], $0x2800  }
0xe9: {  	[sflag:s20] =	ssyncset.done $0x0  }
0xea: {  	[sflag:s20] =	ssyncadd.s32 $0xFFFFD800  }
0xeb: {  	s26 =	sadd.s32 $0x1, s26  }
0xec: {  	p0 =	sne.s32 s26, $0x5  }
.Ltmp3:
0xed: {  	_ = 	snop;
	(pc) =	sbr.rel @p0 .LBB2_4-.Ltmp3, $1  }
0xee: {  	_ =	sdelay $0x3  }
0xef: {  	s6 =	sadd.s32 $0x1, s6  }
0xf0: {  	s25 =	sshll.u32 s1, $0x6;
	[bflag:$0x0] =	sbarrier.arrive $0xFFFF;
	p0 =	sne.s32 s6, s18  }
.Ltmp4:
0xf1: {  	s26 =	sshrl.u32 s8, $0x3;
	s25 =	sor.u32 $0x1C02, s25;
	(pc) =	sbr.rel @p0 .LBB2_1-.Ltmp4, $4  }
0xf2: {  	[hbm:s17], [sflag:s25] =	dma.local [spmem:s26], $0x2800  }
0xf3: {  	_ =	swait.ge [sflag:s20], $0x2800  }
0xf4: {  	[sflag:s20] =	ssyncset.done $0x0  }
0xf5: {  	[sflag:s20] =	ssyncadd.s32 $0xFFFFD800  }
0xf6: {  	_ =	sfence.sel $0x180000  }
0xf7: {  	[bflag:$0x0] =	sbarrier.arrive $0xFFFF  }
0xf8: {  	p0 =	sne.s32 s1, $0x0;
	_ =	strace $0x90000047  }
0xf9: {  	s0 =	sadd.s32 @!p0 $0x100000, s3;
	[bflag:$0x2] =	sbarrier.arrive $0xFFFF  }
0xfa: {  	[sflag:s0] =	ssyncadd.tile.s32 @!p0 $0x1;
	_ =	shalt  }
.Lfunc_end2:
_tile_overlayer_lowered:
.L_overlay_start_2:
0xfb: {  	(tag) =	ssettag $0x2  }
0xfc: {  	s0 =	rddreg [dreg:$0x0];
	s2 =	stileid.u32  }
0xfd: {  	s1 =	rddreg [dreg:$0x1];
	p0 =	sne.s32 s2, $0x0  }
0xfe: {  	s3 =	rddreg [dreg:$0x2];
	[bflag:$0x3] =	sbarrier.arrive $0xFFFF;
	s2 =	simm.s32 @!p0 $0x1C02  }
0xff: {  	[timem:s3], [sflag:s2] =	dma.local @!p0 [hbm:s0], s1  }
0x100: {  	s0 =	simm.s32 @!p0 $0x2  }
0x101: {  	_ =	swait.ge @!p0 [sflag:s0], s1  }
0x102: {  	s1 =	ssub.s32 @!p0 $0x0, s1;
	[sflag:s0] =	ssyncset.done @!p0 $0x0  }
0x103: {  	[sflag:s0] =	ssyncadd.s32 @!p0 s1  }
0x104: {  	[bflag:$0x3] =	sbarrier.arrive $0xFFFF  }
0x105: {  	_ =	shalt  }

</sc_bundles>
